<compile_context>
chip_gen: v7x
topology: tpu7x:2x2x1
jax: 0.10.2.dev20260603
libtpu: 0.0.44.dev20260713+nightly
codegen_flags: <defaults>
</compile_context>

<pallas_src>
import functools

import jax
import jax.numpy as jnp
from jax import lax
from jax.experimental import pallas as pl
from jax.experimental.pallas import tpu as pltpu
from jax.experimental.pallas import tpu_sc as plsc

_B = 16
_H = 32
_W = 32
_HW = _H * _W
_C = 256
_NC = 2
_NS = 16
_NW = _NC * _NS
_RPW = (2 * _C) // _NW
_L = 16
_TAB = 40


def _sc_body(row_hbm, col_hbm, pose_hbm, out_m, out_p, tab_v, buf_v, pbuf_v,
             ptab_v, sem):
    cid = lax.axis_index("c")
    sid = lax.axis_index("s")
    wid = sid * _NC + cid
    iota = jax.lax.iota(jnp.int32, _L)
    is_col = wid < _NS * _NC // 2

    @pl.when(is_col)
    def _col_rows():
        pltpu.sync_copy(col_hbm.at[pl.ds(0, _TAB)], tab_v)
        for r in range(_RPW):
            c = wid * _RPW + r
            cvec = jnp.full((_L,), 0, jnp.int32) + c
            lo = plsc.load_gather(tab_v, [iota + 1, cvec])
            hi = plsc.load_gather(tab_v, [iota + 1 + _L, cvec])

            def _tile(t, carry, r=r, lo=lo, hi=hi):
                buf_v[r, pl.ds(t * _W, _L)] = lo
                buf_v[r, pl.ds(t * _W + _L, _L)] = hi
                return carry

            lax.fori_loop(0, _H, _tile, 0)

    @pl.when(jnp.logical_not(is_col))
    def _row_rows():
        pltpu.sync_copy(row_hbm.at[pl.ds(0, _TAB)], tab_v)
        for r in range(_RPW):
            cr = wid * _RPW + r - _C

            def _span(y, carry, r=r, cr=cr):
                yvec = jnp.full((_L,), 1, jnp.int32) + y
                crvec = jnp.full((_L,), 0, jnp.int32) + cr
                vec = plsc.load_gather(tab_v, [yvec, crvec])
                buf_v[r, pl.ds(y * _W, _L)] = vec
                buf_v[r, pl.ds(y * _W + _L, _L)] = vec
                return carry

            lax.fori_loop(0, _H, _span, 0)

    copies = [
        pltpu.async_copy(buf_v, out_m.at[b, pl.ds(wid * _RPW, _RPW)], sem)
        for b in range(_B)
    ]
    for cp in copies:
        cp.wait()

    @pl.when(wid == 0)
    def _pose():
        pltpu.sync_copy(pose_hbm.at[pl.ds(0, 8)], ptab_v)
        for k in range(_C // _L):
            v = ptab_v[0, pl.ds(k * _L, _L)]
            pbuf_v[pl.ds(k * _L, _L)] = v
            pbuf_v[pl.ds(_C + k * _L, _L)] = v
        for b in range(_B):
            pltpu.sync_copy(pbuf_v, out_p.at[pl.ds(b * 2 * _C, 2 * _C)])


@jax.jit
def _sc_call(row_embed, col_embed, pose_token_embed):
    mesh = plsc.VectorSubcoreMesh(core_axis_name="c", subcore_axis_name="s")
    run = pl.kernel(
        _sc_body,
        out_type=[
            jax.ShapeDtypeStruct((_B, 2 * _C, _HW), jnp.float32),
            jax.ShapeDtypeStruct((_B * 2 * _C,), jnp.float32),
        ],
        mesh=mesh,
        scratch_types=[
            pltpu.VMEM((_TAB, _C), jnp.float32),
            pltpu.VMEM((_RPW, _HW), jnp.float32),
            pltpu.VMEM((2 * _C,), jnp.float32),
            pltpu.VMEM((8, _C), jnp.float32),
            pltpu.SemaphoreType.DMA,
        ],
        compiler_params=pltpu.CompilerParams(
            use_tc_tiling_on_sc=False, needs_layout_passes=False
        ),
    )
    return run(row_embed, col_embed, pose_token_embed)


def kernel(x, row_embed, col_embed, pose_token_embed):
    m_flat, p_flat = _sc_call(row_embed, col_embed, pose_token_embed)
    b = x.shape[0]
    h, w = x.shape[-2], x.shape[-1]
    return jnp.reshape(p_flat, (b, 2 * _C)), jnp.reshape(m_flat, (b, 2 * _C, h, w))

# --- scband reference (transcript-rebuilt; emitter-appended) ---
"""Pipeline reference for scband-position-embedding-learned-with-pose-token-31542239822304 (READ-ONLY COPY).

The authoritative reference and input builder live on the scoring server;
editing this copy changes nothing except your own understanding.
"""

import jax, jax.numpy as jnp
import numpy as np


def setup_inputs(seed: int = 0) -> dict:
    key = jax.random.key(seed)
    k1, k2, k3, k4 = jax.random.split(key, 4)
    x = jax.random.normal(k1, (16, 384, 32, 32), dtype=jnp.float32)
    row_embed = jax.random.uniform(k2, (60, 256), dtype=jnp.float32)
    col_embed = jax.random.uniform(k3, (60, 256), dtype=jnp.float32)
    pose_token_embed = jax.random.uniform(k4, (60, 256), dtype=jnp.float32)
    return {"x": x, "row_embed": row_embed, "col_embed": col_embed, "pose_token_embed": pose_token_embed}


def reference(x, row_embed, col_embed, pose_token_embed):
    B = x.shape[0]
    h, w = x.shape[-2], x.shape[-1]
    i = jnp.arange(w) + 1
    j = jnp.arange(h) + 1
    p = i[0] - 1
    x_emb = jnp.take(col_embed, i, axis=0)
    y_emb = jnp.take(row_embed, j, axis=0)
    p_vec = jnp.take(pose_token_embed, p, axis=0)
    p_emb = jnp.tile(jnp.concatenate([p_vec, p_vec], axis=0)[None, :], (B, 1))
    m = jnp.concatenate([
        jnp.tile(x_emb[None, :, :], (h, 1, 1)),
        jnp.tile(y_emb[:, None, :], (1, w, 1)),
    ], axis=-1)
    m_emb = jnp.tile(jnp.transpose(m, (2, 0, 1))[None, :, :, :], (B, 1, 1, 1))
    return (p_emb, m_emb)

if __name__ == "__main__":
    import jax
    _d = setup_inputs()
    print(jax.jit(kernel)(*tuple(_d.values())))

</pallas_src>

<mosaic_0001>
#map = affine_map<(d0, d1) -> (0, 0)>
#map1 = affine_map<(d0, d1) -> (0, 0, 0)>
#map2 = affine_map<(d0, d1) -> (0)>
module attributes {stable_mosaic.version = 14 : i64} {
  func.func @_sc_body(%arg0: i32, %arg1: i32, %arg2: memref<60x256xf32, #tpu.memory_space<hbm>>, %arg3: memref<60x256xf32, #tpu.memory_space<hbm>>, %arg4: memref<60x256xf32, #tpu.memory_space<hbm>>, %arg5: memref<16x512x1024xf32, #tpu.memory_space<hbm>>, %arg6: memref<8192xf32, #tpu.memory_space<hbm>>, %arg7: memref<40x256xf32, #tpu.memory_space<vmem>>, %arg8: memref<16x1024xf32, #tpu.memory_space<vmem>>, %arg9: memref<512xf32, #tpu.memory_space<vmem>>, %arg10: memref<8x256xf32, #tpu.memory_space<vmem>>, %arg11: memref<!tpu.dma_semaphore, #tpu.memory_space<semaphore_mem>>) attributes {dimension_semantics = [#tpu.dimension_semantics<core_parallel>, #tpu.dimension_semantics<subcore_parallel>], iteration_bounds = array<i64: 2, 16>, scalar_prefetch = 0 : i64, scratch_operands = 5 : i64, tpu.core_type = #tpu.core_type<sc_vector_subcore>, window_params = [{transform_indices = #map}, {transform_indices = #map}, {transform_indices = #map}, {transform_indices = #map1}, {transform_indices = #map2}]} {
    %mul3A = arith.constant 2 : i32
    %mul3A_0 = arith.muli %arg1, %mul3A : i32
    %add3A = arith.addi %mul3A_0, %arg0 : i32
    %iota3A = tpu.iota {dimensions = array<i32: 0>} : vector<16xi32>
    %lt3A = arith.constant 16 : i32
    %lt3A_1 = arith.cmpi slt, %add3A, %lt3A : i32
    %convert_element_type3A = arith.extui %lt3A_1 : i1 to i32
    %cond3A = arith.constant 0 : i32
    %cond3A_2 = arith.cmpi ne, %convert_element_type3A, %cond3A : i32
    scf.if %cond3A_2 {
      "tpu.region"() ({
        %run_scoped3A = tpu.sem_alloc : memref<!tpu.dma_semaphore, #tpu.memory_space<semaphore_mem>>
        %dma_start3A_662 = arith.constant 0 : i32
        %dma_start3A_663 = arith.constant 0 : i32
        %dma_start3A_664 = tpu.memref_slice %arg3[%dma_start3A_662, %dma_start3A_663] : memref<60x256xf32, #tpu.memory_space<hbm>> -> memref<40x256xf32, #tpu.memory_space<hbm>>
        %dma_start3A_665 = arith.constant 0 : i32
        %dma_start3A_666 = arith.constant 0 : i32
        %dma_start3A_667 = tpu.memref_slice %arg3[%dma_start3A_665, %dma_start3A_666] : memref<60x256xf32, #tpu.memory_space<hbm>> -> memref<40x256xf32, #tpu.memory_space<hbm>>
        tpu.enqueue_dma source(%dma_start3A_667 : memref<40x256xf32, #tpu.memory_space<hbm>>) target(%arg7 : memref<40x256xf32, #tpu.memory_space<vmem>>) target_semaphore(%run_scoped3A : memref<!tpu.dma_semaphore, #tpu.memory_space<semaphore_mem>>)
        %dma_wait3A_668 = arith.constant 0 : i32
        %dma_wait3A_669 = arith.constant 0 : i32
        %dma_wait3A_670 = tpu.memref_slice %arg3[%dma_wait3A_668, %dma_wait3A_669] : memref<60x256xf32, #tpu.memory_space<hbm>> -> memref<40x256xf32, #tpu.memory_space<hbm>>
        %dma_wait3A_671 = arith.constant 0 : i32
        %dma_wait3A_672 = arith.constant 0 : i32
        %dma_wait3A_673 = tpu.memref_slice %arg3[%dma_wait3A_671, %dma_wait3A_672] : memref<60x256xf32, #tpu.memory_space<hbm>> -> memref<40x256xf32, #tpu.memory_space<hbm>>
        tpu.wait_dma2 semaphore(%run_scoped3A : memref<!tpu.dma_semaphore, #tpu.memory_space<semaphore_mem>>) src(%dma_wait3A_673 : memref<40x256xf32, #tpu.memory_space<hbm>>) dst(%arg7 : memref<40x256xf32, #tpu.memory_space<vmem>>)
        tpu.yield
      }) : () -> ()
      %mul3A_265 = arith.constant 16 : i32
      %mul3A_266 = arith.muli %add3A, %mul3A_265 : i32
      %add3A_267 = arith.constant 0 : i32
      %add3A_268 = arith.addi %mul3A_266, %add3A_267 : i32
      %broadcast_in_dim3A = arith.constant 0 : i32
      %broadcast_in_dim3A_269 = vector.broadcast %broadcast_in_dim3A : i32 to vector<16xi32>
      %add3A_270 = vector.broadcast %add3A_268 : i32 to vector<16xi32>
      %add3A_271 = arith.addi %broadcast_in_dim3A_269, %add3A_270 : vector<16xi32>
      %add3A_272 = arith.constant 1 : i32
      %add3A_273 = vector.broadcast %add3A_272 : i32 to vector<16xi32>
      %add3A_274 = arith.addi %iota3A, %add3A_273 : vector<16xi32>
      %gather3A = tpu.vector_load_idx %arg7[%add3A_274, %add3A_271] : memref<40x256xf32, #tpu.memory_space<vmem>>[vector<16xi32>, vector<16xi32>], vector<16xf32>,
      %add3A_275 = arith.constant 1 : i32
      %add3A_276 = vector.broadcast %add3A_275 : i32 to vector<16xi32>
      %add3A_277 = arith.addi %iota3A, %add3A_276 : vector<16xi32>
      %add3A_278 = arith.constant 16 : i32
      %add3A_279 = vector.broadcast %add3A_278 : i32 to vector<16xi32>
      %add3A_280 = arith.addi %add3A_277, %add3A_279 : vector<16xi32>
      %gather3A_281 = tpu.vector_load_idx %arg7[%add3A_280, %add3A_271] : memref<40x256xf32, #tpu.memory_space<vmem>>[vector<16xi32>, vector<16xi32>], vector<16xf32>,
      %scan3A = arith.constant 0 : i32
      %scan3A_282 = arith.constant 0 : i32
      %scan3A_283 = arith.constant 32 : i32
      %scan3A_284 = arith.addi %scan3A_282, %scan3A_283 : i32
      %scan3A_285 = arith.constant 1 : i32
      scf.for %scan3A_662 = %scan3A_282 to %scan3A_284 step %scan3A_285  : i32 {
        %mul3A_663 = arith.constant 32 : i32
        %mul3A_664 = arith.muli %scan3A_662, %mul3A_663 : i32
        %swap3A = arith.constant 0 : i32
        %swap3A_665 = arith.index_cast %swap3A : i32 to index
        %swap3A_666 = arith.index_cast %mul3A_664 : i32 to index
        %swap3A_667 = tpu.vector_load %arg8[%swap3A_665, %swap3A_666] {strides = array<i32>} : memref<16x1024xf32, #tpu.memory_space<vmem>>, vector<16xf32>,
        tpu.vector_store %arg8[%swap3A_665, %swap3A_666], %gather3A {strides = array<i32>} : memref<16x1024xf32, #tpu.memory_space<vmem>>, vector<16xf32>,
        %mul3A_668 = arith.constant 32 : i32
        %mul3A_669 = arith.muli %scan3A_662, %mul3A_668 : i32
        %add3A_670 = arith.constant 16 : i32
        %add3A_671 = arith.addi %mul3A_669, %add3A_670 : i32
        %swap3A_672 = arith.constant 0 : i32
        %swap3A_673 = arith.index_cast %swap3A_672 : i32 to index
        %swap3A_674 = arith.index_cast %add3A_671 : i32 to index
        %swap3A_675 = tpu.vector_load %arg8[%swap3A_673, %swap3A_674] {strides = array<i32>} : memref<16x1024xf32, #tpu.memory_space<vmem>>, vector<16xf32>,
        tpu.vector_store %arg8[%swap3A_673, %swap3A_674], %gather3A_281 {strides = array<i32>} : memref<16x1024xf32, #tpu.memory_space<vmem>>, vector<16xf32>,
      }
      %scan3A_286 = arith.constant 32 : i32
      %mul3A_287 = arith.constant 16 : i32
      %mul3A_288 = arith.muli %add3A, %mul3A_287 : i32
      %add3A_289 = arith.constant 1 : i32
      %add3A_290 = arith.addi %mul3A_288, %add3A_289 : i32
      %broadcast_in_dim3A_291 = arith.constant 0 : i32
      %broadcast_in_dim3A_292 = vector.broadcast %broadcast_in_dim3A_291 : i32 to vector<16xi32>
      %add3A_293 = vector.broadcast %add3A_290 : i32 to vector<16xi32>
      %add3A_294 = arith.addi %broadcast_in_dim3A_292, %add3A_293 : vector<16xi32>
      %add3A_295 = arith.constant 1 : i32
      %add3A_296 = vector.broadcast %add3A_295 : i32 to vector<16xi32>
      %add3A_297 = arith.addi %iota3A, %add3A_296 : vector<16xi32>
      %gather3A_298 = tpu.vector_load_idx %arg7[%add3A_297, %add3A_294] : memref<40x256xf32, #tpu.memory_space<vmem>>[vector<16xi32>, vector<16xi32>], vector<16xf32>,
      %add3A_299 = arith.constant 1 : i32
      %add3A_300 = vector.broadcast %add3A_299 : i32 to vector<16xi32>
      %add3A_301 = arith.addi %iota3A, %add3A_300 : vector<16xi32>
      %add3A_302 = arith.constant 16 : i32
      %add3A_303 = vector.broadcast %add3A_302 : i32 to vector<16xi32>
      %add3A_304 = arith.addi %add3A_301, %add3A_303 : vector<16xi32>
      %gather3A_305 = tpu.vector_load_idx %arg7[%add3A_304, %add3A_294] : memref<40x256xf32, #tpu.memory_space<vmem>>[vector<16xi32>, vector<16xi32>], vector<16xf32>,
      %scan3A_306 = arith.constant 0 : i32
      %scan3A_307 = arith.constant 0 : i32
      %scan3A_308 = arith.constant 32 : i32
      %scan3A_309 = arith.addi %scan3A_307, %scan3A_308 : i32
      %scan3A_310 = arith.constant 1 : i32
      scf.for %scan3A_662 = %scan3A_307 to %scan3A_309 step %scan3A_310  : i32 {
        %mul3A_663 = arith.constant 32 : i32
        %mul3A_664 = arith.muli %scan3A_662, %mul3A_663 : i32
        %swap3A = arith.constant 1 : i32
        %swap3A_665 = arith.index_cast %swap3A : i32 to index
        %swap3A_666 = arith.index_cast %mul3A_664 : i32 to index
        %swap3A_667 = tpu.vector_load %arg8[%swap3A_665, %swap3A_666] {strides = array<i32>} : memref<16x1024xf32, #tpu.memory_space<vmem>>, vector<16xf32>,
        tpu.vector_store %arg8[%swap3A_665, %swap3A_666], %gather3A_298 {strides = array<i32>} : memref<16x1024xf32, #tpu.memory_space<vmem>>, vector<16xf32>,
        %mul3A_668 = arith.constant 32 : i32
        %mul3A_669 = arith.muli %scan3A_662, %mul3A_668 : i32
        %add3A_670 = arith.constant 16 : i32
        %add3A_671 = arith.addi %mul3A_669, %add3A_670 : i32
        %swap3A_672 = arith.constant 1 : i32
        %swap3A_673 = arith.index_cast %swap3A_672 : i32 to index
        %swap3A_674 = arith.index_cast %add3A_671 : i32 to index
        %swap3A_675 = tpu.vector_load %arg8[%swap3A_673, %swap3A_674] {strides = array<i32>} : memref<16x1024xf32, #tpu.memory_space<vmem>>, vector<16xf32>,
        tpu.vector_store %arg8[%swap3A_673, %swap3A_674], %gather3A_305 {strides = array<i32>} : memref<16x1024xf32, #tpu.memory_space<vmem>>, vector<16xf32>,
      }
      %scan3A_311 = arith.constant 32 : i32
      %mul3A_312 = arith.constant 16 : i32
      %mul3A_313 = arith.muli %add3A, %mul3A_312 : i32
      %add3A_314 = arith.constant 2 : i32
      %add3A_315 = arith.addi %mul3A_313, %add3A_314 : i32
      %broadcast_in_dim3A_316 = arith.constant 0 : i32
      %broadcast_in_dim3A_317 = vector.broadcast %broadcast_in_dim3A_316 : i32 to vector<16xi32>
      %add3A_318 = vector.broadcast %add3A_315 : i32 to vector<16xi32>
      %add3A_319 = arith.addi %broadcast_in_dim3A_317, %add3A_318 : vector<16xi32>
      %add3A_320 = arith.constant 1 : i32
      %add3A_321 = vector.broadcast %add3A_320 : i32 to vector<16xi32>
      %add3A_322 = arith.addi %iota3A, %add3A_321 : vector<16xi32>
      %gather3A_323 = tpu.vector_load_idx %arg7[%add3A_322, %add3A_319] : memref<40x256xf32, #tpu.memory_space<vmem>>[vector<16xi32>, vector<16xi32>], vector<16xf32>,
      %add3A_324 = arith.constant 1 : i32
      %add3A_325 = vector.broadcast %add3A_324 : i32 to vector<16xi32>
      %add3A_326 = arith.addi %iota3A, %add3A_325 : vector<16xi32>
      %add3A_327 = arith.constant 16 : i32
      %add3A_328 = vector.broadcast %add3A_327 : i32 to vector<16xi32>
      %add3A_329 = arith.addi %add3A_326, %add3A_328 : vector<16xi32>
      %gather3A_330 = tpu.vector_load_idx %arg7[%add3A_329, %add3A_319] : memref<40x256xf32, #tpu.memory_space<vmem>>[vector<16xi32>, vector<16xi32>], vector<16xf32>,
      %scan3A_331 = arith.constant 0 : i32
      %scan3A_332 = arith.constant 0 : i32
      %scan3A_333 = arith.constant 32 : i32
      %scan3A_334 = arith.addi %scan3A_332, %scan3A_333 : i32
      %scan3A_335 = arith.constant 1 : i32
      scf.for %scan3A_662 = %scan3A_332 to %scan3A_334 step %scan3A_335  : i32 {
        %mul3A_663 = arith.constant 32 : i32
        %mul3A_664 = arith.muli %scan3A_662, %mul3A_663 : i32
        %swap3A = arith.constant 2 : i32
        %swap3A_665 = arith.index_cast %swap3A : i32 to index
        %swap3A_666 = arith.index_cast %mul3A_664 : i32 to index
        %swap3A_667 = tpu.vector_load %arg8[%swap3A_665, %swap3A_666] {strides = array<i32>} : memref<16x1024xf32, #tpu.memory_space<vmem>>, vector<16xf32>,
        tpu.vector_store %arg8[%swap3A_665, %swap3A_666], %gather3A_323 {strides = array<i32>} : memref<16x1024xf32, #tpu.memory_space<vmem>>, vector<16xf32>,
        %mul3A_668 = arith.constant 32 : i32
        %mul3A_669 = arith.muli %scan3A_662, %mul3A_668 : i32
        %add3A_670 = arith.constant 16 : i32
        %add3A_671 = arith.addi %mul3A_669, %add3A_670 : i32
        %swap3A_672 = arith.constant 2 : i32
        %swap3A_673 = arith.index_cast %swap3A_672 : i32 to index
        %swap3A_674 = arith.index_cast %add3A_671 : i32 to index
        %swap3A_675 = tpu.vector_load %arg8[%swap3A_673, %swap3A_674] {strides = array<i32>} : memref<16x1024xf32, #tpu.memory_space<vmem>>, vector<16xf32>,
        tpu.vector_store %arg8[%swap3A_673, %swap3A_674], %gather3A_330 {strides = array<i32>} : memref<16x1024xf32, #tpu.memory_space<vmem>>, vector<16xf32>,
      }
      %scan3A_336 = arith.constant 32 : i32
      %mul3A_337 = arith.constant 16 : i32
      %mul3A_338 = arith.muli %add3A, %mul3A_337 : i32
      %add3A_339 = arith.constant 3 : i32
      %add3A_340 = arith.addi %mul3A_338, %add3A_339 : i32
      %broadcast_in_dim3A_341 = arith.constant 0 : i32
      %broadcast_in_dim3A_342 = vector.broadcast %broadcast_in_dim3A_341 : i32 to vector<16xi32>
      %add3A_343 = vector.broadcast %add3A_340 : i32 to vector<16xi32>
      %add3A_344 = arith.addi %broadcast_in_dim3A_342, %add3A_343 : vector<16xi32>
      %add3A_345 = arith.constant 1 : i32
      %add3A_346 = vector.broadcast %add3A_345 : i32 to vector<16xi32>
      %add3A_347 = arith.addi %iota3A, %add3A_346 : vector<16xi32>
      %gather3A_348 = tpu.vector_load_idx %arg7[%add3A_347, %add3A_344] : memref<40x256xf32, #tpu.memory_space<vmem>>[vector<16xi32>, vector<16xi32>], vector<16xf32>,
      %add3A_349 = arith.constant 1 : i32
      %add3A_350 = vector.broadcast %add3A_349 : i32 to vector<16xi32>
      %add3A_351 = arith.addi %iota3A, %add3A_350 : vector<16xi32>
      %add3A_352 = arith.constant 16 : i32
      %add3A_353 = vector.broadcast %add3A_352 : i32 to vector<16xi32>
      %add3A_354 = arith.addi %add3A_351, %add3A_353 : vector<16xi32>
      %gather3A_355 = tpu.vector_load_idx %arg7[%add3A_354, %add3A_344] : memref<40x256xf32, #tpu.memory_space<vmem>>[vector<16xi32>, vector<16xi32>], vector<16xf32>,
      %scan3A_356 = arith.constant 0 : i32
      %scan3A_357 = arith.constant 0 : i32
      %scan3A_358 = arith.constant 32 : i32
      %scan3A_359 = arith.addi %scan3A_357, %scan3A_358 : i32
      %scan3A_360 = arith.constant 1 : i32
      scf.for %scan3A_662 = %scan3A_357 to %scan3A_359 step %scan3A_360  : i32 {
        %mul3A_663 = arith.constant 32 : i32
        %mul3A_664 = arith.muli %scan3A_662, %mul3A_663 : i32
        %swap3A = arith.constant 3 : i32
        %swap3A_665 = arith.index_cast %swap3A : i32 to index
        %swap3A_666 = arith.index_cast %mul3A_664 : i32 to index
        %swap3A_667 = tpu.vector_load %arg8[%swap3A_665, %swap3A_666] {strides = array<i32>} : memref<16x1024xf32, #tpu.memory_space<vmem>>, vector<16xf32>,
        tpu.vector_store %arg8[%swap3A_665, %swap3A_666], %gather3A_348 {strides = array<i32>} : memref<16x1024xf32, #tpu.memory_space<vmem>>, vector<16xf32>,
        %mul3A_668 = arith.constant 32 : i32
        %mul3A_669 = arith.muli %scan3A_662, %mul3A_668 : i32
        %add3A_670 = arith.constant 16 : i32
        %add3A_671 = arith.addi %mul3A_669, %add3A_670 : i32
        %swap3A_672 = arith.constant 3 : i32
        %swap3A_673 = arith.index_cast %swap3A_672 : i32 to index
        %swap3A_674 = arith.index_cast %add3A_671 : i32 to index
        %swap3A_675 = tpu.vector_load %arg8[%swap3A_673, %swap3A_674] {strides = array<i32>} : memref<16x1024xf32, #tpu.memory_space<vmem>>, vector<16xf32>,
        tpu.vector_store %arg8[%swap3A_673, %swap3A_674], %gather3A_355 {strides = array<i32>} : memref<16x1024xf32, #tpu.memory_space<vmem>>, vector<16xf32>,
      }
      %scan3A_361 = arith.constant 32 : i32
      %mul3A_362 = arith.constant 16 : i32
      %mul3A_363 = arith.muli %add3A, %mul3A_362 : i32
      %add3A_364 = arith.constant 4 : i32
      %add3A_365 = arith.addi %mul3A_363, %add3A_364 : i32
      %broadcast_in_dim3A_366 = arith.constant 0 : i32
      %broadcast_in_dim3A_367 = vector.broadcast %broadcast_in_dim3A_366 : i32 to vector<16xi32>
      %add3A_368 = vector.broadcast %add3A_365 : i32 to vector<16xi32>
      %add3A_369 = arith.addi %broadcast_in_dim3A_367, %add3A_368 : vector<16xi32>
      %add3A_370 = arith.constant 1 : i32
      %add3A_371 = vector.broadcast %add3A_370 : i32 to vector<16xi32>
      %add3A_372 = arith.addi %iota3A, %add3A_371 : vector<16xi32>
      %gather3A_373 = tpu.vector_load_idx %arg7[%add3A_372, %add3A_369] : memref<40x256xf32, #tpu.memory_space<vmem>>[vector<16xi32>, vector<16xi32>], vector<16xf32>,
      %add3A_374 = arith.constant 1 : i32
      %add3A_375 = vector.broadcast %add3A_374 : i32 to vector<16xi32>
      %add3A_376 = arith.addi %iota3A, %add3A_375 : vector<16xi32>
      %add3A_377 = arith.constant 16 : i32
      %add3A_378 = vector.broadcast %add3A_377 : i32 to vector<16xi32>
      %add3A_379 = arith.addi %add3A_376, %add3A_378 : vector<16xi32>
      %gather3A_380 = tpu.vector_load_idx %arg7[%add3A_379, %add3A_369] : memref<40x256xf32, #tpu.memory_space<vmem>>[vector<16xi32>, vector<16xi32>], vector<16xf32>,
      %scan3A_381 = arith.constant 0 : i32
      %scan3A_382 = arith.constant 0 : i32
      %scan3A_383 = arith.constant 32 : i32
      %scan3A_384 = arith.addi %scan3A_382, %scan3A_383 : i32
      %scan3A_385 = arith.constant 1 : i32
      scf.for %scan3A_662 = %scan3A_382 to %scan3A_384 step %scan3A_385  : i32 {
        %mul3A_663 = arith.constant 32 : i32
        %mul3A_664 = arith.muli %scan3A_662, %mul3A_663 : i32
        %swap3A = arith.constant 4 : i32
        %swap3A_665 = arith.index_cast %swap3A : i32 to index
        %swap3A_666 = arith.index_cast %mul3A_664 : i32 to index
        %swap3A_667 = tpu.vector_load %arg8[%swap3A_665, %swap3A_666] {strides = array<i32>} : memref<16x1024xf32, #tpu.memory_space<vmem>>, vector<16xf32>,
        tpu.vector_store %arg8[%swap3A_665, %swap3A_666], %gather3A_373 {strides = array<i32>} : memref<16x1024xf32, #tpu.memory_space<vmem>>, vector<16xf32>,
        %mul3A_668 = arith.constant 32 : i32
        %mul3A_669 = arith.muli %scan3A_662, %mul3A_668 : i32
        %add3A_670 = arith.constant 16 : i32
        %add3A_671 = arith.addi %mul3A_669, %add3A_670 : i32
        %swap3A_672 = arith.constant 4 : i32
        %swap3A_673 = arith.index_cast %swap3A_672 : i32 to index
        %swap3A_674 = arith.index_cast %add3A_671 : i32 to index
        %swap3A_675 = tpu.vector_load %arg8[%swap3A_673, %swap3A_674] {strides = array<i32>} : memref<16x1024xf32, #tpu.memory_space<vmem>>, vector<16xf32>,
        tpu.vector_store %arg8[%swap3A_673, %swap3A_674], %gather3A_380 {strides = array<i32>} : memref<16x1024xf32, #tpu.memory_space<vmem>>, vector<16xf32>,
      }
      %scan3A_386 = arith.constant 32 : i32
      %mul3A_387 = arith.constant 16 : i32
      %mul3A_388 = arith.muli %add3A, %mul3A_387 : i32
      %add3A_389 = arith.constant 5 : i32
      %add3A_390 = arith.addi %mul3A_388, %add3A_389 : i32
      %broadcast_in_dim3A_391 = arith.constant 0 : i32
      %broadcast_in_dim3A_392 = vector.broadcast %broadcast_in_dim3A_391 : i32 to vector<16xi32>
      %add3A_393 = vector.broadcast %add3A_390 : i32 to vector<16xi32>
      %add3A_394 = arith.addi %broadcast_in_dim3A_392, %add3A_393 : vector<16xi32>
      %add3A_395 = arith.constant 1 : i32
      %add3A_396 = vector.broadcast %add3A_395 : i32 to vector<16xi32>
      %add3A_397 = arith.addi %iota3A, %add3A_396 : vector<16xi32>
      %gather3A_398 = tpu.vector_load_idx %arg7[%add3A_397, %add3A_394] : memref<40x256xf32, #tpu.memory_space<vmem>>[vector<16xi32>, vector<16xi32>], vector<16xf32>,
      %add3A_399 = arith.constant 1 : i32
      %add3A_400 = vector.broadcast %add3A_399 : i32 to vector<16xi32>
      %add3A_401 = arith.addi %iota3A, %add3A_400 : vector<16xi32>
      %add3A_402 = arith.constant 16 : i32
      %add3A_403 = vector.broadcast %add3A_402 : i32 to vector<16xi32>
      %add3A_404 = arith.addi %add3A_401, %add3A_403 : vector<16xi32>
      %gather3A_405 = tpu.vector_load_idx %arg7[%add3A_404, %add3A_394] : memref<40x256xf32, #tpu.memory_space<vmem>>[vector<16xi32>, vector<16xi32>], vector<16xf32>,
      %scan3A_406 = arith.constant 0 : i32
      %scan3A_407 = arith.constant 0 : i32
      %scan3A_408 = arith.constant 32 : i32
      %scan3A_409 = arith.addi %scan3A_407, %scan3A_408 : i32
      %scan3A_410 = arith.constant 1 : i32
      scf.for %scan3A_662 = %scan3A_407 to %scan3A_409 step %scan3A_410  : i32 {
        %mul3A_663 = arith.constant 32 : i32
        %mul3A_664 = arith.muli %scan3A_662, %mul3A_663 : i32
        %swap3A = arith.constant 5 : i32
        %swap3A_665 = arith.index_cast %swap3A : i32 to index
        %swap3A_666 = arith.index_cast %mul3A_664 : i32 to index
        %swap3A_667 = tpu.vector_load %arg8[%swap3A_665, %swap3A_666] {strides = array<i32>} : memref<16x1024xf32, #tpu.memory_space<vmem>>, vector<16xf32>,
        tpu.vector_store %arg8[%swap3A_665, %swap3A_666], %gather3A_398 {strides = array<i32>} : memref<16x1024xf32, #tpu.memory_space<vmem>>, vector<16xf32>,
        %mul3A_668 = arith.constant 32 : i32
        %mul3A_669 = arith.muli %scan3A_662, %mul3A_668 : i32
        %add3A_670 = arith.constant 16 : i32
        %add3A_671 = arith.addi %mul3A_669, %add3A_670 : i32
        %swap3A_672 = arith.constant 5 : i32
        %swap3A_673 = arith.index_cast %swap3A_672 : i32 to index
        %swap3A_674 = arith.index_cast %add3A_671 : i32 to index
        %swap3A_675 = tpu.vector_load %arg8[%swap3A_673, %swap3A_674] {strides = array<i32>} : memref<16x1024xf32, #tpu.memory_space<vmem>>, vector<16xf32>,
        tpu.vector_store %arg8[%swap3A_673, %swap3A_674], %gather3A_405 {strides = array<i32>} : memref<16x1024xf32, #tpu.memory_space<vmem>>, vector<16xf32>,
      }
      %scan3A_411 = arith.constant 32 : i32
      %mul3A_412 = arith.constant 16 : i32
      %mul3A_413 = arith.muli %add3A, %mul3A_412 : i32
      %add3A_414 = arith.constant 6 : i32
      %add3A_415 = arith.addi %mul3A_413, %add3A_414 : i32
      %broadcast_in_dim3A_416 = arith.constant 0 : i32
      %broadcast_in_dim3A_417 = vector.broadcast %broadcast_in_dim3A_416 : i32 to vector<16xi32>
      %add3A_418 = vector.broadcast %add3A_415 : i32 to vector<16xi32>
      %add3A_419 = arith.addi %broadcast_in_dim3A_417, %add3A_418 : vector<16xi32>
      %add3A_420 = arith.constant 1 : i32
      %add3A_421 = vector.broadcast %add3A_420 : i32 to vector<16xi32>
      %add3A_422 = arith.addi %iota3A, %add3A_421 : vector<16xi32>
      %gather3A_423 = tpu.vector_load_idx %arg7[%add3A_422, %add3A_419] : memref<40x256xf32, #tpu.memory_space<vmem>>[vector<16xi32>, vector<16xi32>], vector<16xf32>,
      %add3A_424 = arith.constant 1 : i32
      %add3A_425 = vector.broadcast %add3A_424 : i32 to vector<16xi32>
      %add3A_426 = arith.addi %iota3A, %add3A_425 : vector<16xi32>
      %add3A_427 = arith.constant 16 : i32
      %add3A_428 = vector.broadcast %add3A_427 : i32 to vector<16xi32>
      %add3A_429 = arith.addi %add3A_426, %add3A_428 : vector<16xi32>
      %gather3A_430 = tpu.vector_load_idx %arg7[%add3A_429, %add3A_419] : memref<40x256xf32, #tpu.memory_space<vmem>>[vector<16xi32>, vector<16xi32>], vector<16xf32>,
      %scan3A_431 = arith.constant 0 : i32
      %scan3A_432 = arith.constant 0 : i32
      %scan3A_433 = arith.constant 32 : i32
      %scan3A_434 = arith.addi %scan3A_432, %scan3A_433 : i32
      %scan3A_435 = arith.constant 1 : i32
      scf.for %scan3A_662 = %scan3A_432 to %scan3A_434 step %scan3A_435  : i32 {
        %mul3A_663 = arith.constant 32 : i32
        %mul3A_664 = arith.muli %scan3A_662, %mul3A_663 : i32
        %swap3A = arith.constant 6 : i32
        %swap3A_665 = arith.index_cast %swap3A : i32 to index
        %swap3A_666 = arith.index_cast %mul3A_664 : i32 to index
        %swap3A_667 = tpu.vector_load %arg8[%swap3A_665, %swap3A_666] {strides = array<i32>} : memref<16x1024xf32, #tpu.memory_space<vmem>>, vector<16xf32>,
        tpu.vector_store %arg8[%swap3A_665, %swap3A_666], %gather3A_423 {strides = array<i32>} : memref<16x1024xf32, #tpu.memory_space<vmem>>, vector<16xf32>,
        %mul3A_668 = arith.constant 32 : i32
        %mul3A_669 = arith.muli %scan3A_662, %mul3A_668 : i32
        %add3A_670 = arith.constant 16 : i32
        %add3A_671 = arith.addi %mul3A_669, %add3A_670 : i32
        %swap3A_672 = arith.constant 6 : i32
        %swap3A_673 = arith.index_cast %swap3A_672 : i32 to index
        %swap3A_674 = arith.index_cast %add3A_671 : i32 to index
        %swap3A_675 = tpu.vector_load %arg8[%swap3A_673, %swap3A_674] {strides = array<i32>} : memref<16x1024xf32, #tpu.memory_space<vmem>>, vector<16xf32>,
        tpu.vector_store %arg8[%swap3A_673, %swap3A_674], %gather3A_430 {strides = array<i32>} : memref<16x1024xf32, #tpu.memory_space<vmem>>, vector<16xf32>,
      }
      %scan3A_436 = arith.constant 32 : i32
      %mul3A_437 = arith.constant 16 : i32
      %mul3A_438 = arith.muli %add3A, %mul3A_437 : i32
      %add3A_439 = arith.constant 7 : i32
      %add3A_440 = arith.addi %mul3A_438, %add3A_439 : i32
      %broadcast_in_dim3A_441 = arith.constant 0 : i32
      %broadcast_in_dim3A_442 = vector.broadcast %broadcast_in_dim3A_441 : i32 to vector<16xi32>
      %add3A_443 = vector.broadcast %add3A_440 : i32 to vector<16xi32>
      %add3A_444 = arith.addi %broadcast_in_dim3A_442, %add3A_443 : vector<16xi32>
      %add3A_445 = arith.constant 1 : i32
      %add3A_446 = vector.broadcast %add3A_445 : i32 to vector<16xi32>
      %add3A_447 = arith.addi %iota3A, %add3A_446 : vector<16xi32>
      %gather3A_448 = tpu.vector_load_idx %arg7[%add3A_447, %add3A_444] : memref<40x256xf32, #tpu.memory_space<vmem>>[vector<16xi32>, vector<16xi32>], vector<16xf32>,
      %add3A_449 = arith.constant 1 : i32
      %add3A_450 = vector.broadcast %add3A_449 : i32 to vector<16xi32>
      %add3A_451 = arith.addi %iota3A, %add3A_450 : vector<16xi32>
      %add3A_452 = arith.constant 16 : i32
      %add3A_453 = vector.broadcast %add3A_452 : i32 to vector<16xi32>
      %add3A_454 = arith.addi %add3A_451, %add3A_453 : vector<16xi32>
      %gather3A_455 = tpu.vector_load_idx %arg7[%add3A_454, %add3A_444] : memref<40x256xf32, #tpu.memory_space<vmem>>[vector<16xi32>, vector<16xi32>], vector<16xf32>,
      %scan3A_456 = arith.constant 0 : i32
      %scan3A_457 = arith.constant 0 : i32
      %scan3A_458 = arith.constant 32 : i32
      %scan3A_459 = arith.addi %scan3A_457, %scan3A_458 : i32
      %scan3A_460 = arith.constant 1 : i32
      scf.for %scan3A_662 = %scan3A_457 to %scan3A_459 step %scan3A_460  : i32 {
        %mul3A_663 = arith.constant 32 : i32
        %mul3A_664 = arith.muli %scan3A_662, %mul3A_663 : i32
        %swap3A = arith.constant 7 : i32
        %swap3A_665 = arith.index_cast %swap3A : i32 to index
        %swap3A_666 = arith.index_cast %mul3A_664 : i32 to index
        %swap3A_667 = tpu.vector_load %arg8[%swap3A_665, %swap3A_666] {strides = array<i32>} : memref<16x1024xf32, #tpu.memory_space<vmem>>, vector<16xf32>,
        tpu.vector_store %arg8[%swap3A_665, %swap3A_666], %gather3A_448 {strides = array<i32>} : memref<16x1024xf32, #tpu.memory_space<vmem>>, vector<16xf32>,
        %mul3A_668 = arith.constant 32 : i32
        %mul3A_669 = arith.muli %scan3A_662, %mul3A_668 : i32
        %add3A_670 = arith.constant 16 : i32
        %add3A_671 = arith.addi %mul3A_669, %add3A_670 : i32
        %swap3A_672 = arith.constant 7 : i32
        %swap3A_673 = arith.index_cast %swap3A_672 : i32 to index
        %swap3A_674 = arith.index_cast %add3A_671 : i32 to index
        %swap3A_675 = tpu.vector_load %arg8[%swap3A_673, %swap3A_674] {strides = array<i32>} : memref<16x1024xf32, #tpu.memory_space<vmem>>, vector<16xf32>,
        tpu.vector_store %arg8[%swap3A_673, %swap3A_674], %gather3A_455 {strides = array<i32>} : memref<16x1024xf32, #tpu.memory_space<vmem>>, vector<16xf32>,
      }
      %scan3A_461 = arith.constant 32 : i32
      %mul3A_462 = arith.constant 16 : i32
      %mul3A_463 = arith.muli %add3A, %mul3A_462 : i32
      %add3A_464 = arith.constant 8 : i32
      %add3A_465 = arith.addi %mul3A_463, %add3A_464 : i32
      %broadcast_in_dim3A_466 = arith.constant 0 : i32
      %broadcast_in_dim3A_467 = vector.broadcast %broadcast_in_dim3A_466 : i32 to vector<16xi32>
      %add3A_468 = vector.broadcast %add3A_465 : i32 to vector<16xi32>
      %add3A_469 = arith.addi %broadcast_in_dim3A_467, %add3A_468 : vector<16xi32>
      %add3A_470 = arith.constant 1 : i32
      %add3A_471 = vector.broadcast %add3A_470 : i32 to vector<16xi32>
      %add3A_472 = arith.addi %iota3A, %add3A_471 : vector<16xi32>
      %gather3A_473 = tpu.vector_load_idx %arg7[%add3A_472, %add3A_469] : memref<40x256xf32, #tpu.memory_space<vmem>>[vector<16xi32>, vector<16xi32>], vector<16xf32>,
      %add3A_474 = arith.constant 1 : i32
      %add3A_475 = vector.broadcast %add3A_474 : i32 to vector<16xi32>
      %add3A_476 = arith.addi %iota3A, %add3A_475 : vector<16xi32>
      %add3A_477 = arith.constant 16 : i32
      %add3A_478 = vector.broadcast %add3A_477 : i32 to vector<16xi32>
      %add3A_479 = arith.addi %add3A_476, %add3A_478 : vector<16xi32>
      %gather3A_480 = tpu.vector_load_idx %arg7[%add3A_479, %add3A_469] : memref<40x256xf32, #tpu.memory_space<vmem>>[vector<16xi32>, vector<16xi32>], vector<16xf32>,
      %scan3A_481 = arith.constant 0 : i32
      %scan3A_482 = arith.constant 0 : i32
      %scan3A_483 = arith.constant 32 : i32
      %scan3A_484 = arith.addi %scan3A_482, %scan3A_483 : i32
      %scan3A_485 = arith.constant 1 : i32
      scf.for %scan3A_662 = %scan3A_482 to %scan3A_484 step %scan3A_485  : i32 {
        %mul3A_663 = arith.constant 32 : i32
        %mul3A_664 = arith.muli %scan3A_662, %mul3A_663 : i32
        %swap3A = arith.constant 8 : i32
        %swap3A_665 = arith.index_cast %swap3A : i32 to index
        %swap3A_666 = arith.index_cast %mul3A_664 : i32 to index
        %swap3A_667 = tpu.vector_load %arg8[%swap3A_665, %swap3A_666] {strides = array<i32>} : memref<16x1024xf32, #tpu.memory_space<vmem>>, vector<16xf32>,
        tpu.vector_store %arg8[%swap3A_665, %swap3A_666], %gather3A_473 {strides = array<i32>} : memref<16x1024xf32, #tpu.memory_space<vmem>>, vector<16xf32>,
        %mul3A_668 = arith.constant 32 : i32
        %mul3A_669 = arith.muli %scan3A_662, %mul3A_668 : i32
        %add3A_670 = arith.constant 16 : i32
        %add3A_671 = arith.addi %mul3A_669, %add3A_670 : i32
        %swap3A_672 = arith.constant 8 : i32
        %swap3A_673 = arith.index_cast %swap3A_672 : i32 to index
        %swap3A_674 = arith.index_cast %add3A_671 : i32 to index
        %swap3A_675 = tpu.vector_load %arg8[%swap3A_673, %swap3A_674] {strides = array<i32>} : memref<16x1024xf32, #tpu.memory_space<vmem>>, vector<16xf32>,
        tpu.vector_store %arg8[%swap3A_673, %swap3A_674], %gather3A_480 {strides = array<i32>} : memref<16x1024xf32, #tpu.memory_space<vmem>>, vector<16xf32>,
      }
      %scan3A_486 = arith.constant 32 : i32
      %mul3A_487 = arith.constant 16 : i32
      %mul3A_488 = arith.muli %add3A, %mul3A_487 : i32
      %add3A_489 = arith.constant 9 : i32
      %add3A_490 = arith.addi %mul3A_488, %add3A_489 : i32
      %broadcast_in_dim3A_491 = arith.constant 0 : i32
      %broadcast_in_dim3A_492 = vector.broadcast %broadcast_in_dim3A_491 : i32 to vector<16xi32>
      %add3A_493 = vector.broadcast %add3A_490 : i32 to vector<16xi32>
      %add3A_494 = arith.addi %broadcast_in_dim3A_492, %add3A_493 : vector<16xi32>
      %add3A_495 = arith.constant 1 : i32
      %add3A_496 = vector.broadcast %add3A_495 : i32 to vector<16xi32>
      %add3A_497 = arith.addi %iota3A, %add3A_496 : vector<16xi32>
      %gather3A_498 = tpu.vector_load_idx %arg7[%add3A_497, %add3A_494] : memref<40x256xf32, #tpu.memory_space<vmem>>[vector<16xi32>, vector<16xi32>], vector<16xf32>,
      %add3A_499 = arith.constant 1 : i32
      %add3A_500 = vector.broadcast %add3A_499 : i32 to vector<16xi32>
      %add3A_501 = arith.addi %iota3A, %add3A_500 : vector<16xi32>
      %add3A_502 = arith.constant 16 : i32
      %add3A_503 = vector.broadcast %add3A_502 : i32 to vector<16xi32>
      %add3A_504 = arith.addi %add3A_501, %add3A_503 : vector<16xi32>
      %gather3A_505 = tpu.vector_load_idx %arg7[%add3A_504, %add3A_494] : memref<40x256xf32, #tpu.memory_space<vmem>>[vector<16xi32>, vector<16xi32>], vector<16xf32>,
      %scan3A_506 = arith.constant 0 : i32
      %scan3A_507 = arith.constant 0 : i32
      %scan3A_508 = arith.constant 32 : i32
      %scan3A_509 = arith.addi %scan3A_507, %scan3A_508 : i32
      %scan3A_510 = arith.constant 1 : i32
      scf.for %scan3A_662 = %scan3A_507 to %scan3A_509 step %scan3A_510  : i32 {
        %mul3A_663 = arith.constant 32 : i32
        %mul3A_664 = arith.muli %scan3A_662, %mul3A_663 : i32
        %swap3A = arith.constant 9 : i32
        %swap3A_665 = arith.index_cast %swap3A : i32 to index
        %swap3A_666 = arith.index_cast %mul3A_664 : i32 to index
        %swap3A_667 = tpu.vector_load %arg8[%swap3A_665, %swap3A_666] {strides = array<i32>} : memref<16x1024xf32, #tpu.memory_space<vmem>>, vector<16xf32>,
        tpu.vector_store %arg8[%swap3A_665, %swap3A_666], %gather3A_498 {strides = array<i32>} : memref<16x1024xf32, #tpu.memory_space<vmem>>, vector<16xf32>,
        %mul3A_668 = arith.constant 32 : i32
        %mul3A_669 = arith.muli %scan3A_662, %mul3A_668 : i32
        %add3A_670 = arith.constant 16 : i32
        %add3A_671 = arith.addi %mul3A_669, %add3A_670 : i32
        %swap3A_672 = arith.constant 9 : i32
        %swap3A_673 = arith.index_cast %swap3A_672 : i32 to index
        %swap3A_674 = arith.index_cast %add3A_671 : i32 to index
        %swap3A_675 = tpu.vector_load %arg8[%swap3A_673, %swap3A_674] {strides = array<i32>} : memref<16x1024xf32, #tpu.memory_space<vmem>>, vector<16xf32>,
        tpu.vector_store %arg8[%swap3A_673, %swap3A_674], %gather3A_505 {strides = array<i32>} : memref<16x1024xf32, #tpu.memory_space<vmem>>, vector<16xf32>,
      }
      %scan3A_511 = arith.constant 32 : i32
      %mul3A_512 = arith.constant 16 : i32
      %mul3A_513 = arith.muli %add3A, %mul3A_512 : i32
      %add3A_514 = arith.constant 10 : i32
      %add3A_515 = arith.addi %mul3A_513, %add3A_514 : i32
      %broadcast_in_dim3A_516 = arith.constant 0 : i32
      %broadcast_in_dim3A_517 = vector.broadcast %broadcast_in_dim3A_516 : i32 to vector<16xi32>
      %add3A_518 = vector.broadcast %add3A_515 : i32 to vector<16xi32>
      %add3A_519 = arith.addi %broadcast_in_dim3A_517, %add3A_518 : vector<16xi32>
      %add3A_520 = arith.constant 1 : i32
      %add3A_521 = vector.broadcast %add3A_520 : i32 to vector<16xi32>
      %add3A_522 = arith.addi %iota3A, %add3A_521 : vector<16xi32>
      %gather3A_523 = tpu.vector_load_idx %arg7[%add3A_522, %add3A_519] : memref<40x256xf32, #tpu.memory_space<vmem>>[vector<16xi32>, vector<16xi32>], vector<16xf32>,
      %add3A_524 = arith.constant 1 : i32
      %add3A_525 = vector.broadcast %add3A_524 : i32 to vector<16xi32>
      %add3A_526 = arith.addi %iota3A, %add3A_525 : vector<16xi32>
      %add3A_527 = arith.constant 16 : i32
      %add3A_528 = vector.broadcast %add3A_527 : i32 to vector<16xi32>
      %add3A_529 = arith.addi %add3A_526, %add3A_528 : vector<16xi32>
      %gather3A_530 = tpu.vector_load_idx %arg7[%add3A_529, %add3A_519] : memref<40x256xf32, #tpu.memory_space<vmem>>[vector<16xi32>, vector<16xi32>], vector<16xf32>,
      %scan3A_531 = arith.constant 0 : i32
      %scan3A_532 = arith.constant 0 : i32
      %scan3A_533 = arith.constant 32 : i32
      %scan3A_534 = arith.addi %scan3A_532, %scan3A_533 : i32
      %scan3A_535 = arith.constant 1 : i32
      scf.for %scan3A_662 = %scan3A_532 to %scan3A_534 step %scan3A_535  : i32 {
        %mul3A_663 = arith.constant 32 : i32
        %mul3A_664 = arith.muli %scan3A_662, %mul3A_663 : i32
        %swap3A = arith.constant 10 : i32
        %swap3A_665 = arith.index_cast %swap3A : i32 to index
        %swap3A_666 = arith.index_cast %mul3A_664 : i32 to index
        %swap3A_667 = tpu.vector_load %arg8[%swap3A_665, %swap3A_666] {strides = array<i32>} : memref<16x1024xf32, #tpu.memory_space<vmem>>, vector<16xf32>,
        tpu.vector_store %arg8[%swap3A_665, %swap3A_666], %gather3A_523 {strides = array<i32>} : memref<16x1024xf32, #tpu.memory_space<vmem>>, vector<16xf32>,
        %mul3A_668 = arith.constant 32 : i32
        %mul3A_669 = arith.muli %scan3A_662, %mul3A_668 : i32
        %add3A_670 = arith.constant 16 : i32
        %add3A_671 = arith.addi %mul3A_669, %add3A_670 : i32
        %swap3A_672 = arith.constant 10 : i32
        %swap3A_673 = arith.index_cast %swap3A_672 : i32 to index
        %swap3A_674 = arith.index_cast %add3A_671 : i32 to index
        %swap3A_675 = tpu.vector_load %arg8[%swap3A_673, %swap3A_674] {strides = array<i32>} : memref<16x1024xf32, #tpu.memory_space<vmem>>, vector<16xf32>,
        tpu.vector_store %arg8[%swap3A_673, %swap3A_674], %gather3A_530 {strides = array<i32>} : memref<16x1024xf32, #tpu.memory_space<vmem>>, vector<16xf32>,
      }
      %scan3A_536 = arith.constant 32 : i32
      %mul3A_537 = arith.constant 16 : i32
      %mul3A_538 = arith.muli %add3A, %mul3A_537 : i32
      %add3A_539 = arith.constant 11 : i32
      %add3A_540 = arith.addi %mul3A_538, %add3A_539 : i32
      %broadcast_in_dim3A_541 = arith.constant 0 : i32
      %broadcast_in_dim3A_542 = vector.broadcast %broadcast_in_dim3A_541 : i32 to vector<16xi32>
      %add3A_543 = vector.broadcast %add3A_540 : i32 to vector<16xi32>
      %add3A_544 = arith.addi %broadcast_in_dim3A_542, %add3A_543 : vector<16xi32>
      %add3A_545 = arith.constant 1 : i32
      %add3A_546 = vector.broadcast %add3A_545 : i32 to vector<16xi32>
      %add3A_547 = arith.addi %iota3A, %add3A_546 : vector<16xi32>
      %gather3A_548 = tpu.vector_load_idx %arg7[%add3A_547, %add3A_544] : memref<40x256xf32, #tpu.memory_space<vmem>>[vector<16xi32>, vector<16xi32>], vector<16xf32>,
      %add3A_549 = arith.constant 1 : i32
      %add3A_550 = vector.broadcast %add3A_549 : i32 to vector<16xi32>
      %add3A_551 = arith.addi %iota3A, %add3A_550 : vector<16xi32>
      %add3A_552 = arith.constant 16 : i32
      %add3A_553 = vector.broadcast %add3A_552 : i32 to vector<16xi32>
      %add3A_554 = arith.addi %add3A_551, %add3A_553 : vector<16xi32>
      %gather3A_555 = tpu.vector_load_idx %arg7[%add3A_554, %add3A_544] : memref<40x256xf32, #tpu.memory_space<vmem>>[vector<16xi32>, vector<16xi32>], vector<16xf32>,
      %scan3A_556 = arith.constant 0 : i32
      %scan3A_557 = arith.constant 0 : i32
      %scan3A_558 = arith.constant 32 : i32
      %scan3A_559 = arith.addi %scan3A_557, %scan3A_558 : i32
      %scan3A_560 = arith.constant 1 : i32
      scf.for %scan3A_662 = %scan3A_557 to %scan3A_559 step %scan3A_560  : i32 {
        %mul3A_663 = arith.constant 32 : i32
        %mul3A_664 = arith.muli %scan3A_662, %mul3A_663 : i32
        %swap3A = arith.constant 11 : i32
        %swap3A_665 = arith.index_cast %swap3A : i32 to index
        %swap3A_666 = arith.index_cast %mul3A_664 : i32 to index
        %swap3A_667 = tpu.vector_load %arg8[%swap3A_665, %swap3A_666] {strides = array<i32>} : memref<16x1024xf32, #tpu.memory_space<vmem>>, vector<16xf32>,
        tpu.vector_store %arg8[%swap3A_665, %swap3A_666], %gather3A_548 {strides = array<i32>} : memref<16x1024xf32, #tpu.memory_space<vmem>>, vector<16xf32>,
        %mul3A_668 = arith.constant 32 : i32
        %mul3A_669 = arith.muli %scan3A_662, %mul3A_668 : i32
        %add3A_670 = arith.constant 16 : i32
        %add3A_671 = arith.addi %mul3A_669, %add3A_670 : i32
        %swap3A_672 = arith.constant 11 : i32
        %swap3A_673 = arith.index_cast %swap3A_672 : i32 to index
        %swap3A_674 = arith.index_cast %add3A_671 : i32 to index
        %swap3A_675 = tpu.vector_load %arg8[%swap3A_673, %swap3A_674] {strides = array<i32>} : memref<16x1024xf32, #tpu.memory_space<vmem>>, vector<16xf32>,
        tpu.vector_store %arg8[%swap3A_673, %swap3A_674], %gather3A_555 {strides = array<i32>} : memref<16x1024xf32, #tpu.memory_space<vmem>>, vector<16xf32>,
      }
      %scan3A_561 = arith.constant 32 : i32
      %mul3A_562 = arith.constant 16 : i32
      %mul3A_563 = arith.muli %add3A, %mul3A_562 : i32
      %add3A_564 = arith.constant 12 : i32
      %add3A_565 = arith.addi %mul3A_563, %add3A_564 : i32
      %broadcast_in_dim3A_566 = arith.constant 0 : i32
      %broadcast_in_dim3A_567 = vector.broadcast %broadcast_in_dim3A_566 : i32 to vector<16xi32>
      %add3A_568 = vector.broadcast %add3A_565 : i32 to vector<16xi32>
      %add3A_569 = arith.addi %broadcast_in_dim3A_567, %add3A_568 : vector<16xi32>
      %add3A_570 = arith.constant 1 : i32
      %add3A_571 = vector.broadcast %add3A_570 : i32 to vector<16xi32>
      %add3A_572 = arith.addi %iota3A, %add3A_571 : vector<16xi32>
      %gather3A_573 = tpu.vector_load_idx %arg7[%add3A_572, %add3A_569] : memref<40x256xf32, #tpu.memory_space<vmem>>[vector<16xi32>, vector<16xi32>], vector<16xf32>,
      %add3A_574 = arith.constant 1 : i32
      %add3A_575 = vector.broadcast %add3A_574 : i32 to vector<16xi32>
      %add3A_576 = arith.addi %iota3A, %add3A_575 : vector<16xi32>
      %add3A_577 = arith.constant 16 : i32
      %add3A_578 = vector.broadcast %add3A_577 : i32 to vector<16xi32>
      %add3A_579 = arith.addi %add3A_576, %add3A_578 : vector<16xi32>
      %gather3A_580 = tpu.vector_load_idx %arg7[%add3A_579, %add3A_569] : memref<40x256xf32, #tpu.memory_space<vmem>>[vector<16xi32>, vector<16xi32>], vector<16xf32>,
      %scan3A_581 = arith.constant 0 : i32
      %scan3A_582 = arith.constant 0 : i32
      %scan3A_583 = arith.constant 32 : i32
      %scan3A_584 = arith.addi %scan3A_582, %scan3A_583 : i32
      %scan3A_585 = arith.constant 1 : i32
      scf.for %scan3A_662 = %scan3A_582 to %scan3A_584 step %scan3A_585  : i32 {
        %mul3A_663 = arith.constant 32 : i32
        %mul3A_664 = arith.muli %scan3A_662, %mul3A_663 : i32
        %swap3A = arith.constant 12 : i32
        %swap3A_665 = arith.index_cast %swap3A : i32 to index
        %swap3A_666 = arith.index_cast %mul3A_664 : i32 to index
        %swap3A_667 = tpu.vector_load %arg8[%swap3A_665, %swap3A_666] {strides = array<i32>} : memref<16x1024xf32, #tpu.memory_space<vmem>>, vector<16xf32>,
        tpu.vector_store %arg8[%swap3A_665, %swap3A_666], %gather3A_573 {strides = array<i32>} : memref<16x1024xf32, #tpu.memory_space<vmem>>, vector<16xf32>,
        %mul3A_668 = arith.constant 32 : i32
        %mul3A_669 = arith.muli %scan3A_662, %mul3A_668 : i32
        %add3A_670 = arith.constant 16 : i32
        %add3A_671 = arith.addi %mul3A_669, %add3A_670 : i32
        %swap3A_672 = arith.constant 12 : i32
        %swap3A_673 = arith.index_cast %swap3A_672 : i32 to index
        %swap3A_674 = arith.index_cast %add3A_671 : i32 to index
        %swap3A_675 = tpu.vector_load %arg8[%swap3A_673, %swap3A_674] {strides = array<i32>} : memref<16x1024xf32, #tpu.memory_space<vmem>>, vector<16xf32>,
        tpu.vector_store %arg8[%swap3A_673, %swap3A_674], %gather3A_580 {strides = array<i32>} : memref<16x1024xf32, #tpu.memory_space<vmem>>, vector<16xf32>,
      }
      %scan3A_586 = arith.constant 32 : i32
      %mul3A_587 = arith.constant 16 : i32
      %mul3A_588 = arith.muli %add3A, %mul3A_587 : i32
      %add3A_589 = arith.constant 13 : i32
      %add3A_590 = arith.addi %mul3A_588, %add3A_589 : i32
      %broadcast_in_dim3A_591 = arith.constant 0 : i32
      %broadcast_in_dim3A_592 = vector.broadcast %broadcast_in_dim3A_591 : i32 to vector<16xi32>
      %add3A_593 = vector.broadcast %add3A_590 : i32 to vector<16xi32>
      %add3A_594 = arith.addi %broadcast_in_dim3A_592, %add3A_593 : vector<16xi32>
      %add3A_595 = arith.constant 1 : i32
      %add3A_596 = vector.broadcast %add3A_595 : i32 to vector<16xi32>
      %add3A_597 = arith.addi %iota3A, %add3A_596 : vector<16xi32>
      %gather3A_598 = tpu.vector_load_idx %arg7[%add3A_597, %add3A_594] : memref<40x256xf32, #tpu.memory_space<vmem>>[vector<16xi32>, vector<16xi32>], vector<16xf32>,
      %add3A_599 = arith.constant 1 : i32
      %add3A_600 = vector.broadcast %add3A_599 : i32 to vector<16xi32>
      %add3A_601 = arith.addi %iota3A, %add3A_600 : vector<16xi32>
      %add3A_602 = arith.constant 16 : i32
      %add3A_603 = vector.broadcast %add3A_602 : i32 to vector<16xi32>
      %add3A_604 = arith.addi %add3A_601, %add3A_603 : vector<16xi32>
      %gather3A_605 = tpu.vector_load_idx %arg7[%add3A_604, %add3A_594] : memref<40x256xf32, #tpu.memory_space<vmem>>[vector<16xi32>, vector<16xi32>], vector<16xf32>,
      %scan3A_606 = arith.constant 0 : i32
      %scan3A_607 = arith.constant 0 : i32
      %scan3A_608 = arith.constant 32 : i32
      %scan3A_609 = arith.addi %scan3A_607, %scan3A_608 : i32
      %scan3A_610 = arith.constant 1 : i32
      scf.for %scan3A_662 = %scan3A_607 to %scan3A_609 step %scan3A_610  : i32 {
        %mul3A_663 = arith.constant 32 : i32
        %mul3A_664 = arith.muli %scan3A_662, %mul3A_663 : i32
        %swap3A = arith.constant 13 : i32
        %swap3A_665 = arith.index_cast %swap3A : i32 to index
        %swap3A_666 = arith.index_cast %mul3A_664 : i32 to index
        %swap3A_667 = tpu.vector_load %arg8[%swap3A_665, %swap3A_666] {strides = array<i32>} : memref<16x1024xf32, #tpu.memory_space<vmem>>, vector<16xf32>,
        tpu.vector_store %arg8[%swap3A_665, %swap3A_666], %gather3A_598 {strides = array<i32>} : memref<16x1024xf32, #tpu.memory_space<vmem>>, vector<16xf32>,
        %mul3A_668 = arith.constant 32 : i32
        %mul3A_669 = arith.muli %scan3A_662, %mul3A_668 : i32
        %add3A_670 = arith.constant 16 : i32
        %add3A_671 = arith.addi %mul3A_669, %add3A_670 : i32
        %swap3A_672 = arith.constant 13 : i32
        %swap3A_673 = arith.index_cast %swap3A_672 : i32 to index
        %swap3A_674 = arith.index_cast %add3A_671 : i32 to index
        %swap3A_675 = tpu.vector_load %arg8[%swap3A_673, %swap3A_674] {strides = array<i32>} : memref<16x1024xf32, #tpu.memory_space<vmem>>, vector<16xf32>,
        tpu.vector_store %arg8[%swap3A_673, %swap3A_674], %gather3A_605 {strides = array<i32>} : memref<16x1024xf32, #tpu.memory_space<vmem>>, vector<16xf32>,
      }
      %scan3A_611 = arith.constant 32 : i32
      %mul3A_612 = arith.constant 16 : i32
      %mul3A_613 = arith.muli %add3A, %mul3A_612 : i32
      %add3A_614 = arith.constant 14 : i32
      %add3A_615 = arith.addi %mul3A_613, %add3A_614 : i32
      %broadcast_in_dim3A_616 = arith.constant 0 : i32
      %broadcast_in_dim3A_617 = vector.broadcast %broadcast_in_dim3A_616 : i32 to vector<16xi32>
      %add3A_618 = vector.broadcast %add3A_615 : i32 to vector<16xi32>
      %add3A_619 = arith.addi %broadcast_in_dim3A_617, %add3A_618 : vector<16xi32>
      %add3A_620 = arith.constant 1 : i32
      %add3A_621 = vector.broadcast %add3A_620 : i32 to vector<16xi32>
      %add3A_622 = arith.addi %iota3A, %add3A_621 : vector<16xi32>
      %gather3A_623 = tpu.vector_load_idx %arg7[%add3A_622, %add3A_619] : memref<40x256xf32, #tpu.memory_space<vmem>>[vector<16xi32>, vector<16xi32>], vector<16xf32>,
      %add3A_624 = arith.constant 1 : i32
      %add3A_625 = vector.broadcast %add3A_624 : i32 to vector<16xi32>
      %add3A_626 = arith.addi %iota3A, %add3A_625 : vector<16xi32>
      %add3A_627 = arith.constant 16 : i32
      %add3A_628 = vector.broadcast %add3A_627 : i32 to vector<16xi32>
      %add3A_629 = arith.addi %add3A_626, %add3A_628 : vector<16xi32>
      %gather3A_630 = tpu.vector_load_idx %arg7[%add3A_629, %add3A_619] : memref<40x256xf32, #tpu.memory_space<vmem>>[vector<16xi32>, vector<16xi32>], vector<16xf32>,
      %scan3A_631 = arith.constant 0 : i32
      %scan3A_632 = arith.constant 0 : i32
      %scan3A_633 = arith.constant 32 : i32
      %scan3A_634 = arith.addi %scan3A_632, %scan3A_633 : i32
      %scan3A_635 = arith.constant 1 : i32
      scf.for %scan3A_662 = %scan3A_632 to %scan3A_634 step %scan3A_635  : i32 {
        %mul3A_663 = arith.constant 32 : i32
        %mul3A_664 = arith.muli %scan3A_662, %mul3A_663 : i32
        %swap3A = arith.constant 14 : i32
        %swap3A_665 = arith.index_cast %swap3A : i32 to index
        %swap3A_666 = arith.index_cast %mul3A_664 : i32 to index
        %swap3A_667 = tpu.vector_load %arg8[%swap3A_665, %swap3A_666] {strides = array<i32>} : memref<16x1024xf32, #tpu.memory_space<vmem>>, vector<16xf32>,
        tpu.vector_store %arg8[%swap3A_665, %swap3A_666], %gather3A_623 {strides = array<i32>} : memref<16x1024xf32, #tpu.memory_space<vmem>>, vector<16xf32>,
        %mul3A_668 = arith.constant 32 : i32
        %mul3A_669 = arith.muli %scan3A_662, %mul3A_668 : i32
        %add3A_670 = arith.constant 16 : i32
        %add3A_671 = arith.addi %mul3A_669, %add3A_670 : i32
        %swap3A_672 = arith.constant 14 : i32
        %swap3A_673 = arith.index_cast %swap3A_672 : i32 to index
        %swap3A_674 = arith.index_cast %add3A_671 : i32 to index
        %swap3A_675 = tpu.vector_load %arg8[%swap3A_673, %swap3A_674] {strides = array<i32>} : memref<16x1024xf32, #tpu.memory_space<vmem>>, vector<16xf32>,
        tpu.vector_store %arg8[%swap3A_673, %swap3A_674], %gather3A_630 {strides = array<i32>} : memref<16x1024xf32, #tpu.memory_space<vmem>>, vector<16xf32>,
      }
      %scan3A_636 = arith.constant 32 : i32
      %mul3A_637 = arith.constant 16 : i32
      %mul3A_638 = arith.muli %add3A, %mul3A_637 : i32
      %add3A_639 = arith.constant 15 : i32
      %add3A_640 = arith.addi %mul3A_638, %add3A_639 : i32
      %broadcast_in_dim3A_641 = arith.constant 0 : i32
      %broadcast_in_dim3A_642 = vector.broadcast %broadcast_in_dim3A_641 : i32 to vector<16xi32>
      %add3A_643 = vector.broadcast %add3A_640 : i32 to vector<16xi32>
      %add3A_644 = arith.addi %broadcast_in_dim3A_642, %add3A_643 : vector<16xi32>
      %add3A_645 = arith.constant 1 : i32
      %add3A_646 = vector.broadcast %add3A_645 : i32 to vector<16xi32>
      %add3A_647 = arith.addi %iota3A, %add3A_646 : vector<16xi32>
      %gather3A_648 = tpu.vector_load_idx %arg7[%add3A_647, %add3A_644] : memref<40x256xf32, #tpu.memory_space<vmem>>[vector<16xi32>, vector<16xi32>], vector<16xf32>,
      %add3A_649 = arith.constant 1 : i32
      %add3A_650 = vector.broadcast %add3A_649 : i32 to vector<16xi32>
      %add3A_651 = arith.addi %iota3A, %add3A_650 : vector<16xi32>
      %add3A_652 = arith.constant 16 : i32
      %add3A_653 = vector.broadcast %add3A_652 : i32 to vector<16xi32>
      %add3A_654 = arith.addi %add3A_651, %add3A_653 : vector<16xi32>
      %gather3A_655 = tpu.vector_load_idx %arg7[%add3A_654, %add3A_644] : memref<40x256xf32, #tpu.memory_space<vmem>>[vector<16xi32>, vector<16xi32>], vector<16xf32>,
      %scan3A_656 = arith.constant 0 : i32
      %scan3A_657 = arith.constant 0 : i32
      %scan3A_658 = arith.constant 32 : i32
      %scan3A_659 = arith.addi %scan3A_657, %scan3A_658 : i32
      %scan3A_660 = arith.constant 1 : i32
      scf.for %scan3A_662 = %scan3A_657 to %scan3A_659 step %scan3A_660  : i32 {
        %mul3A_663 = arith.constant 32 : i32
        %mul3A_664 = arith.muli %scan3A_662, %mul3A_663 : i32
        %swap3A = arith.constant 15 : i32
        %swap3A_665 = arith.index_cast %swap3A : i32 to index
        %swap3A_666 = arith.index_cast %mul3A_664 : i32 to index
        %swap3A_667 = tpu.vector_load %arg8[%swap3A_665, %swap3A_666] {strides = array<i32>} : memref<16x1024xf32, #tpu.memory_space<vmem>>, vector<16xf32>,
        tpu.vector_store %arg8[%swap3A_665, %swap3A_666], %gather3A_648 {strides = array<i32>} : memref<16x1024xf32, #tpu.memory_space<vmem>>, vector<16xf32>,
        %mul3A_668 = arith.constant 32 : i32
        %mul3A_669 = arith.muli %scan3A_662, %mul3A_668 : i32
        %add3A_670 = arith.constant 16 : i32
        %add3A_671 = arith.addi %mul3A_669, %add3A_670 : i32
        %swap3A_672 = arith.constant 15 : i32
        %swap3A_673 = arith.index_cast %swap3A_672 : i32 to index
        %swap3A_674 = arith.index_cast %add3A_671 : i32 to index
        %swap3A_675 = tpu.vector_load %arg8[%swap3A_673, %swap3A_674] {strides = array<i32>} : memref<16x1024xf32, #tpu.memory_space<vmem>>, vector<16xf32>,
        tpu.vector_store %arg8[%swap3A_673, %swap3A_674], %gather3A_655 {strides = array<i32>} : memref<16x1024xf32, #tpu.memory_space<vmem>>, vector<16xf32>,
      }
      %scan3A_661 = arith.constant 32 : i32
    } else {
    }
    %not3A = arith.constant true
    %not3A_3 = arith.xori %lt3A_1, %not3A : i1
    %convert_element_type3A_4 = arith.extui %not3A_3 : i1 to i32
    %cond3A_5 = arith.constant 0 : i32
    %cond3A_6 = arith.cmpi ne, %convert_element_type3A_4, %cond3A_5 : i32
    scf.if %cond3A_6 {
      "tpu.region"() ({
        %run_scoped3A = tpu.sem_alloc : memref<!tpu.dma_semaphore, #tpu.memory_space<semaphore_mem>>
        %dma_start3A_455 = arith.constant 0 : i32
        %dma_start3A_456 = arith.constant 0 : i32
        %dma_start3A_457 = tpu.memref_slice %arg2[%dma_start3A_455, %dma_start3A_456] : memref<60x256xf32, #tpu.memory_space<hbm>> -> memref<40x256xf32, #tpu.memory_space<hbm>>
        %dma_start3A_458 = arith.constant 0 : i32
        %dma_start3A_459 = arith.constant 0 : i32
        %dma_start3A_460 = tpu.memref_slice %arg2[%dma_start3A_458, %dma_start3A_459] : memref<60x256xf32, #tpu.memory_space<hbm>> -> memref<40x256xf32, #tpu.memory_space<hbm>>
        tpu.enqueue_dma source(%dma_start3A_460 : memref<40x256xf32, #tpu.memory_space<hbm>>) target(%arg7 : memref<40x256xf32, #tpu.memory_space<vmem>>) target_semaphore(%run_scoped3A : memref<!tpu.dma_semaphore, #tpu.memory_space<semaphore_mem>>)
        %dma_wait3A_461 = arith.constant 0 : i32
        %dma_wait3A_462 = arith.constant 0 : i32
        %dma_wait3A_463 = tpu.memref_slice %arg2[%dma_wait3A_461, %dma_wait3A_462] : memref<60x256xf32, #tpu.memory_space<hbm>> -> memref<40x256xf32, #tpu.memory_space<hbm>>
        %dma_wait3A_464 = arith.constant 0 : i32
        %dma_wait3A_465 = arith.constant 0 : i32
        %dma_wait3A_466 = tpu.memref_slice %arg2[%dma_wait3A_464, %dma_wait3A_465] : memref<60x256xf32, #tpu.memory_space<hbm>> -> memref<40x256xf32, #tpu.memory_space<hbm>>
        tpu.wait_dma2 semaphore(%run_scoped3A : memref<!tpu.dma_semaphore, #tpu.memory_space<semaphore_mem>>) src(%dma_wait3A_466 : memref<40x256xf32, #tpu.memory_space<hbm>>) dst(%arg7 : memref<40x256xf32, #tpu.memory_space<vmem>>)
        tpu.yield
      }) : () -> ()
      %mul3A_265 = arith.constant 16 : i32
      %mul3A_266 = arith.muli %add3A, %mul3A_265 : i32
      %add3A_267 = arith.constant 0 : i32
      %add3A_268 = arith.addi %mul3A_266, %add3A_267 : i32
      %sub3A = arith.constant 256 : i32
      %sub3A_269 = arith.subi %add3A_268, %sub3A : i32
      %scan3A = arith.constant 0 : i32
      %scan3A_270 = arith.constant 0 : i32
      %scan3A_271 = arith.constant 32 : i32
      %scan3A_272 = arith.addi %scan3A_270, %scan3A_271 : i32
      %scan3A_273 = arith.constant 1 : i32
      scf.for %scan3A_455 = %scan3A_270 to %scan3A_272 step %scan3A_273  : i32 {
        %broadcast_in_dim3A = arith.constant 1 : i32
        %broadcast_in_dim3A_456 = vector.broadcast %broadcast_in_dim3A : i32 to vector<16xi32>
        %add3A_457 = vector.broadcast %scan3A_455 : i32 to vector<16xi32>
        %add3A_458 = arith.addi %broadcast_in_dim3A_456, %add3A_457 : vector<16xi32>
        %broadcast_in_dim3A_459 = arith.constant 0 : i32
        %broadcast_in_dim3A_460 = vector.broadcast %broadcast_in_dim3A_459 : i32 to vector<16xi32>
        %add3A_461 = vector.broadcast %sub3A_269 : i32 to vector<16xi32>
        %add3A_462 = arith.addi %broadcast_in_dim3A_460, %add3A_461 : vector<16xi32>
        %gather3A = tpu.vector_load_idx %arg7[%add3A_458, %add3A_462] : memref<40x256xf32, #tpu.memory_space<vmem>>[vector<16xi32>, vector<16xi32>], vector<16xf32>,
        %mul3A_463 = arith.constant 32 : i32
        %mul3A_464 = arith.muli %scan3A_455, %mul3A_463 : i32
        %swap3A = arith.constant 0 : i32
        %swap3A_465 = arith.index_cast %swap3A : i32 to index
        %swap3A_466 = arith.index_cast %mul3A_464 : i32 to index
        %swap3A_467 = tpu.vector_load %arg8[%swap3A_465, %swap3A_466] {strides = array<i32>} : memref<16x1024xf32, #tpu.memory_space<vmem>>, vector<16xf32>,
        tpu.vector_store %arg8[%swap3A_465, %swap3A_466], %gather3A {strides = array<i32>} : memref<16x1024xf32, #tpu.memory_space<vmem>>, vector<16xf32>,
        %mul3A_468 = arith.constant 32 : i32
        %mul3A_469 = arith.muli %scan3A_455, %mul3A_468 : i32
        %add3A_470 = arith.constant 16 : i32
        %add3A_471 = arith.addi %mul3A_469, %add3A_470 : i32
        %swap3A_472 = arith.constant 0 : i32
        %swap3A_473 = arith.index_cast %swap3A_472 : i32 to index
        %swap3A_474 = arith.index_cast %add3A_471 : i32 to index
        %swap3A_475 = tpu.vector_load %arg8[%swap3A_473, %swap3A_474] {strides = array<i32>} : memref<16x1024xf32, #tpu.memory_space<vmem>>, vector<16xf32>,
        tpu.vector_store %arg8[%swap3A_473, %swap3A_474], %gather3A {strides = array<i32>} : memref<16x1024xf32, #tpu.memory_space<vmem>>, vector<16xf32>,
      }
      %scan3A_274 = arith.constant 32 : i32
      %mul3A_275 = arith.constant 16 : i32
      %mul3A_276 = arith.muli %add3A, %mul3A_275 : i32
      %add3A_277 = arith.constant 1 : i32
      %add3A_278 = arith.addi %mul3A_276, %add3A_277 : i32
      %sub3A_279 = arith.constant 256 : i32
      %sub3A_280 = arith.subi %add3A_278, %sub3A_279 : i32
      %scan3A_281 = arith.constant 0 : i32
      %scan3A_282 = arith.constant 0 : i32
      %scan3A_283 = arith.constant 32 : i32
      %scan3A_284 = arith.addi %scan3A_282, %scan3A_283 : i32
      %scan3A_285 = arith.constant 1 : i32
      scf.for %scan3A_455 = %scan3A_282 to %scan3A_284 step %scan3A_285  : i32 {
        %broadcast_in_dim3A = arith.constant 1 : i32
        %broadcast_in_dim3A_456 = vector.broadcast %broadcast_in_dim3A : i32 to vector<16xi32>
        %add3A_457 = vector.broadcast %scan3A_455 : i32 to vector<16xi32>
        %add3A_458 = arith.addi %broadcast_in_dim3A_456, %add3A_457 : vector<16xi32>
        %broadcast_in_dim3A_459 = arith.constant 0 : i32
        %broadcast_in_dim3A_460 = vector.broadcast %broadcast_in_dim3A_459 : i32 to vector<16xi32>
        %add3A_461 = vector.broadcast %sub3A_280 : i32 to vector<16xi32>
        %add3A_462 = arith.addi %broadcast_in_dim3A_460, %add3A_461 : vector<16xi32>
        %gather3A = tpu.vector_load_idx %arg7[%add3A_458, %add3A_462] : memref<40x256xf32, #tpu.memory_space<vmem>>[vector<16xi32>, vector<16xi32>], vector<16xf32>,
        %mul3A_463 = arith.constant 32 : i32
        %mul3A_464 = arith.muli %scan3A_455, %mul3A_463 : i32
        %swap3A = arith.constant 1 : i32
        %swap3A_465 = arith.index_cast %swap3A : i32 to index
        %swap3A_466 = arith.index_cast %mul3A_464 : i32 to index
        %swap3A_467 = tpu.vector_load %arg8[%swap3A_465, %swap3A_466] {strides = array<i32>} : memref<16x1024xf32, #tpu.memory_space<vmem>>, vector<16xf32>,
        tpu.vector_store %arg8[%swap3A_465, %swap3A_466], %gather3A {strides = array<i32>} : memref<16x1024xf32, #tpu.memory_space<vmem>>, vector<16xf32>,
        %mul3A_468 = arith.constant 32 : i32
        %mul3A_469 = arith.muli %scan3A_455, %mul3A_468 : i32
        %add3A_470 = arith.constant 16 : i32
        %add3A_471 = arith.addi %mul3A_469, %add3A_470 : i32
        %swap3A_472 = arith.constant 1 : i32
        %swap3A_473 = arith.index_cast %swap3A_472 : i32 to index
        %swap3A_474 = arith.index_cast %add3A_471 : i32 to index
        %swap3A_475 = tpu.vector_load %arg8[%swap3A_473, %swap3A_474] {strides = array<i32>} : memref<16x1024xf32, #tpu.memory_space<vmem>>, vector<16xf32>,
        tpu.vector_store %arg8[%swap3A_473, %swap3A_474], %gather3A {strides = array<i32>} : memref<16x1024xf32, #tpu.memory_space<vmem>>, vector<16xf32>,
      }
      %scan3A_286 = arith.constant 32 : i32
      %mul3A_287 = arith.constant 16 : i32
      %mul3A_288 = arith.muli %add3A, %mul3A_287 : i32
      %add3A_289 = arith.constant 2 : i32
      %add3A_290 = arith.addi %mul3A_288, %add3A_289 : i32
      %sub3A_291 = arith.constant 256 : i32
      %sub3A_292 = arith.subi %add3A_290, %sub3A_291 : i32
      %scan3A_293 = arith.constant 0 : i32
      %scan3A_294 = arith.constant 0 : i32
      %scan3A_295 = arith.constant 32 : i32
      %scan3A_296 = arith.addi %scan3A_294, %scan3A_295 : i32
      %scan3A_297 = arith.constant 1 : i32
      scf.for %scan3A_455 = %scan3A_294 to %scan3A_296 step %scan3A_297  : i32 {
        %broadcast_in_dim3A = arith.constant 1 : i32
        %broadcast_in_dim3A_456 = vector.broadcast %broadcast_in_dim3A : i32 to vector<16xi32>
        %add3A_457 = vector.broadcast %scan3A_455 : i32 to vector<16xi32>
        %add3A_458 = arith.addi %broadcast_in_dim3A_456, %add3A_457 : vector<16xi32>
        %broadcast_in_dim3A_459 = arith.constant 0 : i32
        %broadcast_in_dim3A_460 = vector.broadcast %broadcast_in_dim3A_459 : i32 to vector<16xi32>
        %add3A_461 = vector.broadcast %sub3A_292 : i32 to vector<16xi32>
        %add3A_462 = arith.addi %broadcast_in_dim3A_460, %add3A_461 : vector<16xi32>
        %gather3A = tpu.vector_load_idx %arg7[%add3A_458, %add3A_462] : memref<40x256xf32, #tpu.memory_space<vmem>>[vector<16xi32>, vector<16xi32>], vector<16xf32>,
        %mul3A_463 = arith.constant 32 : i32
        %mul3A_464 = arith.muli %scan3A_455, %mul3A_463 : i32
        %swap3A = arith.constant 2 : i32
        %swap3A_465 = arith.index_cast %swap3A : i32 to index
        %swap3A_466 = arith.index_cast %mul3A_464 : i32 to index
        %swap3A_467 = tpu.vector_load %arg8[%swap3A_465, %swap3A_466] {strides = array<i32>} : memref<16x1024xf32, #tpu.memory_space<vmem>>, vector<16xf32>,
        tpu.vector_store %arg8[%swap3A_465, %swap3A_466], %gather3A {strides = array<i32>} : memref<16x1024xf32, #tpu.memory_space<vmem>>, vector<16xf32>,
        %mul3A_468 = arith.constant 32 : i32
        %mul3A_469 = arith.muli %scan3A_455, %mul3A_468 : i32
        %add3A_470 = arith.constant 16 : i32
        %add3A_471 = arith.addi %mul3A_469, %add3A_470 : i32
        %swap3A_472 = arith.constant 2 : i32
        %swap3A_473 = arith.index_cast %swap3A_472 : i32 to index
        %swap3A_474 = arith.index_cast %add3A_471 : i32 to index
        %swap3A_475 = tpu.vector_load %arg8[%swap3A_473, %swap3A_474] {strides = array<i32>} : memref<16x1024xf32, #tpu.memory_space<vmem>>, vector<16xf32>,
        tpu.vector_store %arg8[%swap3A_473, %swap3A_474], %gather3A {strides = array<i32>} : memref<16x1024xf32, #tpu.memory_space<vmem>>, vector<16xf32>,
      }
      %scan3A_298 = arith.constant 32 : i32
      %mul3A_299 = arith.constant 16 : i32
      %mul3A_300 = arith.muli %add3A, %mul3A_299 : i32
      %add3A_301 = arith.constant 3 : i32
      %add3A_302 = arith.addi %mul3A_300, %add3A_301 : i32
      %sub3A_303 = arith.constant 256 : i32
      %sub3A_304 = arith.subi %add3A_302, %sub3A_303 : i32
      %scan3A_305 = arith.constant 0 : i32
      %scan3A_306 = arith.constant 0 : i32
      %scan3A_307 = arith.constant 32 : i32
      %scan3A_308 = arith.addi %scan3A_306, %scan3A_307 : i32
      %scan3A_309 = arith.constant 1 : i32
      scf.for %scan3A_455 = %scan3A_306 to %scan3A_308 step %scan3A_309  : i32 {
        %broadcast_in_dim3A = arith.constant 1 : i32
        %broadcast_in_dim3A_456 = vector.broadcast %broadcast_in_dim3A : i32 to vector<16xi32>
        %add3A_457 = vector.broadcast %scan3A_455 : i32 to vector<16xi32>
        %add3A_458 = arith.addi %broadcast_in_dim3A_456, %add3A_457 : vector<16xi32>
        %broadcast_in_dim3A_459 = arith.constant 0 : i32
        %broadcast_in_dim3A_460 = vector.broadcast %broadcast_in_dim3A_459 : i32 to vector<16xi32>
        %add3A_461 = vector.broadcast %sub3A_304 : i32 to vector<16xi32>
        %add3A_462 = arith.addi %broadcast_in_dim3A_460, %add3A_461 : vector<16xi32>
        %gather3A = tpu.vector_load_idx %arg7[%add3A_458, %add3A_462] : memref<40x256xf32, #tpu.memory_space<vmem>>[vector<16xi32>, vector<16xi32>], vector<16xf32>,
        %mul3A_463 = arith.constant 32 : i32
        %mul3A_464 = arith.muli %scan3A_455, %mul3A_463 : i32
        %swap3A = arith.constant 3 : i32
        %swap3A_465 = arith.index_cast %swap3A : i32 to index
        %swap3A_466 = arith.index_cast %mul3A_464 : i32 to index
        %swap3A_467 = tpu.vector_load %arg8[%swap3A_465, %swap3A_466] {strides = array<i32>} : memref<16x1024xf32, #tpu.memory_space<vmem>>, vector<16xf32>,
        tpu.vector_store %arg8[%swap3A_465, %swap3A_466], %gather3A {strides = array<i32>} : memref<16x1024xf32, #tpu.memory_space<vmem>>, vector<16xf32>,
        %mul3A_468 = arith.constant 32 : i32
        %mul3A_469 = arith.muli %scan3A_455, %mul3A_468 : i32
        %add3A_470 = arith.constant 16 : i32
        %add3A_471 = arith.addi %mul3A_469, %add3A_470 : i32
        %swap3A_472 = arith.constant 3 : i32
        %swap3A_473 = arith.index_cast %swap3A_472 : i32 to index
        %swap3A_474 = arith.index_cast %add3A_471 : i32 to index
        %swap3A_475 = tpu.vector_load %arg8[%swap3A_473, %swap3A_474] {strides = array<i32>} : memref<16x1024xf32, #tpu.memory_space<vmem>>, vector<16xf32>,
        tpu.vector_store %arg8[%swap3A_473, %swap3A_474], %gather3A {strides = array<i32>} : memref<16x1024xf32, #tpu.memory_space<vmem>>, vector<16xf32>,
      }
      %scan3A_310 = arith.constant 32 : i32
      %mul3A_311 = arith.constant 16 : i32
      %mul3A_312 = arith.muli %add3A, %mul3A_311 : i32
      %add3A_313 = arith.constant 4 : i32
      %add3A_314 = arith.addi %mul3A_312, %add3A_313 : i32
      %sub3A_315 = arith.constant 256 : i32
      %sub3A_316 = arith.subi %add3A_314, %sub3A_315 : i32
      %scan3A_317 = arith.constant 0 : i32
      %scan3A_318 = arith.constant 0 : i32
      %scan3A_319 = arith.constant 32 : i32
      %scan3A_320 = arith.addi %scan3A_318, %scan3A_319 : i32
      %scan3A_321 = arith.constant 1 : i32
      scf.for %scan3A_455 = %scan3A_318 to %scan3A_320 step %scan3A_321  : i32 {
        %broadcast_in_dim3A = arith.constant 1 : i32
        %broadcast_in_dim3A_456 = vector.broadcast %broadcast_in_dim3A : i32 to vector<16xi32>
        %add3A_457 = vector.broadcast %scan3A_455 : i32 to vector<16xi32>
        %add3A_458 = arith.addi %broadcast_in_dim3A_456, %add3A_457 : vector<16xi32>
        %broadcast_in_dim3A_459 = arith.constant 0 : i32
        %broadcast_in_dim3A_460 = vector.broadcast %broadcast_in_dim3A_459 : i32 to vector<16xi32>
        %add3A_461 = vector.broadcast %sub3A_316 : i32 to vector<16xi32>
        %add3A_462 = arith.addi %broadcast_in_dim3A_460, %add3A_461 : vector<16xi32>
        %gather3A = tpu.vector_load_idx %arg7[%add3A_458, %add3A_462] : memref<40x256xf32, #tpu.memory_space<vmem>>[vector<16xi32>, vector<16xi32>], vector<16xf32>,
        %mul3A_463 = arith.constant 32 : i32
        %mul3A_464 = arith.muli %scan3A_455, %mul3A_463 : i32
        %swap3A = arith.constant 4 : i32
        %swap3A_465 = arith.index_cast %swap3A : i32 to index
        %swap3A_466 = arith.index_cast %mul3A_464 : i32 to index
        %swap3A_467 = tpu.vector_load %arg8[%swap3A_465, %swap3A_466] {strides = array<i32>} : memref<16x1024xf32, #tpu.memory_space<vmem>>, vector<16xf32>,
        tpu.vector_store %arg8[%swap3A_465, %swap3A_466], %gather3A {strides = array<i32>} : memref<16x1024xf32, #tpu.memory_space<vmem>>, vector<16xf32>,
        %mul3A_468 = arith.constant 32 : i32
        %mul3A_469 = arith.muli %scan3A_455, %mul3A_468 : i32
        %add3A_470 = arith.constant 16 : i32
        %add3A_471 = arith.addi %mul3A_469, %add3A_470 : i32
        %swap3A_472 = arith.constant 4 : i32
        %swap3A_473 = arith.index_cast %swap3A_472 : i32 to index
        %swap3A_474 = arith.index_cast %add3A_471 : i32 to index
        %swap3A_475 = tpu.vector_load %arg8[%swap3A_473, %swap3A_474] {strides = array<i32>} : memref<16x1024xf32, #tpu.memory_space<vmem>>, vector<16xf32>,
        tpu.vector_store %arg8[%swap3A_473, %swap3A_474], %gather3A {strides = array<i32>} : memref<16x1024xf32, #tpu.memory_space<vmem>>, vector<16xf32>,
      }
      %scan3A_322 = arith.constant 32 : i32
      %mul3A_323 = arith.constant 16 : i32
      %mul3A_324 = arith.muli %add3A, %mul3A_323 : i32
      %add3A_325 = arith.constant 5 : i32
      %add3A_326 = arith.addi %mul3A_324, %add3A_325 : i32
      %sub3A_327 = arith.constant 256 : i32
      %sub3A_328 = arith.subi %add3A_326, %sub3A_327 : i32
      %scan3A_329 = arith.constant 0 : i32
      %scan3A_330 = arith.constant 0 : i32
      %scan3A_331 = arith.constant 32 : i32
      %scan3A_332 = arith.addi %scan3A_330, %scan3A_331 : i32
      %scan3A_333 = arith.constant 1 : i32
      scf.for %scan3A_455 = %scan3A_330 to %scan3A_332 step %scan3A_333  : i32 {
        %broadcast_in_dim3A = arith.constant 1 : i32
        %broadcast_in_dim3A_456 = vector.broadcast %broadcast_in_dim3A : i32 to vector<16xi32>
        %add3A_457 = vector.broadcast %scan3A_455 : i32 to vector<16xi32>
        %add3A_458 = arith.addi %broadcast_in_dim3A_456, %add3A_457 : vector<16xi32>
        %broadcast_in_dim3A_459 = arith.constant 0 : i32
        %broadcast_in_dim3A_460 = vector.broadcast %broadcast_in_dim3A_459 : i32 to vector<16xi32>
        %add3A_461 = vector.broadcast %sub3A_328 : i32 to vector<16xi32>
        %add3A_462 = arith.addi %broadcast_in_dim3A_460, %add3A_461 : vector<16xi32>
        %gather3A = tpu.vector_load_idx %arg7[%add3A_458, %add3A_462] : memref<40x256xf32, #tpu.memory_space<vmem>>[vector<16xi32>, vector<16xi32>], vector<16xf32>,
        %mul3A_463 = arith.constant 32 : i32
        %mul3A_464 = arith.muli %scan3A_455, %mul3A_463 : i32
        %swap3A = arith.constant 5 : i32
        %swap3A_465 = arith.index_cast %swap3A : i32 to index
        %swap3A_466 = arith.index_cast %mul3A_464 : i32 to index
        %swap3A_467 = tpu.vector_load %arg8[%swap3A_465, %swap3A_466] {strides = array<i32>} : memref<16x1024xf32, #tpu.memory_space<vmem>>, vector<16xf32>,
        tpu.vector_store %arg8[%swap3A_465, %swap3A_466], %gather3A {strides = array<i32>} : memref<16x1024xf32, #tpu.memory_space<vmem>>, vector<16xf32>,
        %mul3A_468 = arith.constant 32 : i32
        %mul3A_469 = arith.muli %scan3A_455, %mul3A_468 : i32
        %add3A_470 = arith.constant 16 : i32
        %add3A_471 = arith.addi %mul3A_469, %add3A_470 : i32
        %swap3A_472 = arith.constant 5 : i32
        %swap3A_473 = arith.index_cast %swap3A_472 : i32 to index
        %swap3A_474 = arith.index_cast %add3A_471 : i32 to index
        %swap3A_475 = tpu.vector_load %arg8[%swap3A_473, %swap3A_474] {strides = array<i32>} : memref<16x1024xf32, #tpu.memory_space<vmem>>, vector<16xf32>,
        tpu.vector_store %arg8[%swap3A_473, %swap3A_474], %gather3A {strides = array<i32>} : memref<16x1024xf32, #tpu.memory_space<vmem>>, vector<16xf32>,
      }
      %scan3A_334 = arith.constant 32 : i32
      %mul3A_335 = arith.constant 16 : i32
      %mul3A_336 = arith.muli %add3A, %mul3A_335 : i32
      %add3A_337 = arith.constant 6 : i32
      %add3A_338 = arith.addi %mul3A_336, %add3A_337 : i32
      %sub3A_339 = arith.constant 256 : i32
      %sub3A_340 = arith.subi %add3A_338, %sub3A_339 : i32
      %scan3A_341 = arith.constant 0 : i32
      %scan3A_342 = arith.constant 0 : i32
      %scan3A_343 = arith.constant 32 : i32
      %scan3A_344 = arith.addi %scan3A_342, %scan3A_343 : i32
      %scan3A_345 = arith.constant 1 : i32
      scf.for %scan3A_455 = %scan3A_342 to %scan3A_344 step %scan3A_345  : i32 {
        %broadcast_in_dim3A = arith.constant 1 : i32
        %broadcast_in_dim3A_456 = vector.broadcast %broadcast_in_dim3A : i32 to vector<16xi32>
        %add3A_457 = vector.broadcast %scan3A_455 : i32 to vector<16xi32>
        %add3A_458 = arith.addi %broadcast_in_dim3A_456, %add3A_457 : vector<16xi32>
        %broadcast_in_dim3A_459 = arith.constant 0 : i32
        %broadcast_in_dim3A_460 = vector.broadcast %broadcast_in_dim3A_459 : i32 to vector<16xi32>
        %add3A_461 = vector.broadcast %sub3A_340 : i32 to vector<16xi32>
        %add3A_462 = arith.addi %broadcast_in_dim3A_460, %add3A_461 : vector<16xi32>
        %gather3A = tpu.vector_load_idx %arg7[%add3A_458, %add3A_462] : memref<40x256xf32, #tpu.memory_space<vmem>>[vector<16xi32>, vector<16xi32>], vector<16xf32>,
        %mul3A_463 = arith.constant 32 : i32
        %mul3A_464 = arith.muli %scan3A_455, %mul3A_463 : i32
        %swap3A = arith.constant 6 : i32
        %swap3A_465 = arith.index_cast %swap3A : i32 to index
        %swap3A_466 = arith.index_cast %mul3A_464 : i32 to index
        %swap3A_467 = tpu.vector_load %arg8[%swap3A_465, %swap3A_466] {strides = array<i32>} : memref<16x1024xf32, #tpu.memory_space<vmem>>, vector<16xf32>,
        tpu.vector_store %arg8[%swap3A_465, %swap3A_466], %gather3A {strides = array<i32>} : memref<16x1024xf32, #tpu.memory_space<vmem>>, vector<16xf32>,
        %mul3A_468 = arith.constant 32 : i32
        %mul3A_469 = arith.muli %scan3A_455, %mul3A_468 : i32
        %add3A_470 = arith.constant 16 : i32
        %add3A_471 = arith.addi %mul3A_469, %add3A_470 : i32
        %swap3A_472 = arith.constant 6 : i32
        %swap3A_473 = arith.index_cast %swap3A_472 : i32 to index
        %swap3A_474 = arith.index_cast %add3A_471 : i32 to index
        %swap3A_475 = tpu.vector_load %arg8[%swap3A_473, %swap3A_474] {strides = array<i32>} : memref<16x1024xf32, #tpu.memory_space<vmem>>, vector<16xf32>,
        tpu.vector_store %arg8[%swap3A_473, %swap3A_474], %gather3A {strides = array<i32>} : memref<16x1024xf32, #tpu.memory_space<vmem>>, vector<16xf32>,
      }
      %scan3A_346 = arith.constant 32 : i32
      %mul3A_347 = arith.constant 16 : i32
      %mul3A_348 = arith.muli %add3A, %mul3A_347 : i32
      %add3A_349 = arith.constant 7 : i32
      %add3A_350 = arith.addi %mul3A_348, %add3A_349 : i32
      %sub3A_351 = arith.constant 256 : i32
      %sub3A_352 = arith.subi %add3A_350, %sub3A_351 : i32
      %scan3A_353 = arith.constant 0 : i32
      %scan3A_354 = arith.constant 0 : i32
      %scan3A_355 = arith.constant 32 : i32
      %scan3A_356 = arith.addi %scan3A_354, %scan3A_355 : i32
      %scan3A_357 = arith.constant 1 : i32
      scf.for %scan3A_455 = %scan3A_354 to %scan3A_356 step %scan3A_357  : i32 {
        %broadcast_in_dim3A = arith.constant 1 : i32
        %broadcast_in_dim3A_456 = vector.broadcast %broadcast_in_dim3A : i32 to vector<16xi32>
        %add3A_457 = vector.broadcast %scan3A_455 : i32 to vector<16xi32>
        %add3A_458 = arith.addi %broadcast_in_dim3A_456, %add3A_457 : vector<16xi32>
        %broadcast_in_dim3A_459 = arith.constant 0 : i32
        %broadcast_in_dim3A_460 = vector.broadcast %broadcast_in_dim3A_459 : i32 to vector<16xi32>
        %add3A_461 = vector.broadcast %sub3A_352 : i32 to vector<16xi32>
        %add3A_462 = arith.addi %broadcast_in_dim3A_460, %add3A_461 : vector<16xi32>
        %gather3A = tpu.vector_load_idx %arg7[%add3A_458, %add3A_462] : memref<40x256xf32, #tpu.memory_space<vmem>>[vector<16xi32>, vector<16xi32>], vector<16xf32>,
        %mul3A_463 = arith.constant 32 : i32
        %mul3A_464 = arith.muli %scan3A_455, %mul3A_463 : i32
        %swap3A = arith.constant 7 : i32
        %swap3A_465 = arith.index_cast %swap3A : i32 to index
        %swap3A_466 = arith.index_cast %mul3A_464 : i32 to index
        %swap3A_467 = tpu.vector_load %arg8[%swap3A_465, %swap3A_466] {strides = array<i32>} : memref<16x1024xf32, #tpu.memory_space<vmem>>, vector<16xf32>,
        tpu.vector_store %arg8[%swap3A_465, %swap3A_466], %gather3A {strides = array<i32>} : memref<16x1024xf32, #tpu.memory_space<vmem>>, vector<16xf32>,
        %mul3A_468 = arith.constant 32 : i32
        %mul3A_469 = arith.muli %scan3A_455, %mul3A_468 : i32
        %add3A_470 = arith.constant 16 : i32
        %add3A_471 = arith.addi %mul3A_469, %add3A_470 : i32
        %swap3A_472 = arith.constant 7 : i32
        %swap3A_473 = arith.index_cast %swap3A_472 : i32 to index
        %swap3A_474 = arith.index_cast %add3A_471 : i32 to index
        %swap3A_475 = tpu.vector_load %arg8[%swap3A_473, %swap3A_474] {strides = array<i32>} : memref<16x1024xf32, #tpu.memory_space<vmem>>, vector<16xf32>,
        tpu.vector_store %arg8[%swap3A_473, %swap3A_474], %gather3A {strides = array<i32>} : memref<16x1024xf32, #tpu.memory_space<vmem>>, vector<16xf32>,
      }
      %scan3A_358 = arith.constant 32 : i32
      %mul3A_359 = arith.constant 16 : i32
      %mul3A_360 = arith.muli %add3A, %mul3A_359 : i32
      %add3A_361 = arith.constant 8 : i32
      %add3A_362 = arith.addi %mul3A_360, %add3A_361 : i32
      %sub3A_363 = arith.constant 256 : i32
      %sub3A_364 = arith.subi %add3A_362, %sub3A_363 : i32
      %scan3A_365 = arith.constant 0 : i32
      %scan3A_366 = arith.constant 0 : i32
      %scan3A_367 = arith.constant 32 : i32
      %scan3A_368 = arith.addi %scan3A_366, %scan3A_367 : i32
      %scan3A_369 = arith.constant 1 : i32
      scf.for %scan3A_455 = %scan3A_366 to %scan3A_368 step %scan3A_369  : i32 {
        %broadcast_in_dim3A = arith.constant 1 : i32
        %broadcast_in_dim3A_456 = vector.broadcast %broadcast_in_dim3A : i32 to vector<16xi32>
        %add3A_457 = vector.broadcast %scan3A_455 : i32 to vector<16xi32>
        %add3A_458 = arith.addi %broadcast_in_dim3A_456, %add3A_457 : vector<16xi32>
        %broadcast_in_dim3A_459 = arith.constant 0 : i32
        %broadcast_in_dim3A_460 = vector.broadcast %broadcast_in_dim3A_459 : i32 to vector<16xi32>
        %add3A_461 = vector.broadcast %sub3A_364 : i32 to vector<16xi32>
        %add3A_462 = arith.addi %broadcast_in_dim3A_460, %add3A_461 : vector<16xi32>
        %gather3A = tpu.vector_load_idx %arg7[%add3A_458, %add3A_462] : memref<40x256xf32, #tpu.memory_space<vmem>>[vector<16xi32>, vector<16xi32>], vector<16xf32>,
        %mul3A_463 = arith.constant 32 : i32
        %mul3A_464 = arith.muli %scan3A_455, %mul3A_463 : i32
        %swap3A = arith.constant 8 : i32
        %swap3A_465 = arith.index_cast %swap3A : i32 to index
        %swap3A_466 = arith.index_cast %mul3A_464 : i32 to index
        %swap3A_467 = tpu.vector_load %arg8[%swap3A_465, %swap3A_466] {strides = array<i32>} : memref<16x1024xf32, #tpu.memory_space<vmem>>, vector<16xf32>,
        tpu.vector_store %arg8[%swap3A_465, %swap3A_466], %gather3A {strides = array<i32>} : memref<16x1024xf32, #tpu.memory_space<vmem>>, vector<16xf32>,
        %mul3A_468 = arith.constant 32 : i32
        %mul3A_469 = arith.muli %scan3A_455, %mul3A_468 : i32
        %add3A_470 = arith.constant 16 : i32
        %add3A_471 = arith.addi %mul3A_469, %add3A_470 : i32
        %swap3A_472 = arith.constant 8 : i32
        %swap3A_473 = arith.index_cast %swap3A_472 : i32 to index
        %swap3A_474 = arith.index_cast %add3A_471 : i32 to index
        %swap3A_475 = tpu.vector_load %arg8[%swap3A_473, %swap3A_474] {strides = array<i32>} : memref<16x1024xf32, #tpu.memory_space<vmem>>, vector<16xf32>,
        tpu.vector_store %arg8[%swap3A_473, %swap3A_474], %gather3A {strides = array<i32>} : memref<16x1024xf32, #tpu.memory_space<vmem>>, vector<16xf32>,
      }
      %scan3A_370 = arith.constant 32 : i32
      %mul3A_371 = arith.constant 16 : i32
      %mul3A_372 = arith.muli %add3A, %mul3A_371 : i32
      %add3A_373 = arith.constant 9 : i32
      %add3A_374 = arith.addi %mul3A_372, %add3A_373 : i32
      %sub3A_375 = arith.constant 256 : i32
      %sub3A_376 = arith.subi %add3A_374, %sub3A_375 : i32
      %scan3A_377 = arith.constant 0 : i32
      %scan3A_378 = arith.constant 0 : i32
      %scan3A_379 = arith.constant 32 : i32
      %scan3A_380 = arith.addi %scan3A_378, %scan3A_379 : i32
      %scan3A_381 = arith.constant 1 : i32
      scf.for %scan3A_455 = %scan3A_378 to %scan3A_380 step %scan3A_381  : i32 {
        %broadcast_in_dim3A = arith.constant 1 : i32
        %broadcast_in_dim3A_456 = vector.broadcast %broadcast_in_dim3A : i32 to vector<16xi32>
        %add3A_457 = vector.broadcast %scan3A_455 : i32 to vector<16xi32>
        %add3A_458 = arith.addi %broadcast_in_dim3A_456, %add3A_457 : vector<16xi32>
        %broadcast_in_dim3A_459 = arith.constant 0 : i32
        %broadcast_in_dim3A_460 = vector.broadcast %broadcast_in_dim3A_459 : i32 to vector<16xi32>
        %add3A_461 = vector.broadcast %sub3A_376 : i32 to vector<16xi32>
        %add3A_462 = arith.addi %broadcast_in_dim3A_460, %add3A_461 : vector<16xi32>
        %gather3A = tpu.vector_load_idx %arg7[%add3A_458, %add3A_462] : memref<40x256xf32, #tpu.memory_space<vmem>>[vector<16xi32>, vector<16xi32>], vector<16xf32>,
        %mul3A_463 = arith.constant 32 : i32
        %mul3A_464 = arith.muli %scan3A_455, %mul3A_463 : i32
        %swap3A = arith.constant 9 : i32
        %swap3A_465 = arith.index_cast %swap3A : i32 to index
        %swap3A_466 = arith.index_cast %mul3A_464 : i32 to index
        %swap3A_467 = tpu.vector_load %arg8[%swap3A_465, %swap3A_466] {strides = array<i32>} : memref<16x1024xf32, #tpu.memory_space<vmem>>, vector<16xf32>,
        tpu.vector_store %arg8[%swap3A_465, %swap3A_466], %gather3A {strides = array<i32>} : memref<16x1024xf32, #tpu.memory_space<vmem>>, vector<16xf32>,
        %mul3A_468 = arith.constant 32 : i32
        %mul3A_469 = arith.muli %scan3A_455, %mul3A_468 : i32
        %add3A_470 = arith.constant 16 : i32
        %add3A_471 = arith.addi %mul3A_469, %add3A_470 : i32
        %swap3A_472 = arith.constant 9 : i32
        %swap3A_473 = arith.index_cast %swap3A_472 : i32 to index
        %swap3A_474 = arith.index_cast %add3A_471 : i32 to index
        %swap3A_475 = tpu.vector_load %arg8[%swap3A_473, %swap3A_474] {strides = array<i32>} : memref<16x1024xf32, #tpu.memory_space<vmem>>, vector<16xf32>,
        tpu.vector_store %arg8[%swap3A_473, %swap3A_474], %gather3A {strides = array<i32>} : memref<16x1024xf32, #tpu.memory_space<vmem>>, vector<16xf32>,
      }
      %scan3A_382 = arith.constant 32 : i32
      %mul3A_383 = arith.constant 16 : i32
      %mul3A_384 = arith.muli %add3A, %mul3A_383 : i32
      %add3A_385 = arith.constant 10 : i32
      %add3A_386 = arith.addi %mul3A_384, %add3A_385 : i32
      %sub3A_387 = arith.constant 256 : i32
      %sub3A_388 = arith.subi %add3A_386, %sub3A_387 : i32
      %scan3A_389 = arith.constant 0 : i32
      %scan3A_390 = arith.constant 0 : i32
      %scan3A_391 = arith.constant 32 : i32
      %scan3A_392 = arith.addi %scan3A_390, %scan3A_391 : i32
      %scan3A_393 = arith.constant 1 : i32
      scf.for %scan3A_455 = %scan3A_390 to %scan3A_392 step %scan3A_393  : i32 {
        %broadcast_in_dim3A = arith.constant 1 : i32
        %broadcast_in_dim3A_456 = vector.broadcast %broadcast_in_dim3A : i32 to vector<16xi32>
        %add3A_457 = vector.broadcast %scan3A_455 : i32 to vector<16xi32>
        %add3A_458 = arith.addi %broadcast_in_dim3A_456, %add3A_457 : vector<16xi32>
        %broadcast_in_dim3A_459 = arith.constant 0 : i32
        %broadcast_in_dim3A_460 = vector.broadcast %broadcast_in_dim3A_459 : i32 to vector<16xi32>
        %add3A_461 = vector.broadcast %sub3A_388 : i32 to vector<16xi32>
        %add3A_462 = arith.addi %broadcast_in_dim3A_460, %add3A_461 : vector<16xi32>
        %gather3A = tpu.vector_load_idx %arg7[%add3A_458, %add3A_462] : memref<40x256xf32, #tpu.memory_space<vmem>>[vector<16xi32>, vector<16xi32>], vector<16xf32>,
        %mul3A_463 = arith.constant 32 : i32
        %mul3A_464 = arith.muli %scan3A_455, %mul3A_463 : i32
        %swap3A = arith.constant 10 : i32
        %swap3A_465 = arith.index_cast %swap3A : i32 to index
        %swap3A_466 = arith.index_cast %mul3A_464 : i32 to index
        %swap3A_467 = tpu.vector_load %arg8[%swap3A_465, %swap3A_466] {strides = array<i32>} : memref<16x1024xf32, #tpu.memory_space<vmem>>, vector<16xf32>,
        tpu.vector_store %arg8[%swap3A_465, %swap3A_466], %gather3A {strides = array<i32>} : memref<16x1024xf32, #tpu.memory_space<vmem>>, vector<16xf32>,
        %mul3A_468 = arith.constant 32 : i32
        %mul3A_469 = arith.muli %scan3A_455, %mul3A_468 : i32
        %add3A_470 = arith.constant 16 : i32
        %add3A_471 = arith.addi %mul3A_469, %add3A_470 : i32
        %swap3A_472 = arith.constant 10 : i32
        %swap3A_473 = arith.index_cast %swap3A_472 : i32 to index
        %swap3A_474 = arith.index_cast %add3A_471 : i32 to index
        %swap3A_475 = tpu.vector_load %arg8[%swap3A_473, %swap3A_474] {strides = array<i32>} : memref<16x1024xf32, #tpu.memory_space<vmem>>, vector<16xf32>,
        tpu.vector_store %arg8[%swap3A_473, %swap3A_474], %gather3A {strides = array<i32>} : memref<16x1024xf32, #tpu.memory_space<vmem>>, vector<16xf32>,
      }
      %scan3A_394 = arith.constant 32 : i32
      %mul3A_395 = arith.constant 16 : i32
      %mul3A_396 = arith.muli %add3A, %mul3A_395 : i32
      %add3A_397 = arith.constant 11 : i32
      %add3A_398 = arith.addi %mul3A_396, %add3A_397 : i32
      %sub3A_399 = arith.constant 256 : i32
      %sub3A_400 = arith.subi %add3A_398, %sub3A_399 : i32
      %scan3A_401 = arith.constant 0 : i32
      %scan3A_402 = arith.constant 0 : i32
      %scan3A_403 = arith.constant 32 : i32
      %scan3A_404 = arith.addi %scan3A_402, %scan3A_403 : i32
      %scan3A_405 = arith.constant 1 : i32
      scf.for %scan3A_455 = %scan3A_402 to %scan3A_404 step %scan3A_405  : i32 {
        %broadcast_in_dim3A = arith.constant 1 : i32
        %broadcast_in_dim3A_456 = vector.broadcast %broadcast_in_dim3A : i32 to vector<16xi32>
        %add3A_457 = vector.broadcast %scan3A_455 : i32 to vector<16xi32>
        %add3A_458 = arith.addi %broadcast_in_dim3A_456, %add3A_457 : vector<16xi32>
        %broadcast_in_dim3A_459 = arith.constant 0 : i32
        %broadcast_in_dim3A_460 = vector.broadcast %broadcast_in_dim3A_459 : i32 to vector<16xi32>
        %add3A_461 = vector.broadcast %sub3A_400 : i32 to vector<16xi32>
        %add3A_462 = arith.addi %broadcast_in_dim3A_460, %add3A_461 : vector<16xi32>
        %gather3A = tpu.vector_load_idx %arg7[%add3A_458, %add3A_462] : memref<40x256xf32, #tpu.memory_space<vmem>>[vector<16xi32>, vector<16xi32>], vector<16xf32>,
        %mul3A_463 = arith.constant 32 : i32
        %mul3A_464 = arith.muli %scan3A_455, %mul3A_463 : i32
        %swap3A = arith.constant 11 : i32
        %swap3A_465 = arith.index_cast %swap3A : i32 to index
        %swap3A_466 = arith.index_cast %mul3A_464 : i32 to index
        %swap3A_467 = tpu.vector_load %arg8[%swap3A_465, %swap3A_466] {strides = array<i32>} : memref<16x1024xf32, #tpu.memory_space<vmem>>, vector<16xf32>,
        tpu.vector_store %arg8[%swap3A_465, %swap3A_466], %gather3A {strides = array<i32>} : memref<16x1024xf32, #tpu.memory_space<vmem>>, vector<16xf32>,
        %mul3A_468 = arith.constant 32 : i32
        %mul3A_469 = arith.muli %scan3A_455, %mul3A_468 : i32
        %add3A_470 = arith.constant 16 : i32
        %add3A_471 = arith.addi %mul3A_469, %add3A_470 : i32
        %swap3A_472 = arith.constant 11 : i32
        %swap3A_473 = arith.index_cast %swap3A_472 : i32 to index
        %swap3A_474 = arith.index_cast %add3A_471 : i32 to index
        %swap3A_475 = tpu.vector_load %arg8[%swap3A_473, %swap3A_474] {strides = array<i32>} : memref<16x1024xf32, #tpu.memory_space<vmem>>, vector<16xf32>,
        tpu.vector_store %arg8[%swap3A_473, %swap3A_474], %gather3A {strides = array<i32>} : memref<16x1024xf32, #tpu.memory_space<vmem>>, vector<16xf32>,
      }
      %scan3A_406 = arith.constant 32 : i32
      %mul3A_407 = arith.constant 16 : i32
      %mul3A_408 = arith.muli %add3A, %mul3A_407 : i32
      %add3A_409 = arith.constant 12 : i32
      %add3A_410 = arith.addi %mul3A_408, %add3A_409 : i32
      %sub3A_411 = arith.constant 256 : i32
      %sub3A_412 = arith.subi %add3A_410, %sub3A_411 : i32
      %scan3A_413 = arith.constant 0 : i32
      %scan3A_414 = arith.constant 0 : i32
      %scan3A_415 = arith.constant 32 : i32
      %scan3A_416 = arith.addi %scan3A_414, %scan3A_415 : i32
      %scan3A_417 = arith.constant 1 : i32
      scf.for %scan3A_455 = %scan3A_414 to %scan3A_416 step %scan3A_417  : i32 {
        %broadcast_in_dim3A = arith.constant 1 : i32
        %broadcast_in_dim3A_456 = vector.broadcast %broadcast_in_dim3A : i32 to vector<16xi32>
        %add3A_457 = vector.broadcast %scan3A_455 : i32 to vector<16xi32>
        %add3A_458 = arith.addi %broadcast_in_dim3A_456, %add3A_457 : vector<16xi32>
        %broadcast_in_dim3A_459 = arith.constant 0 : i32
        %broadcast_in_dim3A_460 = vector.broadcast %broadcast_in_dim3A_459 : i32 to vector<16xi32>
        %add3A_461 = vector.broadcast %sub3A_412 : i32 to vector<16xi32>
        %add3A_462 = arith.addi %broadcast_in_dim3A_460, %add3A_461 : vector<16xi32>
        %gather3A = tpu.vector_load_idx %arg7[%add3A_458, %add3A_462] : memref<40x256xf32, #tpu.memory_space<vmem>>[vector<16xi32>, vector<16xi32>], vector<16xf32>,
        %mul3A_463 = arith.constant 32 : i32
        %mul3A_464 = arith.muli %scan3A_455, %mul3A_463 : i32
        %swap3A = arith.constant 12 : i32
        %swap3A_465 = arith.index_cast %swap3A : i32 to index
        %swap3A_466 = arith.index_cast %mul3A_464 : i32 to index
        %swap3A_467 = tpu.vector_load %arg8[%swap3A_465, %swap3A_466] {strides = array<i32>} : memref<16x1024xf32, #tpu.memory_space<vmem>>, vector<16xf32>,
        tpu.vector_store %arg8[%swap3A_465, %swap3A_466], %gather3A {strides = array<i32>} : memref<16x1024xf32, #tpu.memory_space<vmem>>, vector<16xf32>,
        %mul3A_468 = arith.constant 32 : i32
        %mul3A_469 = arith.muli %scan3A_455, %mul3A_468 : i32
        %add3A_470 = arith.constant 16 : i32
        %add3A_471 = arith.addi %mul3A_469, %add3A_470 : i32
        %swap3A_472 = arith.constant 12 : i32
        %swap3A_473 = arith.index_cast %swap3A_472 : i32 to index
        %swap3A_474 = arith.index_cast %add3A_471 : i32 to index
        %swap3A_475 = tpu.vector_load %arg8[%swap3A_473, %swap3A_474] {strides = array<i32>} : memref<16x1024xf32, #tpu.memory_space<vmem>>, vector<16xf32>,
        tpu.vector_store %arg8[%swap3A_473, %swap3A_474], %gather3A {strides = array<i32>} : memref<16x1024xf32, #tpu.memory_space<vmem>>, vector<16xf32>,
      }
      %scan3A_418 = arith.constant 32 : i32
      %mul3A_419 = arith.constant 16 : i32
      %mul3A_420 = arith.muli %add3A, %mul3A_419 : i32
      %add3A_421 = arith.constant 13 : i32
      %add3A_422 = arith.addi %mul3A_420, %add3A_421 : i32
      %sub3A_423 = arith.constant 256 : i32
      %sub3A_424 = arith.subi %add3A_422, %sub3A_423 : i32
      %scan3A_425 = arith.constant 0 : i32
      %scan3A_426 = arith.constant 0 : i32
      %scan3A_427 = arith.constant 32 : i32
      %scan3A_428 = arith.addi %scan3A_426, %scan3A_427 : i32
      %scan3A_429 = arith.constant 1 : i32
      scf.for %scan3A_455 = %scan3A_426 to %scan3A_428 step %scan3A_429  : i32 {
        %broadcast_in_dim3A = arith.constant 1 : i32
        %broadcast_in_dim3A_456 = vector.broadcast %broadcast_in_dim3A : i32 to vector<16xi32>
        %add3A_457 = vector.broadcast %scan3A_455 : i32 to vector<16xi32>
        %add3A_458 = arith.addi %broadcast_in_dim3A_456, %add3A_457 : vector<16xi32>
        %broadcast_in_dim3A_459 = arith.constant 0 : i32
        %broadcast_in_dim3A_460 = vector.broadcast %broadcast_in_dim3A_459 : i32 to vector<16xi32>
        %add3A_461 = vector.broadcast %sub3A_424 : i32 to vector<16xi32>
        %add3A_462 = arith.addi %broadcast_in_dim3A_460, %add3A_461 : vector<16xi32>
        %gather3A = tpu.vector_load_idx %arg7[%add3A_458, %add3A_462] : memref<40x256xf32, #tpu.memory_space<vmem>>[vector<16xi32>, vector<16xi32>], vector<16xf32>,
        %mul3A_463 = arith.constant 32 : i32
        %mul3A_464 = arith.muli %scan3A_455, %mul3A_463 : i32
        %swap3A = arith.constant 13 : i32
        %swap3A_465 = arith.index_cast %swap3A : i32 to index
        %swap3A_466 = arith.index_cast %mul3A_464 : i32 to index
        %swap3A_467 = tpu.vector_load %arg8[%swap3A_465, %swap3A_466] {strides = array<i32>} : memref<16x1024xf32, #tpu.memory_space<vmem>>, vector<16xf32>,
        tpu.vector_store %arg8[%swap3A_465, %swap3A_466], %gather3A {strides = array<i32>} : memref<16x1024xf32, #tpu.memory_space<vmem>>, vector<16xf32>,
        %mul3A_468 = arith.constant 32 : i32
        %mul3A_469 = arith.muli %scan3A_455, %mul3A_468 : i32
        %add3A_470 = arith.constant 16 : i32
        %add3A_471 = arith.addi %mul3A_469, %add3A_470 : i32
        %swap3A_472 = arith.constant 13 : i32
        %swap3A_473 = arith.index_cast %swap3A_472 : i32 to index
        %swap3A_474 = arith.index_cast %add3A_471 : i32 to index
        %swap3A_475 = tpu.vector_load %arg8[%swap3A_473, %swap3A_474] {strides = array<i32>} : memref<16x1024xf32, #tpu.memory_space<vmem>>, vector<16xf32>,
        tpu.vector_store %arg8[%swap3A_473, %swap3A_474], %gather3A {strides = array<i32>} : memref<16x1024xf32, #tpu.memory_space<vmem>>, vector<16xf32>,
      }
      %scan3A_430 = arith.constant 32 : i32
      %mul3A_431 = arith.constant 16 : i32
      %mul3A_432 = arith.muli %add3A, %mul3A_431 : i32
      %add3A_433 = arith.constant 14 : i32
      %add3A_434 = arith.addi %mul3A_432, %add3A_433 : i32
      %sub3A_435 = arith.constant 256 : i32
      %sub3A_436 = arith.subi %add3A_434, %sub3A_435 : i32
      %scan3A_437 = arith.constant 0 : i32
      %scan3A_438 = arith.constant 0 : i32
      %scan3A_439 = arith.constant 32 : i32
      %scan3A_440 = arith.addi %scan3A_438, %scan3A_439 : i32
      %scan3A_441 = arith.constant 1 : i32
      scf.for %scan3A_455 = %scan3A_438 to %scan3A_440 step %scan3A_441  : i32 {
        %broadcast_in_dim3A = arith.constant 1 : i32
        %broadcast_in_dim3A_456 = vector.broadcast %broadcast_in_dim3A : i32 to vector<16xi32>
        %add3A_457 = vector.broadcast %scan3A_455 : i32 to vector<16xi32>
        %add3A_458 = arith.addi %broadcast_in_dim3A_456, %add3A_457 : vector<16xi32>
        %broadcast_in_dim3A_459 = arith.constant 0 : i32
        %broadcast_in_dim3A_460 = vector.broadcast %broadcast_in_dim3A_459 : i32 to vector<16xi32>
        %add3A_461 = vector.broadcast %sub3A_436 : i32 to vector<16xi32>
        %add3A_462 = arith.addi %broadcast_in_dim3A_460, %add3A_461 : vector<16xi32>
        %gather3A = tpu.vector_load_idx %arg7[%add3A_458, %add3A_462] : memref<40x256xf32, #tpu.memory_space<vmem>>[vector<16xi32>, vector<16xi32>], vector<16xf32>,
        %mul3A_463 = arith.constant 32 : i32
        %mul3A_464 = arith.muli %scan3A_455, %mul3A_463 : i32
        %swap3A = arith.constant 14 : i32
        %swap3A_465 = arith.index_cast %swap3A : i32 to index
        %swap3A_466 = arith.index_cast %mul3A_464 : i32 to index
        %swap3A_467 = tpu.vector_load %arg8[%swap3A_465, %swap3A_466] {strides = array<i32>} : memref<16x1024xf32, #tpu.memory_space<vmem>>, vector<16xf32>,
        tpu.vector_store %arg8[%swap3A_465, %swap3A_466], %gather3A {strides = array<i32>} : memref<16x1024xf32, #tpu.memory_space<vmem>>, vector<16xf32>,
        %mul3A_468 = arith.constant 32 : i32
        %mul3A_469 = arith.muli %scan3A_455, %mul3A_468 : i32
        %add3A_470 = arith.constant 16 : i32
        %add3A_471 = arith.addi %mul3A_469, %add3A_470 : i32
        %swap3A_472 = arith.constant 14 : i32
        %swap3A_473 = arith.index_cast %swap3A_472 : i32 to index
        %swap3A_474 = arith.index_cast %add3A_471 : i32 to index
        %swap3A_475 = tpu.vector_load %arg8[%swap3A_473, %swap3A_474] {strides = array<i32>} : memref<16x1024xf32, #tpu.memory_space<vmem>>, vector<16xf32>,
        tpu.vector_store %arg8[%swap3A_473, %swap3A_474], %gather3A {strides = array<i32>} : memref<16x1024xf32, #tpu.memory_space<vmem>>, vector<16xf32>,
      }
      %scan3A_442 = arith.constant 32 : i32
      %mul3A_443 = arith.constant 16 : i32
      %mul3A_444 = arith.muli %add3A, %mul3A_443 : i32
      %add3A_445 = arith.constant 15 : i32
      %add3A_446 = arith.addi %mul3A_444, %add3A_445 : i32
      %sub3A_447 = arith.constant 256 : i32
      %sub3A_448 = arith.subi %add3A_446, %sub3A_447 : i32
      %scan3A_449 = arith.constant 0 : i32
      %scan3A_450 = arith.constant 0 : i32
      %scan3A_451 = arith.constant 32 : i32
      %scan3A_452 = arith.addi %scan3A_450, %scan3A_451 : i32
      %scan3A_453 = arith.constant 1 : i32
      scf.for %scan3A_455 = %scan3A_450 to %scan3A_452 step %scan3A_453  : i32 {
        %broadcast_in_dim3A = arith.constant 1 : i32
        %broadcast_in_dim3A_456 = vector.broadcast %broadcast_in_dim3A : i32 to vector<16xi32>
        %add3A_457 = vector.broadcast %scan3A_455 : i32 to vector<16xi32>
        %add3A_458 = arith.addi %broadcast_in_dim3A_456, %add3A_457 : vector<16xi32>
        %broadcast_in_dim3A_459 = arith.constant 0 : i32
        %broadcast_in_dim3A_460 = vector.broadcast %broadcast_in_dim3A_459 : i32 to vector<16xi32>
        %add3A_461 = vector.broadcast %sub3A_448 : i32 to vector<16xi32>
        %add3A_462 = arith.addi %broadcast_in_dim3A_460, %add3A_461 : vector<16xi32>
        %gather3A = tpu.vector_load_idx %arg7[%add3A_458, %add3A_462] : memref<40x256xf32, #tpu.memory_space<vmem>>[vector<16xi32>, vector<16xi32>], vector<16xf32>,
        %mul3A_463 = arith.constant 32 : i32
        %mul3A_464 = arith.muli %scan3A_455, %mul3A_463 : i32
        %swap3A = arith.constant 15 : i32
        %swap3A_465 = arith.index_cast %swap3A : i32 to index
        %swap3A_466 = arith.index_cast %mul3A_464 : i32 to index
        %swap3A_467 = tpu.vector_load %arg8[%swap3A_465, %swap3A_466] {strides = array<i32>} : memref<16x1024xf32, #tpu.memory_space<vmem>>, vector<16xf32>,
        tpu.vector_store %arg8[%swap3A_465, %swap3A_466], %gather3A {strides = array<i32>} : memref<16x1024xf32, #tpu.memory_space<vmem>>, vector<16xf32>,
        %mul3A_468 = arith.constant 32 : i32
        %mul3A_469 = arith.muli %scan3A_455, %mul3A_468 : i32
        %add3A_470 = arith.constant 16 : i32
        %add3A_471 = arith.addi %mul3A_469, %add3A_470 : i32
        %swap3A_472 = arith.constant 15 : i32
        %swap3A_473 = arith.index_cast %swap3A_472 : i32 to index
        %swap3A_474 = arith.index_cast %add3A_471 : i32 to index
        %swap3A_475 = tpu.vector_load %arg8[%swap3A_473, %swap3A_474] {strides = array<i32>} : memref<16x1024xf32, #tpu.memory_space<vmem>>, vector<16xf32>,
        tpu.vector_store %arg8[%swap3A_473, %swap3A_474], %gather3A {strides = array<i32>} : memref<16x1024xf32, #tpu.memory_space<vmem>>, vector<16xf32>,
      }
      %scan3A_454 = arith.constant 32 : i32
    } else {
    }
    %mul3A_7 = arith.constant 16 : i32
    %mul3A_8 = arith.muli %add3A, %mul3A_7 : i32
    %dma_start3A = arith.constant 0 : i32
    %dma_start3A_9 = arith.constant 0 : i32
    %dma_start3A_10 = tpu.memref_slice %arg5[%dma_start3A, %mul3A_8, %dma_start3A_9] : memref<16x512x1024xf32, #tpu.memory_space<hbm>> -> memref<1x16x1024xf32, #tpu.memory_space<hbm>>
    %dma_start3A_11 = tpu.memref_squeeze %dma_start3A_10 : memref<1x16x1024xf32, #tpu.memory_space<hbm>> -> memref<16x1024xf32, #tpu.memory_space<hbm>>
    %dma_start3A_12 = arith.constant 0 : i32
    %dma_start3A_13 = tpu.memref_slice %arg5[%dma_start3A, %mul3A_8, %dma_start3A_12] : memref<16x512x1024xf32, #tpu.memory_space<hbm>> -> memref<1x16x1024xf32, #tpu.memory_space<hbm>>
    %dma_start3A_14 = tpu.memref_squeeze %dma_start3A_13 : memref<1x16x1024xf32, #tpu.memory_space<hbm>> -> memref<16x1024xf32, #tpu.memory_space<hbm>>
    tpu.enqueue_dma source(%arg8 : memref<16x1024xf32, #tpu.memory_space<vmem>>) target(%dma_start3A_14 : memref<16x1024xf32, #tpu.memory_space<hbm>>) target_semaphore(%arg11 : memref<!tpu.dma_semaphore, #tpu.memory_space<semaphore_mem>>)
    %mul3A_15 = arith.constant 16 : i32
    %mul3A_16 = arith.muli %add3A, %mul3A_15 : i32
    %dma_start3A_17 = arith.constant 1 : i32
    %dma_start3A_18 = arith.constant 0 : i32
    %dma_start3A_19 = tpu.memref_slice %arg5[%dma_start3A_17, %mul3A_16, %dma_start3A_18] : memref<16x512x1024xf32, #tpu.memory_space<hbm>> -> memref<1x16x1024xf32, #tpu.memory_space<hbm>>
    %dma_start3A_20 = tpu.memref_squeeze %dma_start3A_19 : memref<1x16x1024xf32, #tpu.memory_space<hbm>> -> memref<16x1024xf32, #tpu.memory_space<hbm>>
    %dma_start3A_21 = arith.constant 0 : i32
    %dma_start3A_22 = tpu.memref_slice %arg5[%dma_start3A_17, %mul3A_16, %dma_start3A_21] : memref<16x512x1024xf32, #tpu.memory_space<hbm>> -> memref<1x16x1024xf32, #tpu.memory_space<hbm>>
    %dma_start3A_23 = tpu.memref_squeeze %dma_start3A_22 : memref<1x16x1024xf32, #tpu.memory_space<hbm>> -> memref<16x1024xf32, #tpu.memory_space<hbm>>
    tpu.enqueue_dma source(%arg8 : memref<16x1024xf32, #tpu.memory_space<vmem>>) target(%dma_start3A_23 : memref<16x1024xf32, #tpu.memory_space<hbm>>) target_semaphore(%arg11 : memref<!tpu.dma_semaphore, #tpu.memory_space<semaphore_mem>>)
    %mul3A_24 = arith.constant 16 : i32
    %mul3A_25 = arith.muli %add3A, %mul3A_24 : i32
    %dma_start3A_26 = arith.constant 2 : i32
    %dma_start3A_27 = arith.constant 0 : i32
    %dma_start3A_28 = tpu.memref_slice %arg5[%dma_start3A_26, %mul3A_25, %dma_start3A_27] : memref<16x512x1024xf32, #tpu.memory_space<hbm>> -> memref<1x16x1024xf32, #tpu.memory_space<hbm>>
    %dma_start3A_29 = tpu.memref_squeeze %dma_start3A_28 : memref<1x16x1024xf32, #tpu.memory_space<hbm>> -> memref<16x1024xf32, #tpu.memory_space<hbm>>
    %dma_start3A_30 = arith.constant 0 : i32
    %dma_start3A_31 = tpu.memref_slice %arg5[%dma_start3A_26, %mul3A_25, %dma_start3A_30] : memref<16x512x1024xf32, #tpu.memory_space<hbm>> -> memref<1x16x1024xf32, #tpu.memory_space<hbm>>
    %dma_start3A_32 = tpu.memref_squeeze %dma_start3A_31 : memref<1x16x1024xf32, #tpu.memory_space<hbm>> -> memref<16x1024xf32, #tpu.memory_space<hbm>>
    tpu.enqueue_dma source(%arg8 : memref<16x1024xf32, #tpu.memory_space<vmem>>) target(%dma_start3A_32 : memref<16x1024xf32, #tpu.memory_space<hbm>>) target_semaphore(%arg11 : memref<!tpu.dma_semaphore, #tpu.memory_space<semaphore_mem>>)
    %mul3A_33 = arith.constant 16 : i32
    %mul3A_34 = arith.muli %add3A, %mul3A_33 : i32
    %dma_start3A_35 = arith.constant 3 : i32
    %dma_start3A_36 = arith.constant 0 : i32
    %dma_start3A_37 = tpu.memref_slice %arg5[%dma_start3A_35, %mul3A_34, %dma_start3A_36] : memref<16x512x1024xf32, #tpu.memory_space<hbm>> -> memref<1x16x1024xf32, #tpu.memory_space<hbm>>
    %dma_start3A_38 = tpu.memref_squeeze %dma_start3A_37 : memref<1x16x1024xf32, #tpu.memory_space<hbm>> -> memref<16x1024xf32, #tpu.memory_space<hbm>>
    %dma_start3A_39 = arith.constant 0 : i32
    %dma_start3A_40 = tpu.memref_slice %arg5[%dma_start3A_35, %mul3A_34, %dma_start3A_39] : memref<16x512x1024xf32, #tpu.memory_space<hbm>> -> memref<1x16x1024xf32, #tpu.memory_space<hbm>>
    %dma_start3A_41 = tpu.memref_squeeze %dma_start3A_40 : memref<1x16x1024xf32, #tpu.memory_space<hbm>> -> memref<16x1024xf32, #tpu.memory_space<hbm>>
    tpu.enqueue_dma source(%arg8 : memref<16x1024xf32, #tpu.memory_space<vmem>>) target(%dma_start3A_41 : memref<16x1024xf32, #tpu.memory_space<hbm>>) target_semaphore(%arg11 : memref<!tpu.dma_semaphore, #tpu.memory_space<semaphore_mem>>)
    %mul3A_42 = arith.constant 16 : i32
    %mul3A_43 = arith.muli %add3A, %mul3A_42 : i32
    %dma_start3A_44 = arith.constant 4 : i32
    %dma_start3A_45 = arith.constant 0 : i32
    %dma_start3A_46 = tpu.memref_slice %arg5[%dma_start3A_44, %mul3A_43, %dma_start3A_45] : memref<16x512x1024xf32, #tpu.memory_space<hbm>> -> memref<1x16x1024xf32, #tpu.memory_space<hbm>>
    %dma_start3A_47 = tpu.memref_squeeze %dma_start3A_46 : memref<1x16x1024xf32, #tpu.memory_space<hbm>> -> memref<16x1024xf32, #tpu.memory_space<hbm>>
    %dma_start3A_48 = arith.constant 0 : i32
    %dma_start3A_49 = tpu.memref_slice %arg5[%dma_start3A_44, %mul3A_43, %dma_start3A_48] : memref<16x512x1024xf32, #tpu.memory_space<hbm>> -> memref<1x16x1024xf32, #tpu.memory_space<hbm>>
    %dma_start3A_50 = tpu.memref_squeeze %dma_start3A_49 : memref<1x16x1024xf32, #tpu.memory_space<hbm>> -> memref<16x1024xf32, #tpu.memory_space<hbm>>
    tpu.enqueue_dma source(%arg8 : memref<16x1024xf32, #tpu.memory_space<vmem>>) target(%dma_start3A_50 : memref<16x1024xf32, #tpu.memory_space<hbm>>) target_semaphore(%arg11 : memref<!tpu.dma_semaphore, #tpu.memory_space<semaphore_mem>>)
    %mul3A_51 = arith.constant 16 : i32
    %mul3A_52 = arith.muli %add3A, %mul3A_51 : i32
    %dma_start3A_53 = arith.constant 5 : i32
    %dma_start3A_54 = arith.constant 0 : i32
    %dma_start3A_55 = tpu.memref_slice %arg5[%dma_start3A_53, %mul3A_52, %dma_start3A_54] : memref<16x512x1024xf32, #tpu.memory_space<hbm>> -> memref<1x16x1024xf32, #tpu.memory_space<hbm>>
    %dma_start3A_56 = tpu.memref_squeeze %dma_start3A_55 : memref<1x16x1024xf32, #tpu.memory_space<hbm>> -> memref<16x1024xf32, #tpu.memory_space<hbm>>
    %dma_start3A_57 = arith.constant 0 : i32
    %dma_start3A_58 = tpu.memref_slice %arg5[%dma_start3A_53, %mul3A_52, %dma_start3A_57] : memref<16x512x1024xf32, #tpu.memory_space<hbm>> -> memref<1x16x1024xf32, #tpu.memory_space<hbm>>
    %dma_start3A_59 = tpu.memref_squeeze %dma_start3A_58 : memref<1x16x1024xf32, #tpu.memory_space<hbm>> -> memref<16x1024xf32, #tpu.memory_space<hbm>>
    tpu.enqueue_dma source(%arg8 : memref<16x1024xf32, #tpu.memory_space<vmem>>) target(%dma_start3A_59 : memref<16x1024xf32, #tpu.memory_space<hbm>>) target_semaphore(%arg11 : memref<!tpu.dma_semaphore, #tpu.memory_space<semaphore_mem>>)
    %mul3A_60 = arith.constant 16 : i32
    %mul3A_61 = arith.muli %add3A, %mul3A_60 : i32
    %dma_start3A_62 = arith.constant 6 : i32
    %dma_start3A_63 = arith.constant 0 : i32
    %dma_start3A_64 = tpu.memref_slice %arg5[%dma_start3A_62, %mul3A_61, %dma_start3A_63] : memref<16x512x1024xf32, #tpu.memory_space<hbm>> -> memref<1x16x1024xf32, #tpu.memory_space<hbm>>
    %dma_start3A_65 = tpu.memref_squeeze %dma_start3A_64 : memref<1x16x1024xf32, #tpu.memory_space<hbm>> -> memref<16x1024xf32, #tpu.memory_space<hbm>>
    %dma_start3A_66 = arith.constant 0 : i32
    %dma_start3A_67 = tpu.memref_slice %arg5[%dma_start3A_62, %mul3A_61, %dma_start3A_66] : memref<16x512x1024xf32, #tpu.memory_space<hbm>> -> memref<1x16x1024xf32, #tpu.memory_space<hbm>>
    %dma_start3A_68 = tpu.memref_squeeze %dma_start3A_67 : memref<1x16x1024xf32, #tpu.memory_space<hbm>> -> memref<16x1024xf32, #tpu.memory_space<hbm>>
    tpu.enqueue_dma source(%arg8 : memref<16x1024xf32, #tpu.memory_space<vmem>>) target(%dma_start3A_68 : memref<16x1024xf32, #tpu.memory_space<hbm>>) target_semaphore(%arg11 : memref<!tpu.dma_semaphore, #tpu.memory_space<semaphore_mem>>)
    %mul3A_69 = arith.constant 16 : i32
    %mul3A_70 = arith.muli %add3A, %mul3A_69 : i32
    %dma_start3A_71 = arith.constant 7 : i32
    %dma_start3A_72 = arith.constant 0 : i32
    %dma_start3A_73 = tpu.memref_slice %arg5[%dma_start3A_71, %mul3A_70, %dma_start3A_72] : memref<16x512x1024xf32, #tpu.memory_space<hbm>> -> memref<1x16x1024xf32, #tpu.memory_space<hbm>>
    %dma_start3A_74 = tpu.memref_squeeze %dma_start3A_73 : memref<1x16x1024xf32, #tpu.memory_space<hbm>> -> memref<16x1024xf32, #tpu.memory_space<hbm>>
    %dma_start3A_75 = arith.constant 0 : i32
    %dma_start3A_76 = tpu.memref_slice %arg5[%dma_start3A_71, %mul3A_70, %dma_start3A_75] : memref<16x512x1024xf32, #tpu.memory_space<hbm>> -> memref<1x16x1024xf32, #tpu.memory_space<hbm>>
    %dma_start3A_77 = tpu.memref_squeeze %dma_start3A_76 : memref<1x16x1024xf32, #tpu.memory_space<hbm>> -> memref<16x1024xf32, #tpu.memory_space<hbm>>
    tpu.enqueue_dma source(%arg8 : memref<16x1024xf32, #tpu.memory_space<vmem>>) target(%dma_start3A_77 : memref<16x1024xf32, #tpu.memory_space<hbm>>) target_semaphore(%arg11 : memref<!tpu.dma_semaphore, #tpu.memory_space<semaphore_mem>>)
    %mul3A_78 = arith.constant 16 : i32
    %mul3A_79 = arith.muli %add3A, %mul3A_78 : i32
    %dma_start3A_80 = arith.constant 8 : i32
    %dma_start3A_81 = arith.constant 0 : i32
    %dma_start3A_82 = tpu.memref_slice %arg5[%dma_start3A_80, %mul3A_79, %dma_start3A_81] : memref<16x512x1024xf32, #tpu.memory_space<hbm>> -> memref<1x16x1024xf32, #tpu.memory_space<hbm>>
    %dma_start3A_83 = tpu.memref_squeeze %dma_start3A_82 : memref<1x16x1024xf32, #tpu.memory_space<hbm>> -> memref<16x1024xf32, #tpu.memory_space<hbm>>
    %dma_start3A_84 = arith.constant 0 : i32
    %dma_start3A_85 = tpu.memref_slice %arg5[%dma_start3A_80, %mul3A_79, %dma_start3A_84] : memref<16x512x1024xf32, #tpu.memory_space<hbm>> -> memref<1x16x1024xf32, #tpu.memory_space<hbm>>
    %dma_start3A_86 = tpu.memref_squeeze %dma_start3A_85 : memref<1x16x1024xf32, #tpu.memory_space<hbm>> -> memref<16x1024xf32, #tpu.memory_space<hbm>>
    tpu.enqueue_dma source(%arg8 : memref<16x1024xf32, #tpu.memory_space<vmem>>) target(%dma_start3A_86 : memref<16x1024xf32, #tpu.memory_space<hbm>>) target_semaphore(%arg11 : memref<!tpu.dma_semaphore, #tpu.memory_space<semaphore_mem>>)
    %mul3A_87 = arith.constant 16 : i32
    %mul3A_88 = arith.muli %add3A, %mul3A_87 : i32
    %dma_start3A_89 = arith.constant 9 : i32
    %dma_start3A_90 = arith.constant 0 : i32
    %dma_start3A_91 = tpu.memref_slice %arg5[%dma_start3A_89, %mul3A_88, %dma_start3A_90] : memref<16x512x1024xf32, #tpu.memory_space<hbm>> -> memref<1x16x1024xf32, #tpu.memory_space<hbm>>
    %dma_start3A_92 = tpu.memref_squeeze %dma_start3A_91 : memref<1x16x1024xf32, #tpu.memory_space<hbm>> -> memref<16x1024xf32, #tpu.memory_space<hbm>>
    %dma_start3A_93 = arith.constant 0 : i32
    %dma_start3A_94 = tpu.memref_slice %arg5[%dma_start3A_89, %mul3A_88, %dma_start3A_93] : memref<16x512x1024xf32, #tpu.memory_space<hbm>> -> memref<1x16x1024xf32, #tpu.memory_space<hbm>>
    %dma_start3A_95 = tpu.memref_squeeze %dma_start3A_94 : memref<1x16x1024xf32, #tpu.memory_space<hbm>> -> memref<16x1024xf32, #tpu.memory_space<hbm>>
    tpu.enqueue_dma source(%arg8 : memref<16x1024xf32, #tpu.memory_space<vmem>>) target(%dma_start3A_95 : memref<16x1024xf32, #tpu.memory_space<hbm>>) target_semaphore(%arg11 : memref<!tpu.dma_semaphore, #tpu.memory_space<semaphore_mem>>)
    %mul3A_96 = arith.constant 16 : i32
    %mul3A_97 = arith.muli %add3A, %mul3A_96 : i32
    %dma_start3A_98 = arith.constant 10 : i32
    %dma_start3A_99 = arith.constant 0 : i32
    %dma_start3A_100 = tpu.memref_slice %arg5[%dma_start3A_98, %mul3A_97, %dma_start3A_99] : memref<16x512x1024xf32, #tpu.memory_space<hbm>> -> memref<1x16x1024xf32, #tpu.memory_space<hbm>>
    %dma_start3A_101 = tpu.memref_squeeze %dma_start3A_100 : memref<1x16x1024xf32, #tpu.memory_space<hbm>> -> memref<16x1024xf32, #tpu.memory_space<hbm>>
    %dma_start3A_102 = arith.constant 0 : i32
    %dma_start3A_103 = tpu.memref_slice %arg5[%dma_start3A_98, %mul3A_97, %dma_start3A_102] : memref<16x512x1024xf32, #tpu.memory_space<hbm>> -> memref<1x16x1024xf32, #tpu.memory_space<hbm>>
    %dma_start3A_104 = tpu.memref_squeeze %dma_start3A_103 : memref<1x16x1024xf32, #tpu.memory_space<hbm>> -> memref<16x1024xf32, #tpu.memory_space<hbm>>
    tpu.enqueue_dma source(%arg8 : memref<16x1024xf32, #tpu.memory_space<vmem>>) target(%dma_start3A_104 : memref<16x1024xf32, #tpu.memory_space<hbm>>) target_semaphore(%arg11 : memref<!tpu.dma_semaphore, #tpu.memory_space<semaphore_mem>>)
    %mul3A_105 = arith.constant 16 : i32
    %mul3A_106 = arith.muli %add3A, %mul3A_105 : i32
    %dma_start3A_107 = arith.constant 11 : i32
    %dma_start3A_108 = arith.constant 0 : i32
    %dma_start3A_109 = tpu.memref_slice %arg5[%dma_start3A_107, %mul3A_106, %dma_start3A_108] : memref<16x512x1024xf32, #tpu.memory_space<hbm>> -> memref<1x16x1024xf32, #tpu.memory_space<hbm>>
    %dma_start3A_110 = tpu.memref_squeeze %dma_start3A_109 : memref<1x16x1024xf32, #tpu.memory_space<hbm>> -> memref<16x1024xf32, #tpu.memory_space<hbm>>
    %dma_start3A_111 = arith.constant 0 : i32
    %dma_start3A_112 = tpu.memref_slice %arg5[%dma_start3A_107, %mul3A_106, %dma_start3A_111] : memref<16x512x1024xf32, #tpu.memory_space<hbm>> -> memref<1x16x1024xf32, #tpu.memory_space<hbm>>
    %dma_start3A_113 = tpu.memref_squeeze %dma_start3A_112 : memref<1x16x1024xf32, #tpu.memory_space<hbm>> -> memref<16x1024xf32, #tpu.memory_space<hbm>>
    tpu.enqueue_dma source(%arg8 : memref<16x1024xf32, #tpu.memory_space<vmem>>) target(%dma_start3A_113 : memref<16x1024xf32, #tpu.memory_space<hbm>>) target_semaphore(%arg11 : memref<!tpu.dma_semaphore, #tpu.memory_space<semaphore_mem>>)
    %mul3A_114 = arith.constant 16 : i32
    %mul3A_115 = arith.muli %add3A, %mul3A_114 : i32
    %dma_start3A_116 = arith.constant 12 : i32
    %dma_start3A_117 = arith.constant 0 : i32
    %dma_start3A_118 = tpu.memref_slice %arg5[%dma_start3A_116, %mul3A_115, %dma_start3A_117] : memref<16x512x1024xf32, #tpu.memory_space<hbm>> -> memref<1x16x1024xf32, #tpu.memory_space<hbm>>
    %dma_start3A_119 = tpu.memref_squeeze %dma_start3A_118 : memref<1x16x1024xf32, #tpu.memory_space<hbm>> -> memref<16x1024xf32, #tpu.memory_space<hbm>>
    %dma_start3A_120 = arith.constant 0 : i32
    %dma_start3A_121 = tpu.memref_slice %arg5[%dma_start3A_116, %mul3A_115, %dma_start3A_120] : memref<16x512x1024xf32, #tpu.memory_space<hbm>> -> memref<1x16x1024xf32, #tpu.memory_space<hbm>>
    %dma_start3A_122 = tpu.memref_squeeze %dma_start3A_121 : memref<1x16x1024xf32, #tpu.memory_space<hbm>> -> memref<16x1024xf32, #tpu.memory_space<hbm>>
    tpu.enqueue_dma source(%arg8 : memref<16x1024xf32, #tpu.memory_space<vmem>>) target(%dma_start3A_122 : memref<16x1024xf32, #tpu.memory_space<hbm>>) target_semaphore(%arg11 : memref<!tpu.dma_semaphore, #tpu.memory_space<semaphore_mem>>)
    %mul3A_123 = arith.constant 16 : i32
    %mul3A_124 = arith.muli %add3A, %mul3A_123 : i32
    %dma_start3A_125 = arith.constant 13 : i32
    %dma_start3A_126 = arith.constant 0 : i32
    %dma_start3A_127 = tpu.memref_slice %arg5[%dma_start3A_125, %mul3A_124, %dma_start3A_126] : memref<16x512x1024xf32, #tpu.memory_space<hbm>> -> memref<1x16x1024xf32, #tpu.memory_space<hbm>>
    %dma_start3A_128 = tpu.memref_squeeze %dma_start3A_127 : memref<1x16x1024xf32, #tpu.memory_space<hbm>> -> memref<16x1024xf32, #tpu.memory_space<hbm>>
    %dma_start3A_129 = arith.constant 0 : i32
    %dma_start3A_130 = tpu.memref_slice %arg5[%dma_start3A_125, %mul3A_124, %dma_start3A_129] : memref<16x512x1024xf32, #tpu.memory_space<hbm>> -> memref<1x16x1024xf32, #tpu.memory_space<hbm>>
    %dma_start3A_131 = tpu.memref_squeeze %dma_start3A_130 : memref<1x16x1024xf32, #tpu.memory_space<hbm>> -> memref<16x1024xf32, #tpu.memory_space<hbm>>
    tpu.enqueue_dma source(%arg8 : memref<16x1024xf32, #tpu.memory_space<vmem>>) target(%dma_start3A_131 : memref<16x1024xf32, #tpu.memory_space<hbm>>) target_semaphore(%arg11 : memref<!tpu.dma_semaphore, #tpu.memory_space<semaphore_mem>>)
    %mul3A_132 = arith.constant 16 : i32
    %mul3A_133 = arith.muli %add3A, %mul3A_132 : i32
    %dma_start3A_134 = arith.constant 14 : i32
    %dma_start3A_135 = arith.constant 0 : i32
    %dma_start3A_136 = tpu.memref_slice %arg5[%dma_start3A_134, %mul3A_133, %dma_start3A_135] : memref<16x512x1024xf32, #tpu.memory_space<hbm>> -> memref<1x16x1024xf32, #tpu.memory_space<hbm>>
    %dma_start3A_137 = tpu.memref_squeeze %dma_start3A_136 : memref<1x16x1024xf32, #tpu.memory_space<hbm>> -> memref<16x1024xf32, #tpu.memory_space<hbm>>
    %dma_start3A_138 = arith.constant 0 : i32
    %dma_start3A_139 = tpu.memref_slice %arg5[%dma_start3A_134, %mul3A_133, %dma_start3A_138] : memref<16x512x1024xf32, #tpu.memory_space<hbm>> -> memref<1x16x1024xf32, #tpu.memory_space<hbm>>
    %dma_start3A_140 = tpu.memref_squeeze %dma_start3A_139 : memref<1x16x1024xf32, #tpu.memory_space<hbm>> -> memref<16x1024xf32, #tpu.memory_space<hbm>>
    tpu.enqueue_dma source(%arg8 : memref<16x1024xf32, #tpu.memory_space<vmem>>) target(%dma_start3A_140 : memref<16x1024xf32, #tpu.memory_space<hbm>>) target_semaphore(%arg11 : memref<!tpu.dma_semaphore, #tpu.memory_space<semaphore_mem>>)
    %mul3A_141 = arith.constant 16 : i32
    %mul3A_142 = arith.muli %add3A, %mul3A_141 : i32
    %dma_start3A_143 = arith.constant 15 : i32
    %dma_start3A_144 = arith.constant 0 : i32
    %dma_start3A_145 = tpu.memref_slice %arg5[%dma_start3A_143, %mul3A_142, %dma_start3A_144] : memref<16x512x1024xf32, #tpu.memory_space<hbm>> -> memref<1x16x1024xf32, #tpu.memory_space<hbm>>
    %dma_start3A_146 = tpu.memref_squeeze %dma_start3A_145 : memref<1x16x1024xf32, #tpu.memory_space<hbm>> -> memref<16x1024xf32, #tpu.memory_space<hbm>>
    %dma_start3A_147 = arith.constant 0 : i32
    %dma_start3A_148 = tpu.memref_slice %arg5[%dma_start3A_143, %mul3A_142, %dma_start3A_147] : memref<16x512x1024xf32, #tpu.memory_space<hbm>> -> memref<1x16x1024xf32, #tpu.memory_space<hbm>>
    %dma_start3A_149 = tpu.memref_squeeze %dma_start3A_148 : memref<1x16x1024xf32, #tpu.memory_space<hbm>> -> memref<16x1024xf32, #tpu.memory_space<hbm>>
    tpu.enqueue_dma source(%arg8 : memref<16x1024xf32, #tpu.memory_space<vmem>>) target(%dma_start3A_149 : memref<16x1024xf32, #tpu.memory_space<hbm>>) target_semaphore(%arg11 : memref<!tpu.dma_semaphore, #tpu.memory_space<semaphore_mem>>)
    %dma_wait3A = arith.constant 0 : i32
    %dma_wait3A_150 = arith.constant 0 : i32
    %dma_wait3A_151 = tpu.memref_slice %arg5[%dma_wait3A, %mul3A_8, %dma_wait3A_150] : memref<16x512x1024xf32, #tpu.memory_space<hbm>> -> memref<1x16x1024xf32, #tpu.memory_space<hbm>>
    %dma_wait3A_152 = tpu.memref_squeeze %dma_wait3A_151 : memref<1x16x1024xf32, #tpu.memory_space<hbm>> -> memref<16x1024xf32, #tpu.memory_space<hbm>>
    %dma_wait3A_153 = arith.constant 0 : i32
    %dma_wait3A_154 = tpu.memref_slice %arg5[%dma_wait3A, %mul3A_8, %dma_wait3A_153] : memref<16x512x1024xf32, #tpu.memory_space<hbm>> -> memref<1x16x1024xf32, #tpu.memory_space<hbm>>
    %dma_wait3A_155 = tpu.memref_squeeze %dma_wait3A_154 : memref<1x16x1024xf32, #tpu.memory_space<hbm>> -> memref<16x1024xf32, #tpu.memory_space<hbm>>
    tpu.wait_dma2 semaphore(%arg11 : memref<!tpu.dma_semaphore, #tpu.memory_space<semaphore_mem>>) src(%arg8 : memref<16x1024xf32, #tpu.memory_space<vmem>>) dst(%dma_wait3A_155 : memref<16x1024xf32, #tpu.memory_space<hbm>>)
    %dma_wait3A_156 = arith.constant 1 : i32
    %dma_wait3A_157 = arith.constant 0 : i32
    %dma_wait3A_158 = tpu.memref_slice %arg5[%dma_wait3A_156, %mul3A_16, %dma_wait3A_157] : memref<16x512x1024xf32, #tpu.memory_space<hbm>> -> memref<1x16x1024xf32, #tpu.memory_space<hbm>>
    %dma_wait3A_159 = tpu.memref_squeeze %dma_wait3A_158 : memref<1x16x1024xf32, #tpu.memory_space<hbm>> -> memref<16x1024xf32, #tpu.memory_space<hbm>>
    %dma_wait3A_160 = arith.constant 0 : i32
    %dma_wait3A_161 = tpu.memref_slice %arg5[%dma_wait3A_156, %mul3A_16, %dma_wait3A_160] : memref<16x512x1024xf32, #tpu.memory_space<hbm>> -> memref<1x16x1024xf32, #tpu.memory_space<hbm>>
    %dma_wait3A_162 = tpu.memref_squeeze %dma_wait3A_161 : memref<1x16x1024xf32, #tpu.memory_space<hbm>> -> memref<16x1024xf32, #tpu.memory_space<hbm>>
    tpu.wait_dma2 semaphore(%arg11 : memref<!tpu.dma_semaphore, #tpu.memory_space<semaphore_mem>>) src(%arg8 : memref<16x1024xf32, #tpu.memory_space<vmem>>) dst(%dma_wait3A_162 : memref<16x1024xf32, #tpu.memory_space<hbm>>)
    %dma_wait3A_163 = arith.constant 2 : i32
    %dma_wait3A_164 = arith.constant 0 : i32
    %dma_wait3A_165 = tpu.memref_slice %arg5[%dma_wait3A_163, %mul3A_25, %dma_wait3A_164] : memref<16x512x1024xf32, #tpu.memory_space<hbm>> -> memref<1x16x1024xf32, #tpu.memory_space<hbm>>
    %dma_wait3A_166 = tpu.memref_squeeze %dma_wait3A_165 : memref<1x16x1024xf32, #tpu.memory_space<hbm>> -> memref<16x1024xf32, #tpu.memory_space<hbm>>
    %dma_wait3A_167 = arith.constant 0 : i32
    %dma_wait3A_168 = tpu.memref_slice %arg5[%dma_wait3A_163, %mul3A_25, %dma_wait3A_167] : memref<16x512x1024xf32, #tpu.memory_space<hbm>> -> memref<1x16x1024xf32, #tpu.memory_space<hbm>>
    %dma_wait3A_169 = tpu.memref_squeeze %dma_wait3A_168 : memref<1x16x1024xf32, #tpu.memory_space<hbm>> -> memref<16x1024xf32, #tpu.memory_space<hbm>>
    tpu.wait_dma2 semaphore(%arg11 : memref<!tpu.dma_semaphore, #tpu.memory_space<semaphore_mem>>) src(%arg8 : memref<16x1024xf32, #tpu.memory_space<vmem>>) dst(%dma_wait3A_169 : memref<16x1024xf32, #tpu.memory_space<hbm>>)
    %dma_wait3A_170 = arith.constant 3 : i32
    %dma_wait3A_171 = arith.constant 0 : i32
    %dma_wait3A_172 = tpu.memref_slice %arg5[%dma_wait3A_170, %mul3A_34, %dma_wait3A_171] : memref<16x512x1024xf32, #tpu.memory_space<hbm>> -> memref<1x16x1024xf32, #tpu.memory_space<hbm>>
    %dma_wait3A_173 = tpu.memref_squeeze %dma_wait3A_172 : memref<1x16x1024xf32, #tpu.memory_space<hbm>> -> memref<16x1024xf32, #tpu.memory_space<hbm>>
    %dma_wait3A_174 = arith.constant 0 : i32
    %dma_wait3A_175 = tpu.memref_slice %arg5[%dma_wait3A_170, %mul3A_34, %dma_wait3A_174] : memref<16x512x1024xf32, #tpu.memory_space<hbm>> -> memref<1x16x1024xf32, #tpu.memory_space<hbm>>
    %dma_wait3A_176 = tpu.memref_squeeze %dma_wait3A_175 : memref<1x16x1024xf32, #tpu.memory_space<hbm>> -> memref<16x1024xf32, #tpu.memory_space<hbm>>
    tpu.wait_dma2 semaphore(%arg11 : memref<!tpu.dma_semaphore, #tpu.memory_space<semaphore_mem>>) src(%arg8 : memref<16x1024xf32, #tpu.memory_space<vmem>>) dst(%dma_wait3A_176 : memref<16x1024xf32, #tpu.memory_space<hbm>>)
    %dma_wait3A_177 = arith.constant 4 : i32
    %dma_wait3A_178 = arith.constant 0 : i32
    %dma_wait3A_179 = tpu.memref_slice %arg5[%dma_wait3A_177, %mul3A_43, %dma_wait3A_178] : memref<16x512x1024xf32, #tpu.memory_space<hbm>> -> memref<1x16x1024xf32, #tpu.memory_space<hbm>>
    %dma_wait3A_180 = tpu.memref_squeeze %dma_wait3A_179 : memref<1x16x1024xf32, #tpu.memory_space<hbm>> -> memref<16x1024xf32, #tpu.memory_space<hbm>>
    %dma_wait3A_181 = arith.constant 0 : i32
    %dma_wait3A_182 = tpu.memref_slice %arg5[%dma_wait3A_177, %mul3A_43, %dma_wait3A_181] : memref<16x512x1024xf32, #tpu.memory_space<hbm>> -> memref<1x16x1024xf32, #tpu.memory_space<hbm>>
    %dma_wait3A_183 = tpu.memref_squeeze %dma_wait3A_182 : memref<1x16x1024xf32, #tpu.memory_space<hbm>> -> memref<16x1024xf32, #tpu.memory_space<hbm>>
    tpu.wait_dma2 semaphore(%arg11 : memref<!tpu.dma_semaphore, #tpu.memory_space<semaphore_mem>>) src(%arg8 : memref<16x1024xf32, #tpu.memory_space<vmem>>) dst(%dma_wait3A_183 : memref<16x1024xf32, #tpu.memory_space<hbm>>)
    %dma_wait3A_184 = arith.constant 5 : i32
    %dma_wait3A_185 = arith.constant 0 : i32
    %dma_wait3A_186 = tpu.memref_slice %arg5[%dma_wait3A_184, %mul3A_52, %dma_wait3A_185] : memref<16x512x1024xf32, #tpu.memory_space<hbm>> -> memref<1x16x1024xf32, #tpu.memory_space<hbm>>
    %dma_wait3A_187 = tpu.memref_squeeze %dma_wait3A_186 : memref<1x16x1024xf32, #tpu.memory_space<hbm>> -> memref<16x1024xf32, #tpu.memory_space<hbm>>
    %dma_wait3A_188 = arith.constant 0 : i32
    %dma_wait3A_189 = tpu.memref_slice %arg5[%dma_wait3A_184, %mul3A_52, %dma_wait3A_188] : memref<16x512x1024xf32, #tpu.memory_space<hbm>> -> memref<1x16x1024xf32, #tpu.memory_space<hbm>>
    %dma_wait3A_190 = tpu.memref_squeeze %dma_wait3A_189 : memref<1x16x1024xf32, #tpu.memory_space<hbm>> -> memref<16x1024xf32, #tpu.memory_space<hbm>>
    tpu.wait_dma2 semaphore(%arg11 : memref<!tpu.dma_semaphore, #tpu.memory_space<semaphore_mem>>) src(%arg8 : memref<16x1024xf32, #tpu.memory_space<vmem>>) dst(%dma_wait3A_190 : memref<16x1024xf32, #tpu.memory_space<hbm>>)
    %dma_wait3A_191 = arith.constant 6 : i32
    %dma_wait3A_192 = arith.constant 0 : i32
    %dma_wait3A_193 = tpu.memref_slice %arg5[%dma_wait3A_191, %mul3A_61, %dma_wait3A_192] : memref<16x512x1024xf32, #tpu.memory_space<hbm>> -> memref<1x16x1024xf32, #tpu.memory_space<hbm>>
    %dma_wait3A_194 = tpu.memref_squeeze %dma_wait3A_193 : memref<1x16x1024xf32, #tpu.memory_space<hbm>> -> memref<16x1024xf32, #tpu.memory_space<hbm>>
    %dma_wait3A_195 = arith.constant 0 : i32
    %dma_wait3A_196 = tpu.memref_slice %arg5[%dma_wait3A_191, %mul3A_61, %dma_wait3A_195] : memref<16x512x1024xf32, #tpu.memory_space<hbm>> -> memref<1x16x1024xf32, #tpu.memory_space<hbm>>
    %dma_wait3A_197 = tpu.memref_squeeze %dma_wait3A_196 : memref<1x16x1024xf32, #tpu.memory_space<hbm>> -> memref<16x1024xf32, #tpu.memory_space<hbm>>
    tpu.wait_dma2 semaphore(%arg11 : memref<!tpu.dma_semaphore, #tpu.memory_space<semaphore_mem>>) src(%arg8 : memref<16x1024xf32, #tpu.memory_space<vmem>>) dst(%dma_wait3A_197 : memref<16x1024xf32, #tpu.memory_space<hbm>>)
    %dma_wait3A_198 = arith.constant 7 : i32
    %dma_wait3A_199 = arith.constant 0 : i32
    %dma_wait3A_200 = tpu.memref_slice %arg5[%dma_wait3A_198, %mul3A_70, %dma_wait3A_199] : memref<16x512x1024xf32, #tpu.memory_space<hbm>> -> memref<1x16x1024xf32, #tpu.memory_space<hbm>>
    %dma_wait3A_201 = tpu.memref_squeeze %dma_wait3A_200 : memref<1x16x1024xf32, #tpu.memory_space<hbm>> -> memref<16x1024xf32, #tpu.memory_space<hbm>>
    %dma_wait3A_202 = arith.constant 0 : i32
    %dma_wait3A_203 = tpu.memref_slice %arg5[%dma_wait3A_198, %mul3A_70, %dma_wait3A_202] : memref<16x512x1024xf32, #tpu.memory_space<hbm>> -> memref<1x16x1024xf32, #tpu.memory_space<hbm>>
    %dma_wait3A_204 = tpu.memref_squeeze %dma_wait3A_203 : memref<1x16x1024xf32, #tpu.memory_space<hbm>> -> memref<16x1024xf32, #tpu.memory_space<hbm>>
    tpu.wait_dma2 semaphore(%arg11 : memref<!tpu.dma_semaphore, #tpu.memory_space<semaphore_mem>>) src(%arg8 : memref<16x1024xf32, #tpu.memory_space<vmem>>) dst(%dma_wait3A_204 : memref<16x1024xf32, #tpu.memory_space<hbm>>)
    %dma_wait3A_205 = arith.constant 8 : i32
    %dma_wait3A_206 = arith.constant 0 : i32
    %dma_wait3A_207 = tpu.memref_slice %arg5[%dma_wait3A_205, %mul3A_79, %dma_wait3A_206] : memref<16x512x1024xf32, #tpu.memory_space<hbm>> -> memref<1x16x1024xf32, #tpu.memory_space<hbm>>
    %dma_wait3A_208 = tpu.memref_squeeze %dma_wait3A_207 : memref<1x16x1024xf32, #tpu.memory_space<hbm>> -> memref<16x1024xf32, #tpu.memory_space<hbm>>
    %dma_wait3A_209 = arith.constant 0 : i32
    %dma_wait3A_210 = tpu.memref_slice %arg5[%dma_wait3A_205, %mul3A_79, %dma_wait3A_209] : memref<16x512x1024xf32, #tpu.memory_space<hbm>> -> memref<1x16x1024xf32, #tpu.memory_space<hbm>>
    %dma_wait3A_211 = tpu.memref_squeeze %dma_wait3A_210 : memref<1x16x1024xf32, #tpu.memory_space<hbm>> -> memref<16x1024xf32, #tpu.memory_space<hbm>>
    tpu.wait_dma2 semaphore(%arg11 : memref<!tpu.dma_semaphore, #tpu.memory_space<semaphore_mem>>) src(%arg8 : memref<16x1024xf32, #tpu.memory_space<vmem>>) dst(%dma_wait3A_211 : memref<16x1024xf32, #tpu.memory_space<hbm>>)
    %dma_wait3A_212 = arith.constant 9 : i32
    %dma_wait3A_213 = arith.constant 0 : i32
    %dma_wait3A_214 = tpu.memref_slice %arg5[%dma_wait3A_212, %mul3A_88, %dma_wait3A_213] : memref<16x512x1024xf32, #tpu.memory_space<hbm>> -> memref<1x16x1024xf32, #tpu.memory_space<hbm>>
    %dma_wait3A_215 = tpu.memref_squeeze %dma_wait3A_214 : memref<1x16x1024xf32, #tpu.memory_space<hbm>> -> memref<16x1024xf32, #tpu.memory_space<hbm>>
    %dma_wait3A_216 = arith.constant 0 : i32
    %dma_wait3A_217 = tpu.memref_slice %arg5[%dma_wait3A_212, %mul3A_88, %dma_wait3A_216] : memref<16x512x1024xf32, #tpu.memory_space<hbm>> -> memref<1x16x1024xf32, #tpu.memory_space<hbm>>
    %dma_wait3A_218 = tpu.memref_squeeze %dma_wait3A_217 : memref<1x16x1024xf32, #tpu.memory_space<hbm>> -> memref<16x1024xf32, #tpu.memory_space<hbm>>
    tpu.wait_dma2 semaphore(%arg11 : memref<!tpu.dma_semaphore, #tpu.memory_space<semaphore_mem>>) src(%arg8 : memref<16x1024xf32, #tpu.memory_space<vmem>>) dst(%dma_wait3A_218 : memref<16x1024xf32, #tpu.memory_space<hbm>>)
    %dma_wait3A_219 = arith.constant 10 : i32
    %dma_wait3A_220 = arith.constant 0 : i32
    %dma_wait3A_221 = tpu.memref_slice %arg5[%dma_wait3A_219, %mul3A_97, %dma_wait3A_220] : memref<16x512x1024xf32, #tpu.memory_space<hbm>> -> memref<1x16x1024xf32, #tpu.memory_space<hbm>>
    %dma_wait3A_222 = tpu.memref_squeeze %dma_wait3A_221 : memref<1x16x1024xf32, #tpu.memory_space<hbm>> -> memref<16x1024xf32, #tpu.memory_space<hbm>>
    %dma_wait3A_223 = arith.constant 0 : i32
    %dma_wait3A_224 = tpu.memref_slice %arg5[%dma_wait3A_219, %mul3A_97, %dma_wait3A_223] : memref<16x512x1024xf32, #tpu.memory_space<hbm>> -> memref<1x16x1024xf32, #tpu.memory_space<hbm>>
    %dma_wait3A_225 = tpu.memref_squeeze %dma_wait3A_224 : memref<1x16x1024xf32, #tpu.memory_space<hbm>> -> memref<16x1024xf32, #tpu.memory_space<hbm>>
    tpu.wait_dma2 semaphore(%arg11 : memref<!tpu.dma_semaphore, #tpu.memory_space<semaphore_mem>>) src(%arg8 : memref<16x1024xf32, #tpu.memory_space<vmem>>) dst(%dma_wait3A_225 : memref<16x1024xf32, #tpu.memory_space<hbm>>)
    %dma_wait3A_226 = arith.constant 11 : i32
    %dma_wait3A_227 = arith.constant 0 : i32
    %dma_wait3A_228 = tpu.memref_slice %arg5[%dma_wait3A_226, %mul3A_106, %dma_wait3A_227] : memref<16x512x1024xf32, #tpu.memory_space<hbm>> -> memref<1x16x1024xf32, #tpu.memory_space<hbm>>
    %dma_wait3A_229 = tpu.memref_squeeze %dma_wait3A_228 : memref<1x16x1024xf32, #tpu.memory_space<hbm>> -> memref<16x1024xf32, #tpu.memory_space<hbm>>
    %dma_wait3A_230 = arith.constant 0 : i32
    %dma_wait3A_231 = tpu.memref_slice %arg5[%dma_wait3A_226, %mul3A_106, %dma_wait3A_230] : memref<16x512x1024xf32, #tpu.memory_space<hbm>> -> memref<1x16x1024xf32, #tpu.memory_space<hbm>>
    %dma_wait3A_232 = tpu.memref_squeeze %dma_wait3A_231 : memref<1x16x1024xf32, #tpu.memory_space<hbm>> -> memref<16x1024xf32, #tpu.memory_space<hbm>>
    tpu.wait_dma2 semaphore(%arg11 : memref<!tpu.dma_semaphore, #tpu.memory_space<semaphore_mem>>) src(%arg8 : memref<16x1024xf32, #tpu.memory_space<vmem>>) dst(%dma_wait3A_232 : memref<16x1024xf32, #tpu.memory_space<hbm>>)
    %dma_wait3A_233 = arith.constant 12 : i32
    %dma_wait3A_234 = arith.constant 0 : i32
    %dma_wait3A_235 = tpu.memref_slice %arg5[%dma_wait3A_233, %mul3A_115, %dma_wait3A_234] : memref<16x512x1024xf32, #tpu.memory_space<hbm>> -> memref<1x16x1024xf32, #tpu.memory_space<hbm>>
    %dma_wait3A_236 = tpu.memref_squeeze %dma_wait3A_235 : memref<1x16x1024xf32, #tpu.memory_space<hbm>> -> memref<16x1024xf32, #tpu.memory_space<hbm>>
    %dma_wait3A_237 = arith.constant 0 : i32
    %dma_wait3A_238 = tpu.memref_slice %arg5[%dma_wait3A_233, %mul3A_115, %dma_wait3A_237] : memref<16x512x1024xf32, #tpu.memory_space<hbm>> -> memref<1x16x1024xf32, #tpu.memory_space<hbm>>
    %dma_wait3A_239 = tpu.memref_squeeze %dma_wait3A_238 : memref<1x16x1024xf32, #tpu.memory_space<hbm>> -> memref<16x1024xf32, #tpu.memory_space<hbm>>
    tpu.wait_dma2 semaphore(%arg11 : memref<!tpu.dma_semaphore, #tpu.memory_space<semaphore_mem>>) src(%arg8 : memref<16x1024xf32, #tpu.memory_space<vmem>>) dst(%dma_wait3A_239 : memref<16x1024xf32, #tpu.memory_space<hbm>>)
    %dma_wait3A_240 = arith.constant 13 : i32
    %dma_wait3A_241 = arith.constant 0 : i32
    %dma_wait3A_242 = tpu.memref_slice %arg5[%dma_wait3A_240, %mul3A_124, %dma_wait3A_241] : memref<16x512x1024xf32, #tpu.memory_space<hbm>> -> memref<1x16x1024xf32, #tpu.memory_space<hbm>>
    %dma_wait3A_243 = tpu.memref_squeeze %dma_wait3A_242 : memref<1x16x1024xf32, #tpu.memory_space<hbm>> -> memref<16x1024xf32, #tpu.memory_space<hbm>>
    %dma_wait3A_244 = arith.constant 0 : i32
    %dma_wait3A_245 = tpu.memref_slice %arg5[%dma_wait3A_240, %mul3A_124, %dma_wait3A_244] : memref<16x512x1024xf32, #tpu.memory_space<hbm>> -> memref<1x16x1024xf32, #tpu.memory_space<hbm>>
    %dma_wait3A_246 = tpu.memref_squeeze %dma_wait3A_245 : memref<1x16x1024xf32, #tpu.memory_space<hbm>> -> memref<16x1024xf32, #tpu.memory_space<hbm>>
    tpu.wait_dma2 semaphore(%arg11 : memref<!tpu.dma_semaphore, #tpu.memory_space<semaphore_mem>>) src(%arg8 : memref<16x1024xf32, #tpu.memory_space<vmem>>) dst(%dma_wait3A_246 : memref<16x1024xf32, #tpu.memory_space<hbm>>)
    %dma_wait3A_247 = arith.constant 14 : i32
    %dma_wait3A_248 = arith.constant 0 : i32
    %dma_wait3A_249 = tpu.memref_slice %arg5[%dma_wait3A_247, %mul3A_133, %dma_wait3A_248] : memref<16x512x1024xf32, #tpu.memory_space<hbm>> -> memref<1x16x1024xf32, #tpu.memory_space<hbm>>
    %dma_wait3A_250 = tpu.memref_squeeze %dma_wait3A_249 : memref<1x16x1024xf32, #tpu.memory_space<hbm>> -> memref<16x1024xf32, #tpu.memory_space<hbm>>
    %dma_wait3A_251 = arith.constant 0 : i32
    %dma_wait3A_252 = tpu.memref_slice %arg5[%dma_wait3A_247, %mul3A_133, %dma_wait3A_251] : memref<16x512x1024xf32, #tpu.memory_space<hbm>> -> memref<1x16x1024xf32, #tpu.memory_space<hbm>>
    %dma_wait3A_253 = tpu.memref_squeeze %dma_wait3A_252 : memref<1x16x1024xf32, #tpu.memory_space<hbm>> -> memref<16x1024xf32, #tpu.memory_space<hbm>>
    tpu.wait_dma2 semaphore(%arg11 : memref<!tpu.dma_semaphore, #tpu.memory_space<semaphore_mem>>) src(%arg8 : memref<16x1024xf32, #tpu.memory_space<vmem>>) dst(%dma_wait3A_253 : memref<16x1024xf32, #tpu.memory_space<hbm>>)
    %dma_wait3A_254 = arith.constant 15 : i32
    %dma_wait3A_255 = arith.constant 0 : i32
    %dma_wait3A_256 = tpu.memref_slice %arg5[%dma_wait3A_254, %mul3A_142, %dma_wait3A_255] : memref<16x512x1024xf32, #tpu.memory_space<hbm>> -> memref<1x16x1024xf32, #tpu.memory_space<hbm>>
    %dma_wait3A_257 = tpu.memref_squeeze %dma_wait3A_256 : memref<1x16x1024xf32, #tpu.memory_space<hbm>> -> memref<16x1024xf32, #tpu.memory_space<hbm>>
    %dma_wait3A_258 = arith.constant 0 : i32
    %dma_wait3A_259 = tpu.memref_slice %arg5[%dma_wait3A_254, %mul3A_142, %dma_wait3A_258] : memref<16x512x1024xf32, #tpu.memory_space<hbm>> -> memref<1x16x1024xf32, #tpu.memory_space<hbm>>
    %dma_wait3A_260 = tpu.memref_squeeze %dma_wait3A_259 : memref<1x16x1024xf32, #tpu.memory_space<hbm>> -> memref<16x1024xf32, #tpu.memory_space<hbm>>
    tpu.wait_dma2 semaphore(%arg11 : memref<!tpu.dma_semaphore, #tpu.memory_space<semaphore_mem>>) src(%arg8 : memref<16x1024xf32, #tpu.memory_space<vmem>>) dst(%dma_wait3A_260 : memref<16x1024xf32, #tpu.memory_space<hbm>>)
    %eq3A = arith.constant 0 : i32
    %eq3A_261 = arith.cmpi eq, %add3A, %eq3A : i32
    %convert_element_type3A_262 = arith.extui %eq3A_261 : i1 to i32
    %cond3A_263 = arith.constant 0 : i32
    %cond3A_264 = arith.cmpi ne, %convert_element_type3A_262, %cond3A_263 : i32
    scf.if %cond3A_264 {
      "tpu.region"() ({
        %run_scoped3A = tpu.sem_alloc : memref<!tpu.dma_semaphore, #tpu.memory_space<semaphore_mem>>
        %dma_start3A_391 = arith.constant 0 : i32
        %dma_start3A_392 = arith.constant 0 : i32
        %dma_start3A_393 = tpu.memref_slice %arg4[%dma_start3A_391, %dma_start3A_392] : memref<60x256xf32, #tpu.memory_space<hbm>> -> memref<8x256xf32, #tpu.memory_space<hbm>>
        %dma_start3A_394 = arith.constant 0 : i32
        %dma_start3A_395 = arith.constant 0 : i32
        %dma_start3A_396 = tpu.memref_slice %arg4[%dma_start3A_394, %dma_start3A_395] : memref<60x256xf32, #tpu.memory_space<hbm>> -> memref<8x256xf32, #tpu.memory_space<hbm>>
        tpu.enqueue_dma source(%dma_start3A_396 : memref<8x256xf32, #tpu.memory_space<hbm>>) target(%arg10 : memref<8x256xf32, #tpu.memory_space<vmem>>) target_semaphore(%run_scoped3A : memref<!tpu.dma_semaphore, #tpu.memory_space<semaphore_mem>>)
        %dma_wait3A_397 = arith.constant 0 : i32
        %dma_wait3A_398 = arith.constant 0 : i32
        %dma_wait3A_399 = tpu.memref_slice %arg4[%dma_wait3A_397, %dma_wait3A_398] : memref<60x256xf32, #tpu.memory_space<hbm>> -> memref<8x256xf32, #tpu.memory_space<hbm>>
        %dma_wait3A_400 = arith.constant 0 : i32
        %dma_wait3A_401 = arith.constant 0 : i32
        %dma_wait3A_402 = tpu.memref_slice %arg4[%dma_wait3A_400, %dma_wait3A_401] : memref<60x256xf32, #tpu.memory_space<hbm>> -> memref<8x256xf32, #tpu.memory_space<hbm>>
        tpu.wait_dma2 semaphore(%run_scoped3A : memref<!tpu.dma_semaphore, #tpu.memory_space<semaphore_mem>>) src(%dma_wait3A_402 : memref<8x256xf32, #tpu.memory_space<hbm>>) dst(%arg10 : memref<8x256xf32, #tpu.memory_space<vmem>>)
        tpu.yield
      }) : () -> ()
      %get3A = arith.constant 0 : i32
      %get3A_265 = arith.index_cast %get3A : i32 to index
      %get3A_266 = arith.constant 0 : index
      %get3A_267 = tpu.vector_load %arg10[%get3A_265, %get3A_266] {strides = array<i32>} : memref<8x256xf32, #tpu.memory_space<vmem>>, vector<16xf32>,
      %swap3A = arith.constant 0 : index
      %swap3A_268 = tpu.vector_load %arg9[%swap3A] {strides = array<i32>} : memref<512xf32, #tpu.memory_space<vmem>>, vector<16xf32>,
      tpu.vector_store %arg9[%swap3A], %get3A_267 {strides = array<i32>} : memref<512xf32, #tpu.memory_space<vmem>>, vector<16xf32>,
      %swap3A_269 = arith.constant 256 : index
      %swap3A_270 = tpu.vector_load %arg9[%swap3A_269] {strides = array<i32>} : memref<512xf32, #tpu.memory_space<vmem>>, vector<16xf32>,
      tpu.vector_store %arg9[%swap3A_269], %get3A_267 {strides = array<i32>} : memref<512xf32, #tpu.memory_space<vmem>>, vector<16xf32>,
      %get3A_271 = arith.constant 0 : i32
      %get3A_272 = arith.index_cast %get3A_271 : i32 to index
      %get3A_273 = arith.constant 16 : index
      %get3A_274 = tpu.vector_load %arg10[%get3A_272, %get3A_273] {strides = array<i32>} : memref<8x256xf32, #tpu.memory_space<vmem>>, vector<16xf32>,
      %swap3A_275 = arith.constant 16 : index
      %swap3A_276 = tpu.vector_load %arg9[%swap3A_275] {strides = array<i32>} : memref<512xf32, #tpu.memory_space<vmem>>, vector<16xf32>,
      tpu.vector_store %arg9[%swap3A_275], %get3A_274 {strides = array<i32>} : memref<512xf32, #tpu.memory_space<vmem>>, vector<16xf32>,
      %swap3A_277 = arith.constant 272 : index
      %swap3A_278 = tpu.vector_load %arg9[%swap3A_277] {strides = array<i32>} : memref<512xf32, #tpu.memory_space<vmem>>, vector<16xf32>,
      tpu.vector_store %arg9[%swap3A_277], %get3A_274 {strides = array<i32>} : memref<512xf32, #tpu.memory_space<vmem>>, vector<16xf32>,
      %get3A_279 = arith.constant 0 : i32
      %get3A_280 = arith.index_cast %get3A_279 : i32 to index
      %get3A_281 = arith.constant 32 : index
      %get3A_282 = tpu.vector_load %arg10[%get3A_280, %get3A_281] {strides = array<i32>} : memref<8x256xf32, #tpu.memory_space<vmem>>, vector<16xf32>,
      %swap3A_283 = arith.constant 32 : index
      %swap3A_284 = tpu.vector_load %arg9[%swap3A_283] {strides = array<i32>} : memref<512xf32, #tpu.memory_space<vmem>>, vector<16xf32>,
      tpu.vector_store %arg9[%swap3A_283], %get3A_282 {strides = array<i32>} : memref<512xf32, #tpu.memory_space<vmem>>, vector<16xf32>,
      %swap3A_285 = arith.constant 288 : index
      %swap3A_286 = tpu.vector_load %arg9[%swap3A_285] {strides = array<i32>} : memref<512xf32, #tpu.memory_space<vmem>>, vector<16xf32>,
      tpu.vector_store %arg9[%swap3A_285], %get3A_282 {strides = array<i32>} : memref<512xf32, #tpu.memory_space<vmem>>, vector<16xf32>,
      %get3A_287 = arith.constant 0 : i32
      %get3A_288 = arith.index_cast %get3A_287 : i32 to index
      %get3A_289 = arith.constant 48 : index
      %get3A_290 = tpu.vector_load %arg10[%get3A_288, %get3A_289] {strides = array<i32>} : memref<8x256xf32, #tpu.memory_space<vmem>>, vector<16xf32>,
      %swap3A_291 = arith.constant 48 : index
      %swap3A_292 = tpu.vector_load %arg9[%swap3A_291] {strides = array<i32>} : memref<512xf32, #tpu.memory_space<vmem>>, vector<16xf32>,
      tpu.vector_store %arg9[%swap3A_291], %get3A_290 {strides = array<i32>} : memref<512xf32, #tpu.memory_space<vmem>>, vector<16xf32>,
      %swap3A_293 = arith.constant 304 : index
      %swap3A_294 = tpu.vector_load %arg9[%swap3A_293] {strides = array<i32>} : memref<512xf32, #tpu.memory_space<vmem>>, vector<16xf32>,
      tpu.vector_store %arg9[%swap3A_293], %get3A_290 {strides = array<i32>} : memref<512xf32, #tpu.memory_space<vmem>>, vector<16xf32>,
      %get3A_295 = arith.constant 0 : i32
      %get3A_296 = arith.index_cast %get3A_295 : i32 to index
      %get3A_297 = arith.constant 64 : index
      %get3A_298 = tpu.vector_load %arg10[%get3A_296, %get3A_297] {strides = array<i32>} : memref<8x256xf32, #tpu.memory_space<vmem>>, vector<16xf32>,
      %swap3A_299 = arith.constant 64 : index
      %swap3A_300 = tpu.vector_load %arg9[%swap3A_299] {strides = array<i32>} : memref<512xf32, #tpu.memory_space<vmem>>, vector<16xf32>,
      tpu.vector_store %arg9[%swap3A_299], %get3A_298 {strides = array<i32>} : memref<512xf32, #tpu.memory_space<vmem>>, vector<16xf32>,
      %swap3A_301 = arith.constant 320 : index
      %swap3A_302 = tpu.vector_load %arg9[%swap3A_301] {strides = array<i32>} : memref<512xf32, #tpu.memory_space<vmem>>, vector<16xf32>,
      tpu.vector_store %arg9[%swap3A_301], %get3A_298 {strides = array<i32>} : memref<512xf32, #tpu.memory_space<vmem>>, vector<16xf32>,
      %get3A_303 = arith.constant 0 : i32
      %get3A_304 = arith.index_cast %get3A_303 : i32 to index
      %get3A_305 = arith.constant 80 : index
      %get3A_306 = tpu.vector_load %arg10[%get3A_304, %get3A_305] {strides = array<i32>} : memref<8x256xf32, #tpu.memory_space<vmem>>, vector<16xf32>,
      %swap3A_307 = arith.constant 80 : index
      %swap3A_308 = tpu.vector_load %arg9[%swap3A_307] {strides = array<i32>} : memref<512xf32, #tpu.memory_space<vmem>>, vector<16xf32>,
      tpu.vector_store %arg9[%swap3A_307], %get3A_306 {strides = array<i32>} : memref<512xf32, #tpu.memory_space<vmem>>, vector<16xf32>,
      %swap3A_309 = arith.constant 336 : index
      %swap3A_310 = tpu.vector_load %arg9[%swap3A_309] {strides = array<i32>} : memref<512xf32, #tpu.memory_space<vmem>>, vector<16xf32>,
      tpu.vector_store %arg9[%swap3A_309], %get3A_306 {strides = array<i32>} : memref<512xf32, #tpu.memory_space<vmem>>, vector<16xf32>,
      %get3A_311 = arith.constant 0 : i32
      %get3A_312 = arith.index_cast %get3A_311 : i32 to index
      %get3A_313 = arith.constant 96 : index
      %get3A_314 = tpu.vector_load %arg10[%get3A_312, %get3A_313] {strides = array<i32>} : memref<8x256xf32, #tpu.memory_space<vmem>>, vector<16xf32>,
      %swap3A_315 = arith.constant 96 : index
      %swap3A_316 = tpu.vector_load %arg9[%swap3A_315] {strides = array<i32>} : memref<512xf32, #tpu.memory_space<vmem>>, vector<16xf32>,
      tpu.vector_store %arg9[%swap3A_315], %get3A_314 {strides = array<i32>} : memref<512xf32, #tpu.memory_space<vmem>>, vector<16xf32>,
      %swap3A_317 = arith.constant 352 : index
      %swap3A_318 = tpu.vector_load %arg9[%swap3A_317] {strides = array<i32>} : memref<512xf32, #tpu.memory_space<vmem>>, vector<16xf32>,
      tpu.vector_store %arg9[%swap3A_317], %get3A_314 {strides = array<i32>} : memref<512xf32, #tpu.memory_space<vmem>>, vector<16xf32>,
      %get3A_319 = arith.constant 0 : i32
      %get3A_320 = arith.index_cast %get3A_319 : i32 to index
      %get3A_321 = arith.constant 112 : index
      %get3A_322 = tpu.vector_load %arg10[%get3A_320, %get3A_321] {strides = array<i32>} : memref<8x256xf32, #tpu.memory_space<vmem>>, vector<16xf32>,
      %swap3A_323 = arith.constant 112 : index
      %swap3A_324 = tpu.vector_load %arg9[%swap3A_323] {strides = array<i32>} : memref<512xf32, #tpu.memory_space<vmem>>, vector<16xf32>,
      tpu.vector_store %arg9[%swap3A_323], %get3A_322 {strides = array<i32>} : memref<512xf32, #tpu.memory_space<vmem>>, vector<16xf32>,
      %swap3A_325 = arith.constant 368 : index
      %swap3A_326 = tpu.vector_load %arg9[%swap3A_325] {strides = array<i32>} : memref<512xf32, #tpu.memory_space<vmem>>, vector<16xf32>,
      tpu.vector_store %arg9[%swap3A_325], %get3A_322 {strides = array<i32>} : memref<512xf32, #tpu.memory_space<vmem>>, vector<16xf32>,
      %get3A_327 = arith.constant 0 : i32
      %get3A_328 = arith.index_cast %get3A_327 : i32 to index
      %get3A_329 = arith.constant 128 : index
      %get3A_330 = tpu.vector_load %arg10[%get3A_328, %get3A_329] {strides = array<i32>} : memref<8x256xf32, #tpu.memory_space<vmem>>, vector<16xf32>,
      %swap3A_331 = arith.constant 128 : index
      %swap3A_332 = tpu.vector_load %arg9[%swap3A_331] {strides = array<i32>} : memref<512xf32, #tpu.memory_space<vmem>>, vector<16xf32>,
      tpu.vector_store %arg9[%swap3A_331], %get3A_330 {strides = array<i32>} : memref<512xf32, #tpu.memory_space<vmem>>, vector<16xf32>,
      %swap3A_333 = arith.constant 384 : index
      %swap3A_334 = tpu.vector_load %arg9[%swap3A_333] {strides = array<i32>} : memref<512xf32, #tpu.memory_space<vmem>>, vector<16xf32>,
      tpu.vector_store %arg9[%swap3A_333], %get3A_330 {strides = array<i32>} : memref<512xf32, #tpu.memory_space<vmem>>, vector<16xf32>,
      %get3A_335 = arith.constant 0 : i32
      %get3A_336 = arith.index_cast %get3A_335 : i32 to index
      %get3A_337 = arith.constant 144 : index
      %get3A_338 = tpu.vector_load %arg10[%get3A_336, %get3A_337] {strides = array<i32>} : memref<8x256xf32, #tpu.memory_space<vmem>>, vector<16xf32>,
      %swap3A_339 = arith.constant 144 : index
      %swap3A_340 = tpu.vector_load %arg9[%swap3A_339] {strides = array<i32>} : memref<512xf32, #tpu.memory_space<vmem>>, vector<16xf32>,
      tpu.vector_store %arg9[%swap3A_339], %get3A_338 {strides = array<i32>} : memref<512xf32, #tpu.memory_space<vmem>>, vector<16xf32>,
      %swap3A_341 = arith.constant 400 : index
      %swap3A_342 = tpu.vector_load %arg9[%swap3A_341] {strides = array<i32>} : memref<512xf32, #tpu.memory_space<vmem>>, vector<16xf32>,
      tpu.vector_store %arg9[%swap3A_341], %get3A_338 {strides = array<i32>} : memref<512xf32, #tpu.memory_space<vmem>>, vector<16xf32>,
      %get3A_343 = arith.constant 0 : i32
      %get3A_344 = arith.index_cast %get3A_343 : i32 to index
      %get3A_345 = arith.constant 160 : index
      %get3A_346 = tpu.vector_load %arg10[%get3A_344, %get3A_345] {strides = array<i32>} : memref<8x256xf32, #tpu.memory_space<vmem>>, vector<16xf32>,
      %swap3A_347 = arith.constant 160 : index
      %swap3A_348 = tpu.vector_load %arg9[%swap3A_347] {strides = array<i32>} : memref<512xf32, #tpu.memory_space<vmem>>, vector<16xf32>,
      tpu.vector_store %arg9[%swap3A_347], %get3A_346 {strides = array<i32>} : memref<512xf32, #tpu.memory_space<vmem>>, vector<16xf32>,
      %swap3A_349 = arith.constant 416 : index
      %swap3A_350 = tpu.vector_load %arg9[%swap3A_349] {strides = array<i32>} : memref<512xf32, #tpu.memory_space<vmem>>, vector<16xf32>,
      tpu.vector_store %arg9[%swap3A_349], %get3A_346 {strides = array<i32>} : memref<512xf32, #tpu.memory_space<vmem>>, vector<16xf32>,
      %get3A_351 = arith.constant 0 : i32
      %get3A_352 = arith.index_cast %get3A_351 : i32 to index
      %get3A_353 = arith.constant 176 : index
      %get3A_354 = tpu.vector_load %arg10[%get3A_352, %get3A_353] {strides = array<i32>} : memref<8x256xf32, #tpu.memory_space<vmem>>, vector<16xf32>,
      %swap3A_355 = arith.constant 176 : index
      %swap3A_356 = tpu.vector_load %arg9[%swap3A_355] {strides = array<i32>} : memref<512xf32, #tpu.memory_space<vmem>>, vector<16xf32>,
      tpu.vector_store %arg9[%swap3A_355], %get3A_354 {strides = array<i32>} : memref<512xf32, #tpu.memory_space<vmem>>, vector<16xf32>,
      %swap3A_357 = arith.constant 432 : index
      %swap3A_358 = tpu.vector_load %arg9[%swap3A_357] {strides = array<i32>} : memref<512xf32, #tpu.memory_space<vmem>>, vector<16xf32>,
      tpu.vector_store %arg9[%swap3A_357], %get3A_354 {strides = array<i32>} : memref<512xf32, #tpu.memory_space<vmem>>, vector<16xf32>,
      %get3A_359 = arith.constant 0 : i32
      %get3A_360 = arith.index_cast %get3A_359 : i32 to index
      %get3A_361 = arith.constant 192 : index
      %get3A_362 = tpu.vector_load %arg10[%get3A_360, %get3A_361] {strides = array<i32>} : memref<8x256xf32, #tpu.memory_space<vmem>>, vector<16xf32>,
      %swap3A_363 = arith.constant 192 : index
      %swap3A_364 = tpu.vector_load %arg9[%swap3A_363] {strides = array<i32>} : memref<512xf32, #tpu.memory_space<vmem>>, vector<16xf32>,
      tpu.vector_store %arg9[%swap3A_363], %get3A_362 {strides = array<i32>} : memref<512xf32, #tpu.memory_space<vmem>>, vector<16xf32>,
      %swap3A_365 = arith.constant 448 : index
      %swap3A_366 = tpu.vector_load %arg9[%swap3A_365] {strides = array<i32>} : memref<512xf32, #tpu.memory_space<vmem>>, vector<16xf32>,
      tpu.vector_store %arg9[%swap3A_365], %get3A_362 {strides = array<i32>} : memref<512xf32, #tpu.memory_space<vmem>>, vector<16xf32>,
      %get3A_367 = arith.constant 0 : i32
      %get3A_368 = arith.index_cast %get3A_367 : i32 to index
      %get3A_369 = arith.constant 208 : index
      %get3A_370 = tpu.vector_load %arg10[%get3A_368, %get3A_369] {strides = array<i32>} : memref<8x256xf32, #tpu.memory_space<vmem>>, vector<16xf32>,
      %swap3A_371 = arith.constant 208 : index
      %swap3A_372 = tpu.vector_load %arg9[%swap3A_371] {strides = array<i32>} : memref<512xf32, #tpu.memory_space<vmem>>, vector<16xf32>,
      tpu.vector_store %arg9[%swap3A_371], %get3A_370 {strides = array<i32>} : memref<512xf32, #tpu.memory_space<vmem>>, vector<16xf32>,
      %swap3A_373 = arith.constant 464 : index
      %swap3A_374 = tpu.vector_load %arg9[%swap3A_373] {strides = array<i32>} : memref<512xf32, #tpu.memory_space<vmem>>, vector<16xf32>,
      tpu.vector_store %arg9[%swap3A_373], %get3A_370 {strides = array<i32>} : memref<512xf32, #tpu.memory_space<vmem>>, vector<16xf32>,
      %get3A_375 = arith.constant 0 : i32
      %get3A_376 = arith.index_cast %get3A_375 : i32 to index
      %get3A_377 = arith.constant 224 : index
      %get3A_378 = tpu.vector_load %arg10[%get3A_376, %get3A_377] {strides = array<i32>} : memref<8x256xf32, #tpu.memory_space<vmem>>, vector<16xf32>,
      %swap3A_379 = arith.constant 224 : index
      %swap3A_380 = tpu.vector_load %arg9[%swap3A_379] {strides = array<i32>} : memref<512xf32, #tpu.memory_space<vmem>>, vector<16xf32>,
      tpu.vector_store %arg9[%swap3A_379], %get3A_378 {strides = array<i32>} : memref<512xf32, #tpu.memory_space<vmem>>, vector<16xf32>,
      %swap3A_381 = arith.constant 480 : index
      %swap3A_382 = tpu.vector_load %arg9[%swap3A_381] {strides = array<i32>} : memref<512xf32, #tpu.memory_space<vmem>>, vector<16xf32>,
      tpu.vector_store %arg9[%swap3A_381], %get3A_378 {strides = array<i32>} : memref<512xf32, #tpu.memory_space<vmem>>, vector<16xf32>,
      %get3A_383 = arith.constant 0 : i32
      %get3A_384 = arith.index_cast %get3A_383 : i32 to index
      %get3A_385 = arith.constant 240 : index
      %get3A_386 = tpu.vector_load %arg10[%get3A_384, %get3A_385] {strides = array<i32>} : memref<8x256xf32, #tpu.memory_space<vmem>>, vector<16xf32>,
      %swap3A_387 = arith.constant 240 : index
      %swap3A_388 = tpu.vector_load %arg9[%swap3A_387] {strides = array<i32>} : memref<512xf32, #tpu.memory_space<vmem>>, vector<16xf32>,
      tpu.vector_store %arg9[%swap3A_387], %get3A_386 {strides = array<i32>} : memref<512xf32, #tpu.memory_space<vmem>>, vector<16xf32>,
      %swap3A_389 = arith.constant 496 : index
      %swap3A_390 = tpu.vector_load %arg9[%swap3A_389] {strides = array<i32>} : memref<512xf32, #tpu.memory_space<vmem>>, vector<16xf32>,
      tpu.vector_store %arg9[%swap3A_389], %get3A_386 {strides = array<i32>} : memref<512xf32, #tpu.memory_space<vmem>>, vector<16xf32>,
      "tpu.region"() ({
        %run_scoped3A = tpu.sem_alloc : memref<!tpu.dma_semaphore, #tpu.memory_space<semaphore_mem>>
        %dma_start3A_391 = arith.constant 0 : i32
        %dma_start3A_392 = tpu.memref_slice %arg6[%dma_start3A_391] : memref<8192xf32, #tpu.memory_space<hbm>> -> memref<512xf32, #tpu.memory_space<hbm>>
        %dma_start3A_393 = arith.constant 0 : i32
        %dma_start3A_394 = tpu.memref_slice %arg6[%dma_start3A_393] : memref<8192xf32, #tpu.memory_space<hbm>> -> memref<512xf32, #tpu.memory_space<hbm>>
        tpu.enqueue_dma source(%arg9 : memref<512xf32, #tpu.memory_space<vmem>>) target(%dma_start3A_394 : memref<512xf32, #tpu.memory_space<hbm>>) target_semaphore(%run_scoped3A : memref<!tpu.dma_semaphore, #tpu.memory_space<semaphore_mem>>)
        %dma_wait3A_395 = arith.constant 0 : i32
        %dma_wait3A_396 = tpu.memref_slice %arg6[%dma_wait3A_395] : memref<8192xf32, #tpu.memory_space<hbm>> -> memref<512xf32, #tpu.memory_space<hbm>>
        %dma_wait3A_397 = arith.constant 0 : i32
        %dma_wait3A_398 = tpu.memref_slice %arg6[%dma_wait3A_397] : memref<8192xf32, #tpu.memory_space<hbm>> -> memref<512xf32, #tpu.memory_space<hbm>>
        tpu.wait_dma2 semaphore(%run_scoped3A : memref<!tpu.dma_semaphore, #tpu.memory_space<semaphore_mem>>) src(%arg9 : memref<512xf32, #tpu.memory_space<vmem>>) dst(%dma_wait3A_398 : memref<512xf32, #tpu.memory_space<hbm>>)
        tpu.yield
      }) : () -> ()
      "tpu.region"() ({
        %run_scoped3A = tpu.sem_alloc : memref<!tpu.dma_semaphore, #tpu.memory_space<semaphore_mem>>
        %dma_start3A_391 = arith.constant 512 : i32
        %dma_start3A_392 = tpu.memref_slice %arg6[%dma_start3A_391] : memref<8192xf32, #tpu.memory_space<hbm>> -> memref<512xf32, #tpu.memory_space<hbm>>
        %dma_start3A_393 = arith.constant 512 : i32
        %dma_start3A_394 = tpu.memref_slice %arg6[%dma_start3A_393] : memref<8192xf32, #tpu.memory_space<hbm>> -> memref<512xf32, #tpu.memory_space<hbm>>
        tpu.enqueue_dma source(%arg9 : memref<512xf32, #tpu.memory_space<vmem>>) target(%dma_start3A_394 : memref<512xf32, #tpu.memory_space<hbm>>) target_semaphore(%run_scoped3A : memref<!tpu.dma_semaphore, #tpu.memory_space<semaphore_mem>>)
        %dma_wait3A_395 = arith.constant 512 : i32
        %dma_wait3A_396 = tpu.memref_slice %arg6[%dma_wait3A_395] : memref<8192xf32, #tpu.memory_space<hbm>> -> memref<512xf32, #tpu.memory_space<hbm>>
        %dma_wait3A_397 = arith.constant 512 : i32
        %dma_wait3A_398 = tpu.memref_slice %arg6[%dma_wait3A_397] : memref<8192xf32, #tpu.memory_space<hbm>> -> memref<512xf32, #tpu.memory_space<hbm>>
        tpu.wait_dma2 semaphore(%run_scoped3A : memref<!tpu.dma_semaphore, #tpu.memory_space<semaphore_mem>>) src(%arg9 : memref<512xf32, #tpu.memory_space<vmem>>) dst(%dma_wait3A_398 : memref<512xf32, #tpu.memory_space<hbm>>)
        tpu.yield
      }) : () -> ()
      "tpu.region"() ({
        %run_scoped3A = tpu.sem_alloc : memref<!tpu.dma_semaphore, #tpu.memory_space<semaphore_mem>>
        %dma_start3A_391 = arith.constant 1024 : i32
        %dma_start3A_392 = tpu.memref_slice %arg6[%dma_start3A_391] : memref<8192xf32, #tpu.memory_space<hbm>> -> memref<512xf32, #tpu.memory_space<hbm>>
        %dma_start3A_393 = arith.constant 1024 : i32
        %dma_start3A_394 = tpu.memref_slice %arg6[%dma_start3A_393] : memref<8192xf32, #tpu.memory_space<hbm>> -> memref<512xf32, #tpu.memory_space<hbm>>
        tpu.enqueue_dma source(%arg9 : memref<512xf32, #tpu.memory_space<vmem>>) target(%dma_start3A_394 : memref<512xf32, #tpu.memory_space<hbm>>) target_semaphore(%run_scoped3A : memref<!tpu.dma_semaphore, #tpu.memory_space<semaphore_mem>>)
        %dma_wait3A_395 = arith.constant 1024 : i32
        %dma_wait3A_396 = tpu.memref_slice %arg6[%dma_wait3A_395] : memref<8192xf32, #tpu.memory_space<hbm>> -> memref<512xf32, #tpu.memory_space<hbm>>
        %dma_wait3A_397 = arith.constant 1024 : i32
        %dma_wait3A_398 = tpu.memref_slice %arg6[%dma_wait3A_397] : memref<8192xf32, #tpu.memory_space<hbm>> -> memref<512xf32, #tpu.memory_space<hbm>>
        tpu.wait_dma2 semaphore(%run_scoped3A : memref<!tpu.dma_semaphore, #tpu.memory_space<semaphore_mem>>) src(%arg9 : memref<512xf32, #tpu.memory_space<vmem>>) dst(%dma_wait3A_398 : memref<512xf32, #tpu.memory_space<hbm>>)
        tpu.yield
      }) : () -> ()
      "tpu.region"() ({
        %run_scoped3A = tpu.sem_alloc : memref<!tpu.dma_semaphore, #tpu.memory_space<semaphore_mem>>
        %dma_start3A_391 = arith.constant 1536 : i32
        %dma_start3A_392 = tpu.memref_slice %arg6[%dma_start3A_391] : memref<8192xf32, #tpu.memory_space<hbm>> -> memref<512xf32, #tpu.memory_space<hbm>>
        %dma_start3A_393 = arith.constant 1536 : i32
        %dma_start3A_394 = tpu.memref_slice %arg6[%dma_start3A_393] : memref<8192xf32, #tpu.memory_space<hbm>> -> memref<512xf32, #tpu.memory_space<hbm>>
        tpu.enqueue_dma source(%arg9 : memref<512xf32, #tpu.memory_space<vmem>>) target(%dma_start3A_394 : memref<512xf32, #tpu.memory_space<hbm>>) target_semaphore(%run_scoped3A : memref<!tpu.dma_semaphore, #tpu.memory_space<semaphore_mem>>)
        %dma_wait3A_395 = arith.constant 1536 : i32
        %dma_wait3A_396 = tpu.memref_slice %arg6[%dma_wait3A_395] : memref<8192xf32, #tpu.memory_space<hbm>> -> memref<512xf32, #tpu.memory_space<hbm>>
        %dma_wait3A_397 = arith.constant 1536 : i32
        %dma_wait3A_398 = tpu.memref_slice %arg6[%dma_wait3A_397] : memref<8192xf32, #tpu.memory_space<hbm>> -> memref<512xf32, #tpu.memory_space<hbm>>
        tpu.wait_dma2 semaphore(%run_scoped3A : memref<!tpu.dma_semaphore, #tpu.memory_space<semaphore_mem>>) src(%arg9 : memref<512xf32, #tpu.memory_space<vmem>>) dst(%dma_wait3A_398 : memref<512xf32, #tpu.memory_space<hbm>>)
        tpu.yield
      }) : () -> ()
      "tpu.region"() ({
        %run_scoped3A = tpu.sem_alloc : memref<!tpu.dma_semaphore, #tpu.memory_space<semaphore_mem>>
        %dma_start3A_391 = arith.constant 2048 : i32
        %dma_start3A_392 = tpu.memref_slice %arg6[%dma_start3A_391] : memref<8192xf32, #tpu.memory_space<hbm>> -> memref<512xf32, #tpu.memory_space<hbm>>
        %dma_start3A_393 = arith.constant 2048 : i32
        %dma_start3A_394 = tpu.memref_slice %arg6[%dma_start3A_393] : memref<8192xf32, #tpu.memory_space<hbm>> -> memref<512xf32, #tpu.memory_space<hbm>>
        tpu.enqueue_dma source(%arg9 : memref<512xf32, #tpu.memory_space<vmem>>) target(%dma_start3A_394 : memref<512xf32, #tpu.memory_space<hbm>>) target_semaphore(%run_scoped3A : memref<!tpu.dma_semaphore, #tpu.memory_space<semaphore_mem>>)
        %dma_wait3A_395 = arith.constant 2048 : i32
        %dma_wait3A_396 = tpu.memref_slice %arg6[%dma_wait3A_395] : memref<8192xf32, #tpu.memory_space<hbm>> -> memref<512xf32, #tpu.memory_space<hbm>>
        %dma_wait3A_397 = arith.constant 2048 : i32
        %dma_wait3A_398 = tpu.memref_slice %arg6[%dma_wait3A_397] : memref<8192xf32, #tpu.memory_space<hbm>> -> memref<512xf32, #tpu.memory_space<hbm>>
        tpu.wait_dma2 semaphore(%run_scoped3A : memref<!tpu.dma_semaphore, #tpu.memory_space<semaphore_mem>>) src(%arg9 : memref<512xf32, #tpu.memory_space<vmem>>) dst(%dma_wait3A_398 : memref<512xf32, #tpu.memory_space<hbm>>)
        tpu.yield
      }) : () -> ()
      "tpu.region"() ({
        %run_scoped3A = tpu.sem_alloc : memref<!tpu.dma_semaphore, #tpu.memory_space<semaphore_mem>>
        %dma_start3A_391 = arith.constant 2560 : i32
        %dma_start3A_392 = tpu.memref_slice %arg6[%dma_start3A_391] : memref<8192xf32, #tpu.memory_space<hbm>> -> memref<512xf32, #tpu.memory_space<hbm>>
        %dma_start3A_393 = arith.constant 2560 : i32
        %dma_start3A_394 = tpu.memref_slice %arg6[%dma_start3A_393] : memref<8192xf32, #tpu.memory_space<hbm>> -> memref<512xf32, #tpu.memory_space<hbm>>
        tpu.enqueue_dma source(%arg9 : memref<512xf32, #tpu.memory_space<vmem>>) target(%dma_start3A_394 : memref<512xf32, #tpu.memory_space<hbm>>) target_semaphore(%run_scoped3A : memref<!tpu.dma_semaphore, #tpu.memory_space<semaphore_mem>>)
        %dma_wait3A_395 = arith.constant 2560 : i32
        %dma_wait3A_396 = tpu.memref_slice %arg6[%dma_wait3A_395] : memref<8192xf32, #tpu.memory_space<hbm>> -> memref<512xf32, #tpu.memory_space<hbm>>
        %dma_wait3A_397 = arith.constant 2560 : i32
        %dma_wait3A_398 = tpu.memref_slice %arg6[%dma_wait3A_397] : memref<8192xf32, #tpu.memory_space<hbm>> -> memref<512xf32, #tpu.memory_space<hbm>>
        tpu.wait_dma2 semaphore(%run_scoped3A : memref<!tpu.dma_semaphore, #tpu.memory_space<semaphore_mem>>) src(%arg9 : memref<512xf32, #tpu.memory_space<vmem>>) dst(%dma_wait3A_398 : memref<512xf32, #tpu.memory_space<hbm>>)
        tpu.yield
      }) : () -> ()
      "tpu.region"() ({
        %run_scoped3A = tpu.sem_alloc : memref<!tpu.dma_semaphore, #tpu.memory_space<semaphore_mem>>
        %dma_start3A_391 = arith.constant 3072 : i32
        %dma_start3A_392 = tpu.memref_slice %arg6[%dma_start3A_391] : memref<8192xf32, #tpu.memory_space<hbm>> -> memref<512xf32, #tpu.memory_space<hbm>>
        %dma_start3A_393 = arith.constant 3072 : i32
        %dma_start3A_394 = tpu.memref_slice %arg6[%dma_start3A_393] : memref<8192xf32, #tpu.memory_space<hbm>> -> memref<512xf32, #tpu.memory_space<hbm>>
        tpu.enqueue_dma source(%arg9 : memref<512xf32, #tpu.memory_space<vmem>>) target(%dma_start3A_394 : memref<512xf32, #tpu.memory_space<hbm>>) target_semaphore(%run_scoped3A : memref<!tpu.dma_semaphore, #tpu.memory_space<semaphore_mem>>)
        %dma_wait3A_395 = arith.constant 3072 : i32
        %dma_wait3A_396 = tpu.memref_slice %arg6[%dma_wait3A_395] : memref<8192xf32, #tpu.memory_space<hbm>> -> memref<512xf32, #tpu.memory_space<hbm>>
        %dma_wait3A_397 = arith.constant 3072 : i32
        %dma_wait3A_398 = tpu.memref_slice %arg6[%dma_wait3A_397] : memref<8192xf32, #tpu.memory_space<hbm>> -> memref<512xf32, #tpu.memory_space<hbm>>
        tpu.wait_dma2 semaphore(%run_scoped3A : memref<!tpu.dma_semaphore, #tpu.memory_space<semaphore_mem>>) src(%arg9 : memref<512xf32, #tpu.memory_space<vmem>>) dst(%dma_wait3A_398 : memref<512xf32, #tpu.memory_space<hbm>>)
        tpu.yield
      }) : () -> ()
      "tpu.region"() ({
        %run_scoped3A = tpu.sem_alloc : memref<!tpu.dma_semaphore, #tpu.memory_space<semaphore_mem>>
        %dma_start3A_391 = arith.constant 3584 : i32
        %dma_start3A_392 = tpu.memref_slice %arg6[%dma_start3A_391] : memref<8192xf32, #tpu.memory_space<hbm>> -> memref<512xf32, #tpu.memory_space<hbm>>
        %dma_start3A_393 = arith.constant 3584 : i32
        %dma_start3A_394 = tpu.memref_slice %arg6[%dma_start3A_393] : memref<8192xf32, #tpu.memory_space<hbm>> -> memref<512xf32, #tpu.memory_space<hbm>>
        tpu.enqueue_dma source(%arg9 : memref<512xf32, #tpu.memory_space<vmem>>) target(%dma_start3A_394 : memref<512xf32, #tpu.memory_space<hbm>>) target_semaphore(%run_scoped3A : memref<!tpu.dma_semaphore, #tpu.memory_space<semaphore_mem>>)
        %dma_wait3A_395 = arith.constant 3584 : i32
        %dma_wait3A_396 = tpu.memref_slice %arg6[%dma_wait3A_395] : memref<8192xf32, #tpu.memory_space<hbm>> -> memref<512xf32, #tpu.memory_space<hbm>>
        %dma_wait3A_397 = arith.constant 3584 : i32
        %dma_wait3A_398 = tpu.memref_slice %arg6[%dma_wait3A_397] : memref<8192xf32, #tpu.memory_space<hbm>> -> memref<512xf32, #tpu.memory_space<hbm>>
        tpu.wait_dma2 semaphore(%run_scoped3A : memref<!tpu.dma_semaphore, #tpu.memory_space<semaphore_mem>>) src(%arg9 : memref<512xf32, #tpu.memory_space<vmem>>) dst(%dma_wait3A_398 : memref<512xf32, #tpu.memory_space<hbm>>)
        tpu.yield
      }) : () -> ()
      "tpu.region"() ({
        %run_scoped3A = tpu.sem_alloc : memref<!tpu.dma_semaphore, #tpu.memory_space<semaphore_mem>>
        %dma_start3A_391 = arith.constant 4096 : i32
        %dma_start3A_392 = tpu.memref_slice %arg6[%dma_start3A_391] : memref<8192xf32, #tpu.memory_space<hbm>> -> memref<512xf32, #tpu.memory_space<hbm>>
        %dma_start3A_393 = arith.constant 4096 : i32
        %dma_start3A_394 = tpu.memref_slice %arg6[%dma_start3A_393] : memref<8192xf32, #tpu.memory_space<hbm>> -> memref<512xf32, #tpu.memory_space<hbm>>
        tpu.enqueue_dma source(%arg9 : memref<512xf32, #tpu.memory_space<vmem>>) target(%dma_start3A_394 : memref<512xf32, #tpu.memory_space<hbm>>) target_semaphore(%run_scoped3A : memref<!tpu.dma_semaphore, #tpu.memory_space<semaphore_mem>>)
        %dma_wait3A_395 = arith.constant 4096 : i32
        %dma_wait3A_396 = tpu.memref_slice %arg6[%dma_wait3A_395] : memref<8192xf32, #tpu.memory_space<hbm>> -> memref<512xf32, #tpu.memory_space<hbm>>
        %dma_wait3A_397 = arith.constant 4096 : i32
        %dma_wait3A_398 = tpu.memref_slice %arg6[%dma_wait3A_397] : memref<8192xf32, #tpu.memory_space<hbm>> -> memref<512xf32, #tpu.memory_space<hbm>>
        tpu.wait_dma2 semaphore(%run_scoped3A : memref<!tpu.dma_semaphore, #tpu.memory_space<semaphore_mem>>) src(%arg9 : memref<512xf32, #tpu.memory_space<vmem>>) dst(%dma_wait3A_398 : memref<512xf32, #tpu.memory_space<hbm>>)
        tpu.yield
      }) : () -> ()
      "tpu.region"() ({
        %run_scoped3A = tpu.sem_alloc : memref<!tpu.dma_semaphore, #tpu.memory_space<semaphore_mem>>
        %dma_start3A_391 = arith.constant 4608 : i32
        %dma_start3A_392 = tpu.memref_slice %arg6[%dma_start3A_391] : memref<8192xf32, #tpu.memory_space<hbm>> -> memref<512xf32, #tpu.memory_space<hbm>>
        %dma_start3A_393 = arith.constant 4608 : i32
        %dma_start3A_394 = tpu.memref_slice %arg6[%dma_start3A_393] : memref<8192xf32, #tpu.memory_space<hbm>> -> memref<512xf32, #tpu.memory_space<hbm>>
        tpu.enqueue_dma source(%arg9 : memref<512xf32, #tpu.memory_space<vmem>>) target(%dma_start3A_394 : memref<512xf32, #tpu.memory_space<hbm>>) target_semaphore(%run_scoped3A : memref<!tpu.dma_semaphore, #tpu.memory_space<semaphore_mem>>)
        %dma_wait3A_395 = arith.constant 4608 : i32
        %dma_wait3A_396 = tpu.memref_slice %arg6[%dma_wait3A_395] : memref<8192xf32, #tpu.memory_space<hbm>> -> memref<512xf32, #tpu.memory_space<hbm>>
        %dma_wait3A_397 = arith.constant 4608 : i32
        %dma_wait3A_398 = tpu.memref_slice %arg6[%dma_wait3A_397] : memref<8192xf32, #tpu.memory_space<hbm>> -> memref<512xf32, #tpu.memory_space<hbm>>
        tpu.wait_dma2 semaphore(%run_scoped3A : memref<!tpu.dma_semaphore, #tpu.memory_space<semaphore_mem>>) src(%arg9 : memref<512xf32, #tpu.memory_space<vmem>>) dst(%dma_wait3A_398 : memref<512xf32, #tpu.memory_space<hbm>>)
        tpu.yield
      }) : () -> ()
      "tpu.region"() ({
        %run_scoped3A = tpu.sem_alloc : memref<!tpu.dma_semaphore, #tpu.memory_space<semaphore_mem>>
        %dma_start3A_391 = arith.constant 5120 : i32
        %dma_start3A_392 = tpu.memref_slice %arg6[%dma_start3A_391] : memref<8192xf32, #tpu.memory_space<hbm>> -> memref<512xf32, #tpu.memory_space<hbm>>
        %dma_start3A_393 = arith.constant 5120 : i32
        %dma_start3A_394 = tpu.memref_slice %arg6[%dma_start3A_393] : memref<8192xf32, #tpu.memory_space<hbm>> -> memref<512xf32, #tpu.memory_space<hbm>>
        tpu.enqueue_dma source(%arg9 : memref<512xf32, #tpu.memory_space<vmem>>) target(%dma_start3A_394 : memref<512xf32, #tpu.memory_space<hbm>>) target_semaphore(%run_scoped3A : memref<!tpu.dma_semaphore, #tpu.memory_space<semaphore_mem>>)
        %dma_wait3A_395 = arith.constant 5120 : i32
        %dma_wait3A_396 = tpu.memref_slice %arg6[%dma_wait3A_395] : memref<8192xf32, #tpu.memory_space<hbm>> -> memref<512xf32, #tpu.memory_space<hbm>>
        %dma_wait3A_397 = arith.constant 5120 : i32
        %dma_wait3A_398 = tpu.memref_slice %arg6[%dma_wait3A_397] : memref<8192xf32, #tpu.memory_space<hbm>> -> memref<512xf32, #tpu.memory_space<hbm>>
        tpu.wait_dma2 semaphore(%run_scoped3A : memref<!tpu.dma_semaphore, #tpu.memory_space<semaphore_mem>>) src(%arg9 : memref<512xf32, #tpu.memory_space<vmem>>) dst(%dma_wait3A_398 : memref<512xf32, #tpu.memory_space<hbm>>)
        tpu.yield
      }) : () -> ()
      "tpu.region"() ({
        %run_scoped3A = tpu.sem_alloc : memref<!tpu.dma_semaphore, #tpu.memory_space<semaphore_mem>>
        %dma_start3A_391 = arith.constant 5632 : i32
        %dma_start3A_392 = tpu.memref_slice %arg6[%dma_start3A_391] : memref<8192xf32, #tpu.memory_space<hbm>> -> memref<512xf32, #tpu.memory_space<hbm>>
        %dma_start3A_393 = arith.constant 5632 : i32
        %dma_start3A_394 = tpu.memref_slice %arg6[%dma_start3A_393] : memref<8192xf32, #tpu.memory_space<hbm>> -> memref<512xf32, #tpu.memory_space<hbm>>
        tpu.enqueue_dma source(%arg9 : memref<512xf32, #tpu.memory_space<vmem>>) target(%dma_start3A_394 : memref<512xf32, #tpu.memory_space<hbm>>) target_semaphore(%run_scoped3A : memref<!tpu.dma_semaphore, #tpu.memory_space<semaphore_mem>>)
        %dma_wait3A_395 = arith.constant 5632 : i32
        %dma_wait3A_396 = tpu.memref_slice %arg6[%dma_wait3A_395] : memref<8192xf32, #tpu.memory_space<hbm>> -> memref<512xf32, #tpu.memory_space<hbm>>
        %dma_wait3A_397 = arith.constant 5632 : i32
        %dma_wait3A_398 = tpu.memref_slice %arg6[%dma_wait3A_397] : memref<8192xf32, #tpu.memory_space<hbm>> -> memref<512xf32, #tpu.memory_space<hbm>>
        tpu.wait_dma2 semaphore(%run_scoped3A : memref<!tpu.dma_semaphore, #tpu.memory_space<semaphore_mem>>) src(%arg9 : memref<512xf32, #tpu.memory_space<vmem>>) dst(%dma_wait3A_398 : memref<512xf32, #tpu.memory_space<hbm>>)
        tpu.yield
      }) : () -> ()
      "tpu.region"() ({
        %run_scoped3A = tpu.sem_alloc : memref<!tpu.dma_semaphore, #tpu.memory_space<semaphore_mem>>
        %dma_start3A_391 = arith.constant 6144 : i32
        %dma_start3A_392 = tpu.memref_slice %arg6[%dma_start3A_391] : memref<8192xf32, #tpu.memory_space<hbm>> -> memref<512xf32, #tpu.memory_space<hbm>>
        %dma_start3A_393 = arith.constant 6144 : i32
        %dma_start3A_394 = tpu.memref_slice %arg6[%dma_start3A_393] : memref<8192xf32, #tpu.memory_space<hbm>> -> memref<512xf32, #tpu.memory_space<hbm>>
        tpu.enqueue_dma source(%arg9 : memref<512xf32, #tpu.memory_space<vmem>>) target(%dma_start3A_394 : memref<512xf32, #tpu.memory_space<hbm>>) target_semaphore(%run_scoped3A : memref<!tpu.dma_semaphore, #tpu.memory_space<semaphore_mem>>)
        %dma_wait3A_395 = arith.constant 6144 : i32
        %dma_wait3A_396 = tpu.memref_slice %arg6[%dma_wait3A_395] : memref<8192xf32, #tpu.memory_space<hbm>> -> memref<512xf32, #tpu.memory_space<hbm>>
        %dma_wait3A_397 = arith.constant 6144 : i32
        %dma_wait3A_398 = tpu.memref_slice %arg6[%dma_wait3A_397] : memref<8192xf32, #tpu.memory_space<hbm>> -> memref<512xf32, #tpu.memory_space<hbm>>
        tpu.wait_dma2 semaphore(%run_scoped3A : memref<!tpu.dma_semaphore, #tpu.memory_space<semaphore_mem>>) src(%arg9 : memref<512xf32, #tpu.memory_space<vmem>>) dst(%dma_wait3A_398 : memref<512xf32, #tpu.memory_space<hbm>>)
        tpu.yield
      }) : () -> ()
      "tpu.region"() ({
        %run_scoped3A = tpu.sem_alloc : memref<!tpu.dma_semaphore, #tpu.memory_space<semaphore_mem>>
        %dma_start3A_391 = arith.constant 6656 : i32
        %dma_start3A_392 = tpu.memref_slice %arg6[%dma_start3A_391] : memref<8192xf32, #tpu.memory_space<hbm>> -> memref<512xf32, #tpu.memory_space<hbm>>
        %dma_start3A_393 = arith.constant 6656 : i32
        %dma_start3A_394 = tpu.memref_slice %arg6[%dma_start3A_393] : memref<8192xf32, #tpu.memory_space<hbm>> -> memref<512xf32, #tpu.memory_space<hbm>>
        tpu.enqueue_dma source(%arg9 : memref<512xf32, #tpu.memory_space<vmem>>) target(%dma_start3A_394 : memref<512xf32, #tpu.memory_space<hbm>>) target_semaphore(%run_scoped3A : memref<!tpu.dma_semaphore, #tpu.memory_space<semaphore_mem>>)
        %dma_wait3A_395 = arith.constant 6656 : i32
        %dma_wait3A_396 = tpu.memref_slice %arg6[%dma_wait3A_395] : memref<8192xf32, #tpu.memory_space<hbm>> -> memref<512xf32, #tpu.memory_space<hbm>>
        %dma_wait3A_397 = arith.constant 6656 : i32
        %dma_wait3A_398 = tpu.memref_slice %arg6[%dma_wait3A_397] : memref<8192xf32, #tpu.memory_space<hbm>> -> memref<512xf32, #tpu.memory_space<hbm>>
        tpu.wait_dma2 semaphore(%run_scoped3A : memref<!tpu.dma_semaphore, #tpu.memory_space<semaphore_mem>>) src(%arg9 : memref<512xf32, #tpu.memory_space<vmem>>) dst(%dma_wait3A_398 : memref<512xf32, #tpu.memory_space<hbm>>)
        tpu.yield
      }) : () -> ()
      "tpu.region"() ({
        %run_scoped3A = tpu.sem_alloc : memref<!tpu.dma_semaphore, #tpu.memory_space<semaphore_mem>>
        %dma_start3A_391 = arith.constant 7168 : i32
        %dma_start3A_392 = tpu.memref_slice %arg6[%dma_start3A_391] : memref<8192xf32, #tpu.memory_space<hbm>> -> memref<512xf32, #tpu.memory_space<hbm>>
        %dma_start3A_393 = arith.constant 7168 : i32
        %dma_start3A_394 = tpu.memref_slice %arg6[%dma_start3A_393] : memref<8192xf32, #tpu.memory_space<hbm>> -> memref<512xf32, #tpu.memory_space<hbm>>
        tpu.enqueue_dma source(%arg9 : memref<512xf32, #tpu.memory_space<vmem>>) target(%dma_start3A_394 : memref<512xf32, #tpu.memory_space<hbm>>) target_semaphore(%run_scoped3A : memref<!tpu.dma_semaphore, #tpu.memory_space<semaphore_mem>>)
        %dma_wait3A_395 = arith.constant 7168 : i32
        %dma_wait3A_396 = tpu.memref_slice %arg6[%dma_wait3A_395] : memref<8192xf32, #tpu.memory_space<hbm>> -> memref<512xf32, #tpu.memory_space<hbm>>
        %dma_wait3A_397 = arith.constant 7168 : i32
        %dma_wait3A_398 = tpu.memref_slice %arg6[%dma_wait3A_397] : memref<8192xf32, #tpu.memory_space<hbm>> -> memref<512xf32, #tpu.memory_space<hbm>>
        tpu.wait_dma2 semaphore(%run_scoped3A : memref<!tpu.dma_semaphore, #tpu.memory_space<semaphore_mem>>) src(%arg9 : memref<512xf32, #tpu.memory_space<vmem>>) dst(%dma_wait3A_398 : memref<512xf32, #tpu.memory_space<hbm>>)
        tpu.yield
      }) : () -> ()
      "tpu.region"() ({
        %run_scoped3A = tpu.sem_alloc : memref<!tpu.dma_semaphore, #tpu.memory_space<semaphore_mem>>
        %dma_start3A_391 = arith.constant 7680 : i32
        %dma_start3A_392 = tpu.memref_slice %arg6[%dma_start3A_391] : memref<8192xf32, #tpu.memory_space<hbm>> -> memref<512xf32, #tpu.memory_space<hbm>>
        %dma_start3A_393 = arith.constant 7680 : i32
        %dma_start3A_394 = tpu.memref_slice %arg6[%dma_start3A_393] : memref<8192xf32, #tpu.memory_space<hbm>> -> memref<512xf32, #tpu.memory_space<hbm>>
        tpu.enqueue_dma source(%arg9 : memref<512xf32, #tpu.memory_space<vmem>>) target(%dma_start3A_394 : memref<512xf32, #tpu.memory_space<hbm>>) target_semaphore(%run_scoped3A : memref<!tpu.dma_semaphore, #tpu.memory_space<semaphore_mem>>)
        %dma_wait3A_395 = arith.constant 7680 : i32
        %dma_wait3A_396 = tpu.memref_slice %arg6[%dma_wait3A_395] : memref<8192xf32, #tpu.memory_space<hbm>> -> memref<512xf32, #tpu.memory_space<hbm>>
        %dma_wait3A_397 = arith.constant 7680 : i32
        %dma_wait3A_398 = tpu.memref_slice %arg6[%dma_wait3A_397] : memref<8192xf32, #tpu.memory_space<hbm>> -> memref<512xf32, #tpu.memory_space<hbm>>
        tpu.wait_dma2 semaphore(%run_scoped3A : memref<!tpu.dma_semaphore, #tpu.memory_space<semaphore_mem>>) src(%arg9 : memref<512xf32, #tpu.memory_space<vmem>>) dst(%dma_wait3A_398 : memref<512xf32, #tpu.memory_space<hbm>>)
        tpu.yield
      }) : () -> ()
    } else {
    }
    return
  }
}

</mosaic_0001>

<sc_bundles>
// kernel: _sc_call.3.cloned.1.call-start
scs
__scs_entry_jumppad:
0x0: {  	(pc) =	sbr.rel $0x88, $3  }
0x1: {  	(tag) =	ssettag $0x0;
	lr =	simm.s32 $0x1  }
0x2: {  	[smem:$0x3F9E] =	sst lr;
	_ =	strace $0xD0000000  }
0x3: {  	_ = 	snop  }
0x4: {  	_ = 	snop  }
0x5: {  	_ = 	snop  }
0x6: {  	_ = 	snop  }
0x7: {  	_ = 	snop  }
__scs_overlays_trampoline_lowered:
0x8: {  	[smem:$0x3FAD] =	sst s0  }
0x9: {  	[smem:$0x3FAE] =	sst s1  }
0xa: {  	[smem:$0x3FAF] =	sst s2  }
0xb: {  	[smem:$0x3FB0] =	sst s3  }
0xc: {  	[smem:$0x3FB1] =	sst s4  }
0xd: {  	[smem:$0x3FB2] =	sst s5  }
0xe: {  	[smem:$0x3FB3] =	sst s6  }
0xf: {  	[smem:$0x3FB4] =	sst s7  }
0x10: {  	[smem:$0x3FB5] =	sst s8  }
0x11: {  	[smem:$0x3FB6] =	sst s9;
	s0 =	simm.s32 @!p0 $0x0  }
0x12: {  	s1 =	sld [smem:$0x3F9C];
	s0 =	simm.s32 @p0 $0x1  }
0x13: {  	[smem:$0x3FB7] =	sst s0;
	s0 =	simm.s32 @!p1 $0x0  }
0x14: {  	s2 =	sld [smem:$0x3F9B];
	s0 =	simm.s32 @p1 $0x1  }
0x15: {  	[smem:$0x3FB8] =	sst s0;
	s0 =	simm.s32 @!p2 $0x0  }
0x16: {  	s3 =	sld [smem:$0x3FDB];
	s0 =	simm.s32 @p2 $0x1  }
0x17: {  	s4 =	simm.s32 $0x1BF5;
	[smem:$0x3FBA] =	sst s0  }
0x18: {  	s0 =	sld [smem:$0x3F9D];
	_ =	swait.ge [sflag:s4], $0x0  }
0x19: {  	s7 =	sld [smem:$0x3F9E]  }
0x1a: {  	s8 =	sadd.s32 $0xFFFFE003, lr  }
0x1b: {  	s9 =	sadd.s32 $0xFFFFFEF7, lr;
	s5 =	simm.s32 $0xFFFFFFFF;
	p2 =	slt.u32 s8, $0xFFFFF086  }
0x1c: {  	p1 =	slt.u32 s9, $0xF7A;
	s5 =	simm.s32 @!p2 $0x0  }
0x1d: {  	s5 =	simm.s32 @p1 $0x1;
	p0 =	seq.s32 s7, s2  }
0x1e: {  	s7 =	smul.u32 @!p0 $0xF7A, s2;
	p2 =	seq.s32 @!p0 s5, $0x0  }
0x1f: {  	s9 =	smul.u32 $0xF7A, s1;
	s8 =	simm.s32 @!p0 $0x1BF5;
	p2 =	por !p2, p0  }
0x20: {  	[sflag:s8] =	ssyncset.s32 @!p0 $0xFFFFF086;
	s6 =	sadd.s32 @!p0 s3, s7;
	s7 =	simm.s32 @!p0 $0x108  }
0x21: {  	s3 =	sadd.s32 s3, s9;
	s6 =	sadd.s32 @!p0 $0x88, s6;
	s7 =	simm.s32 @p2 $0x1082  }
0x22: {  	[simem:s7], [sflag:s8] =	dma.local @!p0 [hbm:s6], $0xF7A  }
0x23: {  	s9 =	sor.u32 $0xD0000000, s2;
	s6 =	simm.s32 $0x108;
	_ =	swait.ge @!p0 [sflag:s8], $0x0  }
0x24: {  	s3 =	sadd.s32 $0x88, s3;
	s6 =	simm.s32 @!p1 $0x1082;
	[sflag:s4] =	ssyncset.s32 $0xFFFFF086  }
0x25: {  	[simem:s6], [sflag:s4] =	dma.local [hbm:s3], $0xF7A  }
0x26: {  	[smem:$0x3F9E] =	sst s1;
	(tag) =	ssettag s2;
	_ =	strace s9  }
0x27: {  	s1 =	sld [smem:$0x3FAE]  }
0x28: {  	s2 =	sld [smem:$0x3FAF]  }
0x29: {  	s4 =	sld [smem:$0x3FB1]  }
0x2a: {  	p0 =	seq.s32 s5, $0x0;
	s5 =	sld [smem:$0x3FB2]  }
0x2b: {  	s6 =	sld [smem:$0x3FB3]  }
0x2c: {  	s7 =	sld [smem:$0x3FB4]  }
0x2d: {  	s3 =	simm.s32 $0x108;
	s8 =	sld [smem:$0x3FB5]  }
0x2e: {  	s3 =	simm.s32 @!p0 $0x1082;
	s9 =	sld [smem:$0x3FB6]  }
0x2f: {  	lr =	sadd.s32 s0, s3;
	s0 =	sld [smem:$0x3FAD]  }
0x30: {  	s3 =	sld [smem:$0x3FB0]  }
0x31: {  	[smem:$0x3FB9] =	sst s10  }
0x32: {  	s10 =	sld [smem:$0x3FB7];
	_ =	sdelay $0x3  }
0x33: {  	p0 =	seq.s32 s10, $0x1;
	s10 =	sld [smem:$0x3FB9];
	_ =	sdelay $0x3  }
0x34: {  	[smem:$0x3FB9] =	sst s10  }
0x35: {  	s10 =	sld [smem:$0x3FB8];
	_ =	sdelay $0x3  }
0x36: {  	p1 =	seq.s32 s10, $0x1;
	s10 =	sld [smem:$0x3FB9];
	_ =	sdelay $0x3  }
0x37: {  	[smem:$0x3FB9] =	sst s10  }
0x38: {  	s10 =	sld [smem:$0x3FBA]  }
0x39: {  	_ = 	snop;
	(pc) =	sbr.ind lr, $3  }
0x3a: {  	_ = 	snop  }
0x3b: {  	_ = 	snop  }
0x3c: {  	p2 =	seq.s32 s10, $0x1;
	s10 =	sld [smem:$0x3FB9]  }
0x3d: {  	_ =	shalt  }
0x3e: {  	_ =	shalt  }
0x3f: {  	_ =	shalt  }
0x40: {  	_ =	shalt  }
0x41: {  	_ =	shalt  }
0x42: {  	_ =	shalt  }
0x43: {  	_ =	shalt  }
0x44: {  	_ =	shalt  }
0x45: {  	_ =	shalt  }
0x46: {  	_ =	shalt  }
0x47: {  	_ =	shalt  }
0x48: {  	_ =	shalt  }
0x49: {  	_ =	shalt  }
0x4a: {  	_ =	shalt  }
0x4b: {  	_ =	shalt  }
0x4c: {  	_ =	shalt  }
0x4d: {  	_ =	shalt  }
0x4e: {  	_ =	shalt  }
0x4f: {  	_ =	shalt  }
0x50: {  	_ =	shalt  }
0x51: {  	_ =	shalt  }
0x52: {  	_ =	shalt  }
0x53: {  	_ =	shalt  }
0x54: {  	_ =	shalt  }
0x55: {  	_ =	shalt  }
0x56: {  	_ =	shalt  }
0x57: {  	_ =	shalt  }
0x58: {  	_ =	shalt  }
0x59: {  	_ =	shalt  }
0x5a: {  	_ =	shalt  }
0x5b: {  	_ =	shalt  }
0x5c: {  	_ =	shalt  }
0x5d: {  	_ =	shalt  }
0x5e: {  	_ =	shalt  }
0x5f: {  	_ =	shalt  }
0x60: {  	_ =	shalt  }
0x61: {  	_ =	shalt  }
0x62: {  	_ =	shalt  }
0x63: {  	_ =	shalt  }
0x64: {  	_ =	shalt  }
0x65: {  	_ =	shalt  }
0x66: {  	_ =	shalt  }
0x67: {  	_ =	shalt  }
0x68: {  	_ =	shalt  }
0x69: {  	_ =	shalt  }
0x6a: {  	_ =	shalt  }
0x6b: {  	_ =	shalt  }
0x6c: {  	_ =	shalt  }
0x6d: {  	_ =	shalt  }
0x6e: {  	_ =	shalt  }
0x6f: {  	_ =	shalt  }
0x70: {  	_ =	shalt  }
0x71: {  	_ =	shalt  }
0x72: {  	_ =	shalt  }
0x73: {  	_ =	shalt  }
0x74: {  	_ =	shalt  }
0x75: {  	_ =	shalt  }
0x76: {  	_ =	shalt  }
0x77: {  	_ =	shalt  }
0x78: {  	_ =	shalt  }
0x79: {  	_ =	shalt  }
0x7a: {  	_ =	shalt  }
0x7b: {  	_ =	shalt  }
0x7c: {  	_ =	shalt  }
0x7d: {  	_ =	shalt  }
0x7e: {  	_ =	shalt  }
0x7f: {  	_ =	shalt  }
0x80: {  	_ =	shalt  }
0x81: {  	_ =	shalt  }
0x82: {  	_ =	shalt  }
0x83: {  	_ =	shalt  }
0x84: {  	_ =	shalt  }
0x85: {  	_ =	shalt  }
0x86: {  	_ =	shalt  }
0x87: {  	_ =	shalt  }
.Lfunc_end0:
.L_simem_size_0:
called_computation_lowered:
.L_overlay_start_0:
0x88: {  	s2 =	sld [smem:$0x3FD9]  }
0x89: {  	s3 =	sld [smem:$0x3FFE];
	_ =	sdelay $0x1  }
0x8a: {  	s1 =	srdreg.scid  }
0x8b: {  	s0 =	sand.u32 $0x1, s1  }
0x8c: {  	s14 =	sshll.u32 s0, $0xA;
	s2 =	sadd.s32 s3, s2  }
0x8d: {  	s2 =	sadd.s32 s2, s14  }
0x8e: {  	[smem:$0x3FC5] =	sst s2  }
0x8f: {  	_ = 	snop  }
0x90: {  	s2 =	sld [smem:$0x3FD0];
	_ =	sdelay $0x2  }
0x91: {  	s15 =	simm.s32 $0xA;
	s4 =	simm.s32 $0x10  }
0x92: {  	[smem:s4], [sflag:s15] =	dma.local [hbm:s2], $0x1  }
0x93: {  	_ =	swait.eq [sflag:s15], $0x1  }
0x94: {  	[sflag:s15] =	ssyncset.done $0x0  }
0x95: {  	s16 =	sld [smem:$0x10];
	[sflag:s15] =	ssyncadd.s32 $0xFFFFFFFF  }
0x96: {  	s17 =	sld [smem:$0x11];
	(tm) =	ssettm $0x1  }
0x97: {  	s18 =	sld [smem:$0x3FFB];
	_ =	sdelay $0x3  }
0x98: {  	_ =	strace s18  }
0x99: {  	s4 =	sld [smem:$0x3FFC];
	_ =	sdelay $0x3  }
0x9a: {  	_ =	strace s4  }
0x9b: {  	s4 =	sld [smem:$0x3FFD];
	_ =	sdelay $0x3  }
0x9c: {  	_ =	strace s4  }
0x9d: {  	_ =	strace $0x8FFFFFFF  }
0x9e: {  	s19 =	sld [smem:$0x3FDB];
	_ =	sdelay $0x1  }
0x9f: {  	s5 =	simm.s32 $_scs_section_size  }
0xa0: {  	s6 =	simm.s32 $_size__tile_overlayer_lowered;
	s7 =	simm.s32 $_tile_overlayer_lowered  }
0xa1: {  	s22 =	simm.s32 $0x1BFF;
	s21 =	sshll.u32 s7, $0x1;
	s4 =	sadd.s32 s5, s19  }
0xa2: {  	s8 =	simm.s32 $0x0;
	s20 =	sshll.u32 s6, $0x1;
	s6 =	sadd.s32 s21, s4  }
0xa3: {  	[timem:s8], [sflag:s22] =	dma.local [hbm:s6], s20  }
0xa4: {  	_ =	swait.ge [sflag:s22], s20  }
0xa5: {  	s5 =	ssub.s32 $0x0, s20;
	[sflag:s22] =	ssyncset.done $0x0  }
0xa6: {  	[sflag:s22] =	ssyncadd.s32 s5;
	_ =	sdelay $0x1  }
0xa7: {  	s23 =	simm.s32 $0x1B8B  }
0xa8: {  	_ =	swait.ge [sflag:s23], $0x1  }
0xa9: {  	[sflag:s23] =	ssyncset.done $0x0  }
0xaa: {  	s25 =	simm.s32 $0x1B8E;
	s24 =	sld [smem:$0x3FFE];
	[sflag:s23] =	ssyncadd.s32 $0xFFFFFFFF  }
0xab: {  	s26 =	simm.s32 $execute0_lowered;
	[smem:$0x3FD2] =	sst s25  }
0xac: {  	s6 =	sshll.u32 s26, $0x1;
	_ =	strace $0x80000046;
	[dreg:$0x1] =	wrdreg $0xFFFFFFFF  }
0xad: {  	s28 =	simm.s32 $_size_execute0_lowered;
	s4 =	sadd.s32 s4, s6;
	[dreg:$0x0] =	wrdreg $0x0  }
0xae: {  	s6 =	sshll.u32 s28, $0x1;
	[dreg:$0x2] =	wrdreg s4  }
0xaf: {  	[dreg:$0x3] =	wrdreg s6  }
0xb0: {  	[dreg:$0x4] =	wrdreg $0xC0  }
0xb1: {  	_ =	task [dreg:s8], $0x5FFFF  }
0xb2: {  	[dreg:$0x1] =	wrdreg $0xFFFFFFFF  }
0xb3: {  	[dreg:$0x0] =	wrdreg $0x60  }
0xb4: {  	[dreg:$0x2] =	wrdreg s16  }
0xb5: {  	[dreg:$0x3] =	wrdreg s24  }
0xb6: {  	[dreg:$0x4] =	wrdreg s17  }
0xb7: {  	[dreg:$0x5] =	wrdreg $0x9  }
0xb8: {  	_ =	task.clear_ibuf [dreg:s8], $0x6FFFF;
	_ =	strace $0x90000046  }
0xb9: {  	s29 =	simm.s32 $0x9;
	_ =	strace $0x80000048  }
0xba: {  	_ =	swait.ge [sflag:s29], $0x1  }
0xbb: {  	[sflag:s29] =	ssyncadd.s32 $0xFFFFFFFF  }
0xbc: {  	_ =	strace $0x90000048  }
0xbd: {  	_ =	sfence  }
0xbe: {  	s30 =	sld [smem:$0x0];
	_ =	sdelay $0x2  }
0xbf: {  	s31 =	sshll.u32 s1, $0xD;
	s1 =	sshrl.u32 s1, $0x2  }
0xc0: {  	s3 =	sand.u32 $0x4000, s31;
	s1 =	sadd.s32 s1, s30  }
0xc1: {  	s0 =	sor.u32 s3, s0;
	s1 =	sshll.u32 s1, $0x11  }
0xc2: {  	s0 =	sor.u32 s1, s0  }
0xc3: {  	s0 =	sadd.s32 $0x8F2B, s0  }
0xc4: {  	[sflag:s0] =	ssyncadd.remote.s32 $0x1  }
0xc5: {  	_ =	sfence.sel $0xFFFF  }
0xc6: {  	[dreg:$0x0] =	wrdreg $0xFFFFFFFF;
	(pc) =	sbr.abs _section_cstart, $3  }
0xc7: {  	[dreg:$0x1] =	wrdreg $0xFFFFFFFF  }
0xc8: {  	_ =	task.clear_ibuf [dreg:s8], $0x2FFFF;
	_ =	strace $0x9FFFFFFF  }
0xc9: {  	(tm) =	ssettm $0x7FFFFFFF  }
tec
execute0_lowered:
.L_overlay_start_1:
0x0: {  	(tag) =	ssettag $0x1  }
0x1: {  	v17 =	vlaneseq.u32  }
0x2: {  	v30 =	vmul.u32 $0x100, v17  }
0x3: {  	v1 =	vimm.s32 $0x0;
	vm0 =	vcmask $0x300  }
0x4: {  	v28 =	vsel vm0, $0x3, v1;
	v32 =	vadd.s32 $0x100, v30  }
0x5: {  	s0 =	srdreg.scid;
	s23 =	stileid.u32;
	v33 =	vadd.s32 $0x1100, v30;
	v34 =	vadd.s32 $0x101, v30;
	v35 =	vadd.s32 $0x1101, v30  }
0x6: {  	s2 =	sand.u32 $0x1, s0;
	s8 =	sshll.u32 s23, $0x1;
	v36 =	vadd.s32 $0x102, v30;
	v37 =	vadd.s32 $0x1102, v30;
	v38 =	vadd.s32 $0x103, v30  }
0x7: {  	s0 =	sor.u32 s2, s8;
	v39 =	vadd.s32 $0x1103, v30;
	v40 =	vadd.s32 $0x104, v30;
	v41 =	vadd.s32 $0x1104, v30  }
0x8: {  	s1 =	sshll.u32 s0, $0x4;
	v42 =	vadd.s32 $0x105, v30;
	v43 =	vadd.s32 $0x1105, v30;
	v44 =	vadd.s32 $0x106, v30  }
0x9: {  	v45 =	vadd.s32 $0x1106, v30;
	v46 =	vadd.s32 $0x107, v30;
	v48 =	vadd.s32 $0x1107, v30;
	s3 =	sadd.s32 $0xFFFFFF00, s1;
	s9 =	sadd.s32 $0xFFFFFF01, s1  }
0xa: {  	s4 =	sadd.s32 $0xFFFFFF03, s1;
	s11 =	sadd.s32 $0xFFFFFF04, s1;
	s12 =	sadd.s32 $0xFFFFFF05, s1;
	v15 =	vmov s1;
	v0 =	vmov s3;
	v2 =	vmov s9  }
0xb: {  	s13 =	sadd.s32 $0xFFFFFF06, s1;
	s14 =	sadd.s32 $0xFFFFFF07, s1;
	s15 =	sadd.s32 $0xFFFFFF08, s1;
	v3 =	vmov s4;
	v4 =	vmov s11;
	v5 =	vmov s12  }
0xc: {  	s16 =	sadd.s32 $0xFFFFFF09, s1;
	s17 =	sadd.s32 $0xFFFFFF0A, s1;
	s18 =	sadd.s32 $0xFFFFFF0B, s1;
	v6 =	vmov s13;
	v7 =	vmov s14;
	v8 =	vmov s15  }
0xd: {  	s19 =	sadd.s32 $0xFFFFFF0C, s1;
	s20 =	sadd.s32 $0xFFFFFF0D, s1;
	s21 =	sadd.s32 $0xFFFFFF0E, s1;
	v9 =	vmov s16;
	v10 =	vmov s17;
	v11 =	vmov s18  }
0xe: {  	s10 =	sadd.s32 $0xFFFFFF02, s1;
	s22 =	sadd.s32 $0xFFFFFF0F, s1;
	s1 =	sor.u32 $0x8, s1;
	v12 =	vmov s19;
	v13 =	vmov s20;
	v14 =	vmov s21  }
0xf: {  	v16 =	vmov s22;
	v15 =	vshrl.u32 v15, $0x3;
	v27 =	vmov s1  }
0x10: {  	v0 =	vshrl.u32 v0, $0x3;
	v1 =	vshrl.u32 v2, $0x3;
	v2 =	vmov s10  }
0x11: {  	v3 =	vshrl.u32 v3, $0x3;
	v4 =	vshrl.u32 v4, $0x3;
	v5 =	vshrl.u32 v5, $0x3  }
0x12: {  	v6 =	vshrl.u32 v6, $0x3;
	v7 =	vshrl.u32 v7, $0x3;
	v8 =	vshrl.u32 v8, $0x3  }
0x13: {  	v9 =	vshrl.u32 v9, $0x3;
	v10 =	vshrl.u32 v10, $0x3;
	v11 =	vshrl.u32 v11, $0x3  }
0x14: {  	s6 =	rddreg [dreg:$0x1];
	v12 =	vshrl.u32 v12, $0x3;
	v13 =	vshrl.u32 v13, $0x3;
	v14 =	vshrl.u32 v14, $0x3  }
0x15: {  	s5 =	sadd.s32 $0x800, s6;
	v16 =	vshrl.u32 v16, $0x3;
	v15 =	vshll.u32 v15, v28;
	v29 =	vshrl.u32 v27, $0x3  }
0x16: {  	p1 =	sgt.u32 s23, $0x7;
	s2 =	ssub.s32 $0x2, s2;
	s7 =	sshll.u32 s0, $0xB;
	v0 =	vshll.u32 v0, v28;
	v1 =	vshll.u32 v1, v28;
	v2 =	vshrl.u32 v2, $0x3  }
0x17: {  	s8 =	sadd.s32 $0x1000, s6;
	s24 =	sshrl.u32 s2, $0x1;
	s6 =	sadd.s32 s7, s6;
	v3 =	vshll.u32 v3, v28;
	v4 =	vshll.u32 v4, v28;
	v5 =	vshll.u32 v5, v28  }
0x18: {  	s2 =	ssub.s32 s2, s24;
	s3 =	rddreg [dreg:$0x2];
	s4 =	simm.s32 $0x0;
	v6 =	vshll.u32 v6, v28;
	v7 =	vshll.u32 v7, v28;
	v8 =	vshll.u32 v8, v28  }
0x19: {  	s7 =	sadd.s32 $0x1800, s6;
	s9 =	sadd.s32 $0x21800, s6;
	s11 =	sadd.s32 $0x41800, s6;
	v9 =	vshll.u32 v9, v28;
	v10 =	vshll.u32 v10, v28;
	v11 =	vshll.u32 v11, v28  }
0x1a: {  	s12 =	sadd.s32 $0x51800, s6;
	s13 =	sadd.s32 $0x61800, s6;
	s14 =	sadd.s32 $0x71800, s6;
	v12 =	vshll.u32 v12, v28;
	v13 =	vshll.u32 v13, v28;
	v14 =	vshll.u32 v14, v28  }
0x1b: {  	s15 =	sadd.s32 $0x81800, s6;
	s16 =	sadd.s32 $0x91800, s6;
	s17 =	sadd.s32 $0xA1800, s6;
	v16 =	vshll.u32 v16, v28;
	v31 =	vbroadcast v15, $0x0;
	v29 =	vshll.u32 v29, v28  }
0x1c: {  	s18 =	sadd.s32 $0xB1800, s6;
	s19 =	sadd.s32 $0xC1800, s6;
	[smem:$0x7FF] =	sst s4;
	v1 =	vor.u32 $0x1, v1;
	v2 =	vshll.u32 v2, v28;
	v3 =	vadd.s32 $0x3, v3  }
0x1d: {  	s25 =	sadd.s32 $0x40, s3;
	_ =	strace $0x80000047;
	[dreg:$0x4] =	wrdreg s8;
	v4 =	vadd.s32 $0x4, v4;
	v5 =	vadd.s32 $0x5, v5;
	v6 =	vadd.s32 $0x6, v6  }
0x1e: {  	s20 =	sadd.s32 $0xD1800, s6;
	s26 =	sadd.s32 $0x80, s3;
	[dreg:$0x5] =	wrdreg s25;
	v7 =	vadd.s32 $0x7, v7;
	v9 =	vadd.s32 $0x1, v9;
	v10 =	vadd.s32 $0x2, v10  }
0x1f: {  	s21 =	sadd.s32 $0xE1800, s6;
	s1 =	sadd.s32 $0xC0, s3;
	[dreg:$0x6] =	wrdreg s26;
	v11 =	vadd.s32 $0x3, v11;
	v12 =	vadd.s32 $0x4, v12;
	v13 =	vadd.s32 $0x5, v13  }
0x20: {  	s22 =	sadd.s32 $0xF1800, s6;
	s23 =	sadd.s32 $0x180, s3;
	[dreg:$0x7] =	wrdreg s1;
	v14 =	vadd.s32 $0x6, v14;
	v15 =	vadd.s32 $0x7, v16;
	v47 =	vbroadcast v29, $0x0  }
0x21: {  	s10 =	sadd.s32 $0x31800, s6;
	s24 =	sadd.s32 $0x1C0, s3;
	[dreg:$0xa] =	wrdreg s23;
	v2 =	vadd.s32 $0x2, v2;
	v16 =	vadd.s32 v32, v31;
	v17 =	vadd.s32 v33, v31  }
0x22: {  	s25 =	smax.u32 s2, $0x1;
	s2 =	sadd.s32 $0x100, s3;
	[dreg:$0xb] =	wrdreg s24;
	v18 =	vadd.s32 v34, v31;
	v19 =	vadd.s32 v35, v31;
	v20 =	vadd.s32 v36, v31  }
0x23: {  	s8 =	sadd.s32 $0x11800, s6;
	s6 =	sadd.s32 $0x140, s3;
	[dreg:$0x8] =	wrdreg s2;
	v21 =	vadd.s32 v37, v31;
	v22 =	vadd.s32 v38, v31;
	v23 =	vadd.s32 v39, v31  }
0x24: {  	s26 =	sadd.s32 $0x200, s3;
	[dreg:$0x9] =	wrdreg s6;
	v24 =	vadd.s32 v40, v31;
	v25 =	vadd.s32 v41, v31;
	v26 =	vadd.s32 v42, v31  }
0x25: {  	s29 =	simm.s32 $0x2;
	s1 =	sadd.s32 $0x240, s3;
	[dreg:$0xc] =	wrdreg s26;
	v27 =	vadd.s32 v43, v31;
	v28 =	vadd.s32 v44, v31;
	v29 =	vadd.s32 v45, v31  }
0x26: {  	s30 =	simm.s32 $0x2800;
	s23 =	sadd.s32 $0x300, s3;
	[dreg:$0xd] =	wrdreg s1;
	v30 =	vadd.s32 v46, v31;
	v31 =	vadd.s32 v48, v31;
	v32 =	vadd.s32 v32, v47  }
.Ltmp0:
0x27: {  	s24 =	sadd.s32 $0x340, s3;
	[dreg:$0x10] =	wrdreg s23;
	v33 =	vadd.s32 v33, v47;
	v34 =	vadd.s32 v34, v47;
	v35 =	vadd.s32 v35, v47;
	(pc) =	sbr.rel .LBB2_1-.Ltmp0, $4  }
0x28: {  	s31 =	simm.s32 $0x1;
	s2 =	sadd.s32 $0x280, s3;
	[dreg:$0x11] =	wrdreg s24;
	v36 =	vadd.s32 v36, v47;
	v37 =	vadd.s32 v37, v47;
	v38 =	vadd.s32 v38, v47  }
0x29: {  	p0 =	sne.s32 s0, $0x0;
	s6 =	sadd.s32 $0x2C0, s3;
	[dreg:$0xe] =	wrdreg s2;
	v39 =	vadd.s32 v39, v47;
	v40 =	vadd.s32 v40, v47;
	v41 =	vadd.s32 v41, v47  }
0x2a: {  	s0 =	simm.s32 $0x0;
	s26 =	sadd.s32 $0x380, s3;
	[dreg:$0xf] =	wrdreg s6;
	v42 =	vadd.s32 v42, v47;
	v43 =	vadd.s32 v43, v47;
	v44 =	vadd.s32 v44, v47  }
0x2b: {  	s28 =	sadd.s32 $0x3C0, s3;
	[dreg:$0x12] =	wrdreg s26;
	s2 =	simm.s32 $0x6800;
	v45 =	vadd.s32 v45, v47;
	v46 =	vadd.s32 v46, v47;
	v47 =	vadd.s32 v48, v47  }
.LBB2_101:
0x2c: {  	s0 =	sadd.s32 $0x1, s0  }
0x2d: {  	p2 =	sne.s32 s0, s25  }
.Ltmp1:
0x2e: {  	_ = 	snop;
	(pc) =	sbr.rel @!p2 .LBB2_102-.Ltmp1, $1  }
0x2f: {  	_ =	sdelay $0x3  }
.LBB2_1:
.Ltmp2:
0x30: {  	(pc) =	sbr.rel @p1 .LBB2_3-.Ltmp2, $1  }
0x31: {  	_ =	sdelay $0x3  }
0x32: {  	[tilespmem:s4], [sflag:$0x2] =	stream.linear.gather [hbm4b:s5+s4], $0x2800, $0x38;
	[tilespmem:$0x7200] =	vst v63  }
0x33: {  	_ =	swait.ge [sflag:s29], $0x2800  }
0x34: {  	[sflag:s29] =	ssyncset.done $0x0  }
0x35: {  	[sflag:s29] =	ssyncadd.s32 $0xFFFFD800  }
0x36: {  	v48 =	vld.idx.msk [tilespmem:v16+s4+$0x0], $0xffff  }
0x37: {  	v49 =	vld.idx.msk [tilespmem:v17+s4+$0x0], $0xffff;
	_ =	sdelay $0x3  }
0x38: {  	[tilespmem:$0x2800] =	vst v48  }
0x39: {  	[tilespmem:$0x2810] =	vst v49  }
0x3a: {  	[tilespmem:$0x2820] =	vst v48  }
0x3b: {  	[tilespmem:$0x2830] =	vst v49  }
0x3c: {  	[tilespmem:$0x2840] =	vst v48  }
0x3d: {  	[tilespmem:$0x2850] =	vst v49  }
0x3e: {  	[tilespmem:$0x2860] =	vst v48  }
0x3f: {  	[tilespmem:$0x2870] =	vst v49  }
0x40: {  	[tilespmem:$0x2880] =	vst v48  }
0x41: {  	[tilespmem:$0x2890] =	vst v49  }
0x42: {  	[tilespmem:$0x28A0] =	vst v48  }
0x43: {  	[tilespmem:$0x28B0] =	vst v49  }
0x44: {  	[tilespmem:$0x28C0] =	vst v48  }
0x45: {  	[tilespmem:$0x28D0] =	vst v49  }
0x46: {  	[tilespmem:$0x28E0] =	vst v48  }
0x47: {  	[tilespmem:$0x28F0] =	vst v49  }
0x48: {  	[tilespmem:$0x2900] =	vst v48  }
0x49: {  	[tilespmem:$0x2910] =	vst v49  }
0x4a: {  	[tilespmem:$0x2920] =	vst v48  }
0x4b: {  	[tilespmem:$0x2930] =	vst v49  }
0x4c: {  	[tilespmem:$0x2940] =	vst v48  }
0x4d: {  	[tilespmem:$0x2950] =	vst v49  }
0x4e: {  	[tilespmem:$0x2960] =	vst v48  }
0x4f: {  	[tilespmem:$0x2970] =	vst v49  }
0x50: {  	[tilespmem:$0x2980] =	vst v48  }
0x51: {  	[tilespmem:$0x2990] =	vst v49  }
0x52: {  	[tilespmem:$0x29A0] =	vst v48  }
0x53: {  	[tilespmem:$0x29B0] =	vst v49  }
0x54: {  	[tilespmem:$0x29C0] =	vst v48  }
0x55: {  	[tilespmem:$0x29D0] =	vst v49  }
0x56: {  	[tilespmem:$0x29E0] =	vst v48  }
0x57: {  	[tilespmem:$0x29F0] =	vst v49  }
0x58: {  	[tilespmem:$0x2A00] =	vst v48  }
0x59: {  	[tilespmem:$0x2A10] =	vst v49  }
0x5a: {  	[tilespmem:$0x2A20] =	vst v48  }
0x5b: {  	[tilespmem:$0x2A30] =	vst v49  }
0x5c: {  	[tilespmem:$0x2A40] =	vst v48  }
0x5d: {  	[tilespmem:$0x2A50] =	vst v49  }
0x5e: {  	[tilespmem:$0x2A60] =	vst v48  }
0x5f: {  	[tilespmem:$0x2A70] =	vst v49  }
0x60: {  	[tilespmem:$0x2A80] =	vst v48  }
0x61: {  	[tilespmem:$0x2A90] =	vst v49  }
0x62: {  	[tilespmem:$0x2AA0] =	vst v48  }
0x63: {  	[tilespmem:$0x2AB0] =	vst v49  }
0x64: {  	[tilespmem:$0x2AC0] =	vst v48  }
0x65: {  	[tilespmem:$0x2AD0] =	vst v49  }
0x66: {  	[tilespmem:$0x2AE0] =	vst v48  }
0x67: {  	[tilespmem:$0x2AF0] =	vst v49  }
0x68: {  	[tilespmem:$0x2B00] =	vst v48  }
0x69: {  	[tilespmem:$0x2B10] =	vst v49  }
0x6a: {  	[tilespmem:$0x2B20] =	vst v48  }
0x6b: {  	[tilespmem:$0x2B30] =	vst v49  }
0x6c: {  	[tilespmem:$0x2B40] =	vst v48  }
0x6d: {  	[tilespmem:$0x2B50] =	vst v49  }
0x6e: {  	[tilespmem:$0x2B60] =	vst v48  }
0x6f: {  	[tilespmem:$0x2B70] =	vst v49  }
0x70: {  	[tilespmem:$0x2B80] =	vst v48  }
0x71: {  	[tilespmem:$0x2B90] =	vst v49  }
0x72: {  	[tilespmem:$0x2BA0] =	vst v48  }
0x73: {  	[tilespmem:$0x2BB0] =	vst v49  }
0x74: {  	[tilespmem:$0x2BC0] =	vst v48  }
0x75: {  	[tilespmem:$0x2BD0] =	vst v49  }
0x76: {  	[tilespmem:$0x2BE0] =	vst v48  }
0x77: {  	[tilespmem:$0x2BF0] =	vst v49  }
0x78: {  	v48 =	vld.idx.msk [tilespmem:v18+s4+$0x0], $0xffff  }
0x79: {  	v49 =	vld.idx.msk [tilespmem:v19+s4+$0x0], $0xffff;
	_ =	sdelay $0x3  }
0x7a: {  	[tilespmem:$0x2C00] =	vst v48  }
0x7b: {  	[tilespmem:$0x2C10] =	vst v49  }
0x7c: {  	[tilespmem:$0x2C20] =	vst v48  }
0x7d: {  	[tilespmem:$0x2C30] =	vst v49  }
0x7e: {  	[tilespmem:$0x2C40] =	vst v48  }
0x7f: {  	[tilespmem:$0x2C50] =	vst v49  }
0x80: {  	[tilespmem:$0x2C60] =	vst v48  }
0x81: {  	[tilespmem:$0x2C70] =	vst v49  }
0x82: {  	[tilespmem:$0x2C80] =	vst v48  }
0x83: {  	[tilespmem:$0x2C90] =	vst v49  }
0x84: {  	[tilespmem:$0x2CA0] =	vst v48  }
0x85: {  	[tilespmem:$0x2CB0] =	vst v49  }
0x86: {  	[tilespmem:$0x2CC0] =	vst v48  }
0x87: {  	[tilespmem:$0x2CD0] =	vst v49  }
0x88: {  	[tilespmem:$0x2CE0] =	vst v48  }
0x89: {  	[tilespmem:$0x2CF0] =	vst v49  }
0x8a: {  	[tilespmem:$0x2D00] =	vst v48  }
0x8b: {  	[tilespmem:$0x2D10] =	vst v49  }
0x8c: {  	[tilespmem:$0x2D20] =	vst v48  }
0x8d: {  	[tilespmem:$0x2D30] =	vst v49  }
0x8e: {  	[tilespmem:$0x2D40] =	vst v48  }
0x8f: {  	[tilespmem:$0x2D50] =	vst v49  }
0x90: {  	[tilespmem:$0x2D60] =	vst v48  }
0x91: {  	[tilespmem:$0x2D70] =	vst v49  }
0x92: {  	[tilespmem:$0x2D80] =	vst v48  }
0x93: {  	[tilespmem:$0x2D90] =	vst v49  }
0x94: {  	[tilespmem:$0x2DA0] =	vst v48  }
0x95: {  	[tilespmem:$0x2DB0] =	vst v49  }
0x96: {  	[tilespmem:$0x2DC0] =	vst v48  }
0x97: {  	[tilespmem:$0x2DD0] =	vst v49  }
0x98: {  	[tilespmem:$0x2DE0] =	vst v48  }
0x99: {  	[tilespmem:$0x2DF0] =	vst v49  }
0x9a: {  	[tilespmem:$0x2E00] =	vst v48  }
0x9b: {  	[tilespmem:$0x2E10] =	vst v49  }
0x9c: {  	[tilespmem:$0x2E20] =	vst v48  }
0x9d: {  	[tilespmem:$0x2E30] =	vst v49  }
0x9e: {  	[tilespmem:$0x2E40] =	vst v48  }
0x9f: {  	[tilespmem:$0x2E50] =	vst v49  }
0xa0: {  	[tilespmem:$0x2E60] =	vst v48  }
0xa1: {  	[tilespmem:$0x2E70] =	vst v49  }
0xa2: {  	[tilespmem:$0x2E80] =	vst v48  }
0xa3: {  	[tilespmem:$0x2E90] =	vst v49  }
0xa4: {  	[tilespmem:$0x2EA0] =	vst v48  }
0xa5: {  	[tilespmem:$0x2EB0] =	vst v49  }
0xa6: {  	[tilespmem:$0x2EC0] =	vst v48  }
0xa7: {  	[tilespmem:$0x2ED0] =	vst v49  }
0xa8: {  	[tilespmem:$0x2EE0] =	vst v48  }
0xa9: {  	[tilespmem:$0x2EF0] =	vst v49  }
0xaa: {  	[tilespmem:$0x2F00] =	vst v48  }
0xab: {  	[tilespmem:$0x2F10] =	vst v49  }
0xac: {  	[tilespmem:$0x2F20] =	vst v48  }
0xad: {  	[tilespmem:$0x2F30] =	vst v49  }
0xae: {  	[tilespmem:$0x2F40] =	vst v48  }
0xaf: {  	[tilespmem:$0x2F50] =	vst v49  }
0xb0: {  	[tilespmem:$0x2F60] =	vst v48  }
0xb1: {  	[tilespmem:$0x2F70] =	vst v49  }
0xb2: {  	[tilespmem:$0x2F80] =	vst v48  }
0xb3: {  	[tilespmem:$0x2F90] =	vst v49  }
0xb4: {  	[tilespmem:$0x2FA0] =	vst v48  }
0xb5: {  	[tilespmem:$0x2FB0] =	vst v49  }
0xb6: {  	[tilespmem:$0x2FC0] =	vst v48  }
0xb7: {  	[tilespmem:$0x2FD0] =	vst v49  }
0xb8: {  	[tilespmem:$0x2FE0] =	vst v48  }
0xb9: {  	[tilespmem:$0x2FF0] =	vst v49  }
0xba: {  	v48 =	vld.idx.msk [tilespmem:v20+s4+$0x0], $0xffff  }
0xbb: {  	v49 =	vld.idx.msk [tilespmem:v21+s4+$0x0], $0xffff;
	_ =	sdelay $0x3  }
0xbc: {  	[tilespmem:$0x3000] =	vst v48  }
0xbd: {  	[tilespmem:$0x3010] =	vst v49  }
0xbe: {  	[tilespmem:$0x3020] =	vst v48  }
0xbf: {  	[tilespmem:$0x3030] =	vst v49  }
0xc0: {  	[tilespmem:$0x3040] =	vst v48  }
0xc1: {  	[tilespmem:$0x3050] =	vst v49  }
0xc2: {  	[tilespmem:$0x3060] =	vst v48  }
0xc3: {  	[tilespmem:$0x3070] =	vst v49  }
0xc4: {  	[tilespmem:$0x3080] =	vst v48  }
0xc5: {  	[tilespmem:$0x3090] =	vst v49  }
0xc6: {  	[tilespmem:$0x30A0] =	vst v48  }
0xc7: {  	[tilespmem:$0x30B0] =	vst v49  }
0xc8: {  	[tilespmem:$0x30C0] =	vst v48  }
0xc9: {  	[tilespmem:$0x30D0] =	vst v49  }
0xca: {  	[tilespmem:$0x30E0] =	vst v48  }
0xcb: {  	[tilespmem:$0x30F0] =	vst v49  }
0xcc: {  	[tilespmem:$0x3100] =	vst v48  }
0xcd: {  	[tilespmem:$0x3110] =	vst v49  }
0xce: {  	[tilespmem:$0x3120] =	vst v48  }
0xcf: {  	[tilespmem:$0x3130] =	vst v49  }
0xd0: {  	[tilespmem:$0x3140] =	vst v48  }
0xd1: {  	[tilespmem:$0x3150] =	vst v49  }
0xd2: {  	[tilespmem:$0x3160] =	vst v48  }
0xd3: {  	[tilespmem:$0x3170] =	vst v49  }
0xd4: {  	[tilespmem:$0x3180] =	vst v48  }
0xd5: {  	[tilespmem:$0x3190] =	vst v49  }
0xd6: {  	[tilespmem:$0x31A0] =	vst v48  }
0xd7: {  	[tilespmem:$0x31B0] =	vst v49  }
0xd8: {  	[tilespmem:$0x31C0] =	vst v48  }
0xd9: {  	[tilespmem:$0x31D0] =	vst v49  }
0xda: {  	[tilespmem:$0x31E0] =	vst v48  }
0xdb: {  	[tilespmem:$0x31F0] =	vst v49  }
0xdc: {  	[tilespmem:$0x3200] =	vst v48  }
0xdd: {  	[tilespmem:$0x3210] =	vst v49  }
0xde: {  	[tilespmem:$0x3220] =	vst v48  }
0xdf: {  	[tilespmem:$0x3230] =	vst v49  }
0xe0: {  	[tilespmem:$0x3240] =	vst v48  }
0xe1: {  	[tilespmem:$0x3250] =	vst v49  }
0xe2: {  	[tilespmem:$0x3260] =	vst v48  }
0xe3: {  	[tilespmem:$0x3270] =	vst v49  }
0xe4: {  	[tilespmem:$0x3280] =	vst v48  }
0xe5: {  	[tilespmem:$0x3290] =	vst v49  }
0xe6: {  	[tilespmem:$0x32A0] =	vst v48  }
0xe7: {  	[tilespmem:$0x32B0] =	vst v49  }
0xe8: {  	[tilespmem:$0x32C0] =	vst v48  }
0xe9: {  	[tilespmem:$0x32D0] =	vst v49  }
0xea: {  	[tilespmem:$0x32E0] =	vst v48  }
0xeb: {  	[tilespmem:$0x32F0] =	vst v49  }
0xec: {  	[tilespmem:$0x3300] =	vst v48  }
0xed: {  	[tilespmem:$0x3310] =	vst v49  }
0xee: {  	[tilespmem:$0x3320] =	vst v48  }
0xef: {  	[tilespmem:$0x3330] =	vst v49  }
0xf0: {  	[tilespmem:$0x3340] =	vst v48  }
0xf1: {  	[tilespmem:$0x3350] =	vst v49  }
0xf2: {  	[tilespmem:$0x3360] =	vst v48  }
0xf3: {  	[tilespmem:$0x3370] =	vst v49  }
0xf4: {  	[tilespmem:$0x3380] =	vst v48  }
0xf5: {  	[tilespmem:$0x3390] =	vst v49  }
0xf6: {  	[tilespmem:$0x33A0] =	vst v48  }
0xf7: {  	[tilespmem:$0x33B0] =	vst v49  }
0xf8: {  	[tilespmem:$0x33C0] =	vst v48  }
0xf9: {  	[tilespmem:$0x33D0] =	vst v49  }
0xfa: {  	[tilespmem:$0x33E0] =	vst v48  }
0xfb: {  	[tilespmem:$0x33F0] =	vst v49  }
0xfc: {  	v48 =	vld.idx.msk [tilespmem:v22+s4+$0x0], $0xffff  }
0xfd: {  	v49 =	vld.idx.msk [tilespmem:v23+s4+$0x0], $0xffff;
	_ =	sdelay $0x3  }
0xfe: {  	[tilespmem:$0x3400] =	vst v48  }
0xff: {  	[tilespmem:$0x3410] =	vst v49  }
0x100: {  	[tilespmem:$0x3420] =	vst v48  }
0x101: {  	[tilespmem:$0x3430] =	vst v49  }
0x102: {  	[tilespmem:$0x3440] =	vst v48  }
0x103: {  	[tilespmem:$0x3450] =	vst v49  }
0x104: {  	[tilespmem:$0x3460] =	vst v48  }
0x105: {  	[tilespmem:$0x3470] =	vst v49  }
0x106: {  	[tilespmem:$0x3480] =	vst v48  }
0x107: {  	[tilespmem:$0x3490] =	vst v49  }
0x108: {  	[tilespmem:$0x34A0] =	vst v48  }
0x109: {  	[tilespmem:$0x34B0] =	vst v49  }
0x10a: {  	[tilespmem:$0x34C0] =	vst v48  }
0x10b: {  	[tilespmem:$0x34D0] =	vst v49  }
0x10c: {  	[tilespmem:$0x34E0] =	vst v48  }
0x10d: {  	[tilespmem:$0x34F0] =	vst v49  }
0x10e: {  	[tilespmem:$0x3500] =	vst v48  }
0x10f: {  	[tilespmem:$0x3510] =	vst v49  }
0x110: {  	[tilespmem:$0x3520] =	vst v48  }
0x111: {  	[tilespmem:$0x3530] =	vst v49  }
0x112: {  	[tilespmem:$0x3540] =	vst v48  }
0x113: {  	[tilespmem:$0x3550] =	vst v49  }
0x114: {  	[tilespmem:$0x3560] =	vst v48  }
0x115: {  	[tilespmem:$0x3570] =	vst v49  }
0x116: {  	[tilespmem:$0x3580] =	vst v48  }
0x117: {  	[tilespmem:$0x3590] =	vst v49  }
0x118: {  	[tilespmem:$0x35A0] =	vst v48  }
0x119: {  	[tilespmem:$0x35B0] =	vst v49  }
0x11a: {  	[tilespmem:$0x35C0] =	vst v48  }
0x11b: {  	[tilespmem:$0x35D0] =	vst v49  }
0x11c: {  	[tilespmem:$0x35E0] =	vst v48  }
0x11d: {  	[tilespmem:$0x35F0] =	vst v49  }
0x11e: {  	[tilespmem:$0x3600] =	vst v48  }
0x11f: {  	[tilespmem:$0x3610] =	vst v49  }
0x120: {  	[tilespmem:$0x3620] =	vst v48  }
0x121: {  	[tilespmem:$0x3630] =	vst v49  }
0x122: {  	[tilespmem:$0x3640] =	vst v48  }
0x123: {  	[tilespmem:$0x3650] =	vst v49  }
0x124: {  	[tilespmem:$0x3660] =	vst v48  }
0x125: {  	[tilespmem:$0x3670] =	vst v49  }
0x126: {  	[tilespmem:$0x3680] =	vst v48  }
0x127: {  	[tilespmem:$0x3690] =	vst v49  }
0x128: {  	[tilespmem:$0x36A0] =	vst v48  }
0x129: {  	[tilespmem:$0x36B0] =	vst v49  }
0x12a: {  	[tilespmem:$0x36C0] =	vst v48  }
0x12b: {  	[tilespmem:$0x36D0] =	vst v49  }
0x12c: {  	[tilespmem:$0x36E0] =	vst v48  }
0x12d: {  	[tilespmem:$0x36F0] =	vst v49  }
0x12e: {  	[tilespmem:$0x3700] =	vst v48  }
0x12f: {  	[tilespmem:$0x3710] =	vst v49  }
0x130: {  	[tilespmem:$0x3720] =	vst v48  }
0x131: {  	[tilespmem:$0x3730] =	vst v49  }
0x132: {  	[tilespmem:$0x3740] =	vst v48  }
0x133: {  	[tilespmem:$0x3750] =	vst v49  }
0x134: {  	[tilespmem:$0x3760] =	vst v48  }
0x135: {  	[tilespmem:$0x3770] =	vst v49  }
0x136: {  	[tilespmem:$0x3780] =	vst v48  }
0x137: {  	[tilespmem:$0x3790] =	vst v49  }
0x138: {  	[tilespmem:$0x37A0] =	vst v48  }
0x139: {  	[tilespmem:$0x37B0] =	vst v49  }
0x13a: {  	[tilespmem:$0x37C0] =	vst v48  }
0x13b: {  	[tilespmem:$0x37D0] =	vst v49  }
0x13c: {  	[tilespmem:$0x37E0] =	vst v48  }
0x13d: {  	[tilespmem:$0x37F0] =	vst v49  }
0x13e: {  	v48 =	vld.idx.msk [tilespmem:v24+s4+$0x0], $0xffff  }
0x13f: {  	v49 =	vld.idx.msk [tilespmem:v25+s4+$0x0], $0xffff;
	_ =	sdelay $0x3  }
0x140: {  	[tilespmem:$0x3800] =	vst v48  }
0x141: {  	[tilespmem:$0x3810] =	vst v49  }
0x142: {  	[tilespmem:$0x3820] =	vst v48  }
0x143: {  	[tilespmem:$0x3830] =	vst v49  }
0x144: {  	[tilespmem:$0x3840] =	vst v48  }
0x145: {  	[tilespmem:$0x3850] =	vst v49  }
0x146: {  	[tilespmem:$0x3860] =	vst v48  }
0x147: {  	[tilespmem:$0x3870] =	vst v49  }
0x148: {  	[tilespmem:$0x3880] =	vst v48  }
0x149: {  	[tilespmem:$0x3890] =	vst v49  }
0x14a: {  	[tilespmem:$0x38A0] =	vst v48  }
0x14b: {  	[tilespmem:$0x38B0] =	vst v49  }
0x14c: {  	[tilespmem:$0x38C0] =	vst v48  }
0x14d: {  	[tilespmem:$0x38D0] =	vst v49  }
0x14e: {  	[tilespmem:$0x38E0] =	vst v48  }
0x14f: {  	[tilespmem:$0x38F0] =	vst v49  }
0x150: {  	[tilespmem:$0x3900] =	vst v48  }
0x151: {  	[tilespmem:$0x3910] =	vst v49  }
0x152: {  	[tilespmem:$0x3920] =	vst v48  }
0x153: {  	[tilespmem:$0x3930] =	vst v49  }
0x154: {  	[tilespmem:$0x3940] =	vst v48  }
0x155: {  	[tilespmem:$0x3950] =	vst v49  }
0x156: {  	[tilespmem:$0x3960] =	vst v48  }
0x157: {  	[tilespmem:$0x3970] =	vst v49  }
0x158: {  	[tilespmem:$0x3980] =	vst v48  }
0x159: {  	[tilespmem:$0x3990] =	vst v49  }
0x15a: {  	[tilespmem:$0x39A0] =	vst v48  }
0x15b: {  	[tilespmem:$0x39B0] =	vst v49  }
0x15c: {  	[tilespmem:$0x39C0] =	vst v48  }
0x15d: {  	[tilespmem:$0x39D0] =	vst v49  }
0x15e: {  	[tilespmem:$0x39E0] =	vst v48  }
0x15f: {  	[tilespmem:$0x39F0] =	vst v49  }
0x160: {  	[tilespmem:$0x3A00] =	vst v48  }
0x161: {  	[tilespmem:$0x3A10] =	vst v49  }
0x162: {  	[tilespmem:$0x3A20] =	vst v48  }
0x163: {  	[tilespmem:$0x3A30] =	vst v49  }
0x164: {  	[tilespmem:$0x3A40] =	vst v48  }
0x165: {  	[tilespmem:$0x3A50] =	vst v49  }
0x166: {  	[tilespmem:$0x3A60] =	vst v48  }
0x167: {  	[tilespmem:$0x3A70] =	vst v49  }
0x168: {  	[tilespmem:$0x3A80] =	vst v48  }
0x169: {  	[tilespmem:$0x3A90] =	vst v49  }
0x16a: {  	[tilespmem:$0x3AA0] =	vst v48  }
0x16b: {  	[tilespmem:$0x3AB0] =	vst v49  }
0x16c: {  	[tilespmem:$0x3AC0] =	vst v48  }
0x16d: {  	[tilespmem:$0x3AD0] =	vst v49  }
0x16e: {  	[tilespmem:$0x3AE0] =	vst v48  }
0x16f: {  	[tilespmem:$0x3AF0] =	vst v49  }
0x170: {  	[tilespmem:$0x3B00] =	vst v48  }
0x171: {  	[tilespmem:$0x3B10] =	vst v49  }
0x172: {  	[tilespmem:$0x3B20] =	vst v48  }
0x173: {  	[tilespmem:$0x3B30] =	vst v49  }
0x174: {  	[tilespmem:$0x3B40] =	vst v48  }
0x175: {  	[tilespmem:$0x3B50] =	vst v49  }
0x176: {  	[tilespmem:$0x3B60] =	vst v48  }
0x177: {  	[tilespmem:$0x3B70] =	vst v49  }
0x178: {  	[tilespmem:$0x3B80] =	vst v48  }
0x179: {  	[tilespmem:$0x3B90] =	vst v49  }
0x17a: {  	[tilespmem:$0x3BA0] =	vst v48  }
0x17b: {  	[tilespmem:$0x3BB0] =	vst v49  }
0x17c: {  	[tilespmem:$0x3BC0] =	vst v48  }
0x17d: {  	[tilespmem:$0x3BD0] =	vst v49  }
0x17e: {  	[tilespmem:$0x3BE0] =	vst v48  }
0x17f: {  	[tilespmem:$0x3BF0] =	vst v49  }
0x180: {  	v48 =	vld.idx.msk [tilespmem:v26+s4+$0x0], $0xffff  }
0x181: {  	v49 =	vld.idx.msk [tilespmem:v27+s4+$0x0], $0xffff;
	_ =	sdelay $0x3  }
0x182: {  	[tilespmem:$0x3C00] =	vst v48  }
0x183: {  	[tilespmem:$0x3C10] =	vst v49  }
0x184: {  	[tilespmem:$0x3C20] =	vst v48  }
0x185: {  	[tilespmem:$0x3C30] =	vst v49  }
0x186: {  	[tilespmem:$0x3C40] =	vst v48  }
0x187: {  	[tilespmem:$0x3C50] =	vst v49  }
0x188: {  	[tilespmem:$0x3C60] =	vst v48  }
0x189: {  	[tilespmem:$0x3C70] =	vst v49  }
0x18a: {  	[tilespmem:$0x3C80] =	vst v48  }
0x18b: {  	[tilespmem:$0x3C90] =	vst v49  }
0x18c: {  	[tilespmem:$0x3CA0] =	vst v48  }
0x18d: {  	[tilespmem:$0x3CB0] =	vst v49  }
0x18e: {  	[tilespmem:$0x3CC0] =	vst v48  }
0x18f: {  	[tilespmem:$0x3CD0] =	vst v49  }
0x190: {  	[tilespmem:$0x3CE0] =	vst v48  }
0x191: {  	[tilespmem:$0x3CF0] =	vst v49  }
0x192: {  	[tilespmem:$0x3D00] =	vst v48  }
0x193: {  	[tilespmem:$0x3D10] =	vst v49  }
0x194: {  	[tilespmem:$0x3D20] =	vst v48  }
0x195: {  	[tilespmem:$0x3D30] =	vst v49  }
0x196: {  	[tilespmem:$0x3D40] =	vst v48  }
0x197: {  	[tilespmem:$0x3D50] =	vst v49  }
0x198: {  	[tilespmem:$0x3D60] =	vst v48  }
0x199: {  	[tilespmem:$0x3D70] =	vst v49  }
0x19a: {  	[tilespmem:$0x3D80] =	vst v48  }
0x19b: {  	[tilespmem:$0x3D90] =	vst v49  }
0x19c: {  	[tilespmem:$0x3DA0] =	vst v48  }
0x19d: {  	[tilespmem:$0x3DB0] =	vst v49  }
0x19e: {  	[tilespmem:$0x3DC0] =	vst v48  }
0x19f: {  	[tilespmem:$0x3DD0] =	vst v49  }
0x1a0: {  	[tilespmem:$0x3DE0] =	vst v48  }
0x1a1: {  	[tilespmem:$0x3DF0] =	vst v49  }
0x1a2: {  	[tilespmem:$0x3E00] =	vst v48  }
0x1a3: {  	[tilespmem:$0x3E10] =	vst v49  }
0x1a4: {  	[tilespmem:$0x3E20] =	vst v48  }
0x1a5: {  	[tilespmem:$0x3E30] =	vst v49  }
0x1a6: {  	[tilespmem:$0x3E40] =	vst v48  }
0x1a7: {  	[tilespmem:$0x3E50] =	vst v49  }
0x1a8: {  	[tilespmem:$0x3E60] =	vst v48  }
0x1a9: {  	[tilespmem:$0x3E70] =	vst v49  }
0x1aa: {  	[tilespmem:$0x3E80] =	vst v48  }
0x1ab: {  	[tilespmem:$0x3E90] =	vst v49  }
0x1ac: {  	[tilespmem:$0x3EA0] =	vst v48  }
0x1ad: {  	[tilespmem:$0x3EB0] =	vst v49  }
0x1ae: {  	[tilespmem:$0x3EC0] =	vst v48  }
0x1af: {  	[tilespmem:$0x3ED0] =	vst v49  }
0x1b0: {  	[tilespmem:$0x3EE0] =	vst v48  }
0x1b1: {  	[tilespmem:$0x3EF0] =	vst v49  }
0x1b2: {  	[tilespmem:$0x3F00] =	vst v48  }
0x1b3: {  	[tilespmem:$0x3F10] =	vst v49  }
0x1b4: {  	[tilespmem:$0x3F20] =	vst v48  }
0x1b5: {  	[tilespmem:$0x3F30] =	vst v49  }
0x1b6: {  	[tilespmem:$0x3F40] =	vst v48  }
0x1b7: {  	[tilespmem:$0x3F50] =	vst v49  }
0x1b8: {  	[tilespmem:$0x3F60] =	vst v48  }
0x1b9: {  	[tilespmem:$0x3F70] =	vst v49  }
0x1ba: {  	[tilespmem:$0x3F80] =	vst v48  }
0x1bb: {  	[tilespmem:$0x3F90] =	vst v49  }
0x1bc: {  	[tilespmem:$0x3FA0] =	vst v48  }
0x1bd: {  	[tilespmem:$0x3FB0] =	vst v49  }
0x1be: {  	[tilespmem:$0x3FC0] =	vst v48  }
0x1bf: {  	[tilespmem:$0x3FD0] =	vst v49  }
0x1c0: {  	[tilespmem:$0x3FE0] =	vst v48  }
0x1c1: {  	[tilespmem:$0x3FF0] =	vst v49  }
0x1c2: {  	v48 =	vld.idx.msk [tilespmem:v28+s4+$0x0], $0xffff  }
0x1c3: {  	v49 =	vld.idx.msk [tilespmem:v29+s4+$0x0], $0xffff;
	_ =	sdelay $0x3  }
0x1c4: {  	[tilespmem:$0x4000] =	vst v48  }
0x1c5: {  	[tilespmem:$0x4010] =	vst v49  }
0x1c6: {  	[tilespmem:$0x4020] =	vst v48  }
0x1c7: {  	[tilespmem:$0x4030] =	vst v49  }
0x1c8: {  	[tilespmem:$0x4040] =	vst v48  }
0x1c9: {  	[tilespmem:$0x4050] =	vst v49  }
0x1ca: {  	[tilespmem:$0x4060] =	vst v48  }
0x1cb: {  	[tilespmem:$0x4070] =	vst v49  }
0x1cc: {  	[tilespmem:$0x4080] =	vst v48  }
0x1cd: {  	[tilespmem:$0x4090] =	vst v49  }
0x1ce: {  	[tilespmem:$0x40A0] =	vst v48  }
0x1cf: {  	[tilespmem:$0x40B0] =	vst v49  }
0x1d0: {  	[tilespmem:$0x40C0] =	vst v48  }
0x1d1: {  	[tilespmem:$0x40D0] =	vst v49  }
0x1d2: {  	[tilespmem:$0x40E0] =	vst v48  }
0x1d3: {  	[tilespmem:$0x40F0] =	vst v49  }
0x1d4: {  	[tilespmem:$0x4100] =	vst v48  }
0x1d5: {  	[tilespmem:$0x4110] =	vst v49  }
0x1d6: {  	[tilespmem:$0x4120] =	vst v48  }
0x1d7: {  	[tilespmem:$0x4130] =	vst v49  }
0x1d8: {  	[tilespmem:$0x4140] =	vst v48  }
0x1d9: {  	[tilespmem:$0x4150] =	vst v49  }
0x1da: {  	[tilespmem:$0x4160] =	vst v48  }
0x1db: {  	[tilespmem:$0x4170] =	vst v49  }
0x1dc: {  	[tilespmem:$0x4180] =	vst v48  }
0x1dd: {  	[tilespmem:$0x4190] =	vst v49  }
0x1de: {  	[tilespmem:$0x41A0] =	vst v48  }
0x1df: {  	[tilespmem:$0x41B0] =	vst v49  }
0x1e0: {  	[tilespmem:$0x41C0] =	vst v48  }
0x1e1: {  	[tilespmem:$0x41D0] =	vst v49  }
0x1e2: {  	[tilespmem:$0x41E0] =	vst v48  }
0x1e3: {  	[tilespmem:$0x41F0] =	vst v49  }
0x1e4: {  	[tilespmem:$0x4200] =	vst v48  }
0x1e5: {  	[tilespmem:$0x4210] =	vst v49  }
0x1e6: {  	[tilespmem:$0x4220] =	vst v48  }
0x1e7: {  	[tilespmem:$0x4230] =	vst v49  }
0x1e8: {  	[tilespmem:$0x4240] =	vst v48  }
0x1e9: {  	[tilespmem:$0x4250] =	vst v49  }
0x1ea: {  	[tilespmem:$0x4260] =	vst v48  }
0x1eb: {  	[tilespmem:$0x4270] =	vst v49  }
0x1ec: {  	[tilespmem:$0x4280] =	vst v48  }
0x1ed: {  	[tilespmem:$0x4290] =	vst v49  }
0x1ee: {  	[tilespmem:$0x42A0] =	vst v48  }
0x1ef: {  	[tilespmem:$0x42B0] =	vst v49  }
0x1f0: {  	[tilespmem:$0x42C0] =	vst v48  }
0x1f1: {  	[tilespmem:$0x42D0] =	vst v49  }
0x1f2: {  	[tilespmem:$0x42E0] =	vst v48  }
0x1f3: {  	[tilespmem:$0x42F0] =	vst v49  }
0x1f4: {  	[tilespmem:$0x4300] =	vst v48  }
0x1f5: {  	[tilespmem:$0x4310] =	vst v49  }
0x1f6: {  	[tilespmem:$0x4320] =	vst v48  }
0x1f7: {  	[tilespmem:$0x4330] =	vst v49  }
0x1f8: {  	[tilespmem:$0x4340] =	vst v48  }
0x1f9: {  	[tilespmem:$0x4350] =	vst v49  }
0x1fa: {  	[tilespmem:$0x4360] =	vst v48  }
0x1fb: {  	[tilespmem:$0x4370] =	vst v49  }
0x1fc: {  	[tilespmem:$0x4380] =	vst v48  }
0x1fd: {  	[tilespmem:$0x4390] =	vst v49  }
0x1fe: {  	[tilespmem:$0x43A0] =	vst v48  }
0x1ff: {  	[tilespmem:$0x43B0] =	vst v49  }
0x200: {  	[tilespmem:$0x43C0] =	vst v48  }
0x201: {  	[tilespmem:$0x43D0] =	vst v49  }
0x202: {  	[tilespmem:$0x43E0] =	vst v48  }
0x203: {  	[tilespmem:$0x43F0] =	vst v49  }
0x204: {  	v48 =	vld.idx.msk [tilespmem:v30+s4+$0x0], $0xffff  }
0x205: {  	v49 =	vld.idx.msk [tilespmem:v31+s4+$0x0], $0xffff;
	_ =	sdelay $0x3  }
0x206: {  	[tilespmem:$0x4400] =	vst v48  }
0x207: {  	[tilespmem:$0x4410] =	vst v49  }
0x208: {  	[tilespmem:$0x4420] =	vst v48  }
0x209: {  	[tilespmem:$0x4430] =	vst v49  }
0x20a: {  	[tilespmem:$0x4440] =	vst v48  }
0x20b: {  	[tilespmem:$0x4450] =	vst v49  }
0x20c: {  	[tilespmem:$0x4460] =	vst v48  }
0x20d: {  	[tilespmem:$0x4470] =	vst v49  }
0x20e: {  	[tilespmem:$0x4480] =	vst v48  }
0x20f: {  	[tilespmem:$0x4490] =	vst v49  }
0x210: {  	[tilespmem:$0x44A0] =	vst v48  }
0x211: {  	[tilespmem:$0x44B0] =	vst v49  }
0x212: {  	[tilespmem:$0x44C0] =	vst v48  }
0x213: {  	[tilespmem:$0x44D0] =	vst v49  }
0x214: {  	[tilespmem:$0x44E0] =	vst v48  }
0x215: {  	[tilespmem:$0x44F0] =	vst v49  }
0x216: {  	[tilespmem:$0x4500] =	vst v48  }
0x217: {  	[tilespmem:$0x4510] =	vst v49  }
0x218: {  	[tilespmem:$0x4520] =	vst v48  }
0x219: {  	[tilespmem:$0x4530] =	vst v49  }
0x21a: {  	[tilespmem:$0x4540] =	vst v48  }
0x21b: {  	[tilespmem:$0x4550] =	vst v49  }
0x21c: {  	[tilespmem:$0x4560] =	vst v48  }
0x21d: {  	[tilespmem:$0x4570] =	vst v49  }
0x21e: {  	[tilespmem:$0x4580] =	vst v48  }
0x21f: {  	[tilespmem:$0x4590] =	vst v49  }
0x220: {  	[tilespmem:$0x45A0] =	vst v48  }
0x221: {  	[tilespmem:$0x45B0] =	vst v49  }
0x222: {  	[tilespmem:$0x45C0] =	vst v48  }
0x223: {  	[tilespmem:$0x45D0] =	vst v49  }
0x224: {  	[tilespmem:$0x45E0] =	vst v48  }
0x225: {  	[tilespmem:$0x45F0] =	vst v49  }
0x226: {  	[tilespmem:$0x4600] =	vst v48  }
0x227: {  	[tilespmem:$0x4610] =	vst v49  }
0x228: {  	[tilespmem:$0x4620] =	vst v48  }
0x229: {  	[tilespmem:$0x4630] =	vst v49  }
0x22a: {  	[tilespmem:$0x4640] =	vst v48  }
0x22b: {  	[tilespmem:$0x4650] =	vst v49  }
0x22c: {  	[tilespmem:$0x4660] =	vst v48  }
0x22d: {  	[tilespmem:$0x4670] =	vst v49  }
0x22e: {  	[tilespmem:$0x4680] =	vst v48  }
0x22f: {  	[tilespmem:$0x4690] =	vst v49  }
0x230: {  	[tilespmem:$0x46A0] =	vst v48  }
0x231: {  	[tilespmem:$0x46B0] =	vst v49  }
0x232: {  	[tilespmem:$0x46C0] =	vst v48  }
0x233: {  	[tilespmem:$0x46D0] =	vst v49  }
0x234: {  	[tilespmem:$0x46E0] =	vst v48  }
0x235: {  	[tilespmem:$0x46F0] =	vst v49  }
0x236: {  	[tilespmem:$0x4700] =	vst v48  }
0x237: {  	[tilespmem:$0x4710] =	vst v49  }
0x238: {  	[tilespmem:$0x4720] =	vst v48  }
0x239: {  	[tilespmem:$0x4730] =	vst v49  }
0x23a: {  	[tilespmem:$0x4740] =	vst v48  }
0x23b: {  	[tilespmem:$0x4750] =	vst v49  }
0x23c: {  	[tilespmem:$0x4760] =	vst v48  }
0x23d: {  	[tilespmem:$0x4770] =	vst v49  }
0x23e: {  	[tilespmem:$0x4780] =	vst v48  }
0x23f: {  	[tilespmem:$0x4790] =	vst v49  }
0x240: {  	[tilespmem:$0x47A0] =	vst v48  }
0x241: {  	[tilespmem:$0x47B0] =	vst v49  }
0x242: {  	[tilespmem:$0x47C0] =	vst v48  }
0x243: {  	[tilespmem:$0x47D0] =	vst v49  }
0x244: {  	[tilespmem:$0x47E0] =	vst v48  }
0x245: {  	[tilespmem:$0x47F0] =	vst v49  }
0x246: {  	v48 =	vld.idx.msk [tilespmem:v32+s4+$0x0], $0xffff  }
0x247: {  	v49 =	vld.idx.msk [tilespmem:v33+s4+$0x0], $0xffff;
	_ =	sdelay $0x3  }
0x248: {  	[tilespmem:$0x4800] =	vst v48  }
0x249: {  	[tilespmem:$0x4810] =	vst v49  }
0x24a: {  	[tilespmem:$0x4820] =	vst v48  }
0x24b: {  	[tilespmem:$0x4830] =	vst v49  }
0x24c: {  	[tilespmem:$0x4840] =	vst v48  }
0x24d: {  	[tilespmem:$0x4850] =	vst v49  }
0x24e: {  	[tilespmem:$0x4860] =	vst v48  }
0x24f: {  	[tilespmem:$0x4870] =	vst v49  }
0x250: {  	[tilespmem:$0x4880] =	vst v48  }
0x251: {  	[tilespmem:$0x4890] =	vst v49  }
0x252: {  	[tilespmem:$0x48A0] =	vst v48  }
0x253: {  	[tilespmem:$0x48B0] =	vst v49  }
0x254: {  	[tilespmem:$0x48C0] =	vst v48  }
0x255: {  	[tilespmem:$0x48D0] =	vst v49  }
0x256: {  	[tilespmem:$0x48E0] =	vst v48  }
0x257: {  	[tilespmem:$0x48F0] =	vst v49  }
0x258: {  	[tilespmem:$0x4900] =	vst v48  }
0x259: {  	[tilespmem:$0x4910] =	vst v49  }
0x25a: {  	[tilespmem:$0x4920] =	vst v48  }
0x25b: {  	[tilespmem:$0x4930] =	vst v49  }
0x25c: {  	[tilespmem:$0x4940] =	vst v48  }
0x25d: {  	[tilespmem:$0x4950] =	vst v49  }
0x25e: {  	[tilespmem:$0x4960] =	vst v48  }
0x25f: {  	[tilespmem:$0x4970] =	vst v49  }
0x260: {  	[tilespmem:$0x4980] =	vst v48  }
0x261: {  	[tilespmem:$0x4990] =	vst v49  }
0x262: {  	[tilespmem:$0x49A0] =	vst v48  }
0x263: {  	[tilespmem:$0x49B0] =	vst v49  }
0x264: {  	[tilespmem:$0x49C0] =	vst v48  }
0x265: {  	[tilespmem:$0x49D0] =	vst v49  }
0x266: {  	[tilespmem:$0x49E0] =	vst v48  }
0x267: {  	[tilespmem:$0x49F0] =	vst v49  }
0x268: {  	[tilespmem:$0x4A00] =	vst v48  }
0x269: {  	[tilespmem:$0x4A10] =	vst v49  }
0x26a: {  	[tilespmem:$0x4A20] =	vst v48  }
0x26b: {  	[tilespmem:$0x4A30] =	vst v49  }
0x26c: {  	[tilespmem:$0x4A40] =	vst v48  }
0x26d: {  	[tilespmem:$0x4A50] =	vst v49  }
0x26e: {  	[tilespmem:$0x4A60] =	vst v48  }
0x26f: {  	[tilespmem:$0x4A70] =	vst v49  }
0x270: {  	[tilespmem:$0x4A80] =	vst v48  }
0x271: {  	[tilespmem:$0x4A90] =	vst v49  }
0x272: {  	[tilespmem:$0x4AA0] =	vst v48  }
0x273: {  	[tilespmem:$0x4AB0] =	vst v49  }
0x274: {  	[tilespmem:$0x4AC0] =	vst v48  }
0x275: {  	[tilespmem:$0x4AD0] =	vst v49  }
0x276: {  	[tilespmem:$0x4AE0] =	vst v48  }
0x277: {  	[tilespmem:$0x4AF0] =	vst v49  }
0x278: {  	[tilespmem:$0x4B00] =	vst v48  }
0x279: {  	[tilespmem:$0x4B10] =	vst v49  }
0x27a: {  	[tilespmem:$0x4B20] =	vst v48  }
0x27b: {  	[tilespmem:$0x4B30] =	vst v49  }
0x27c: {  	[tilespmem:$0x4B40] =	vst v48  }
0x27d: {  	[tilespmem:$0x4B50] =	vst v49  }
0x27e: {  	[tilespmem:$0x4B60] =	vst v48  }
0x27f: {  	[tilespmem:$0x4B70] =	vst v49  }
0x280: {  	[tilespmem:$0x4B80] =	vst v48  }
0x281: {  	[tilespmem:$0x4B90] =	vst v49  }
0x282: {  	[tilespmem:$0x4BA0] =	vst v48  }
0x283: {  	[tilespmem:$0x4BB0] =	vst v49  }
0x284: {  	[tilespmem:$0x4BC0] =	vst v48  }
0x285: {  	[tilespmem:$0x4BD0] =	vst v49  }
0x286: {  	[tilespmem:$0x4BE0] =	vst v48  }
0x287: {  	[tilespmem:$0x4BF0] =	vst v49  }
0x288: {  	v48 =	vld.idx.msk [tilespmem:v34+s4+$0x0], $0xffff  }
0x289: {  	v49 =	vld.idx.msk [tilespmem:v35+s4+$0x0], $0xffff;
	_ =	sdelay $0x3  }
0x28a: {  	[tilespmem:$0x4C00] =	vst v48  }
0x28b: {  	[tilespmem:$0x4C10] =	vst v49  }
0x28c: {  	[tilespmem:$0x4C20] =	vst v48  }
0x28d: {  	[tilespmem:$0x4C30] =	vst v49  }
0x28e: {  	[tilespmem:$0x4C40] =	vst v48  }
0x28f: {  	[tilespmem:$0x4C50] =	vst v49  }
0x290: {  	[tilespmem:$0x4C60] =	vst v48  }
0x291: {  	[tilespmem:$0x4C70] =	vst v49  }
0x292: {  	[tilespmem:$0x4C80] =	vst v48  }
0x293: {  	[tilespmem:$0x4C90] =	vst v49  }
0x294: {  	[tilespmem:$0x4CA0] =	vst v48  }
0x295: {  	[tilespmem:$0x4CB0] =	vst v49  }
0x296: {  	[tilespmem:$0x4CC0] =	vst v48  }
0x297: {  	[tilespmem:$0x4CD0] =	vst v49  }
0x298: {  	[tilespmem:$0x4CE0] =	vst v48  }
0x299: {  	[tilespmem:$0x4CF0] =	vst v49  }
0x29a: {  	[tilespmem:$0x4D00] =	vst v48  }
0x29b: {  	[tilespmem:$0x4D10] =	vst v49  }
0x29c: {  	[tilespmem:$0x4D20] =	vst v48  }
0x29d: {  	[tilespmem:$0x4D30] =	vst v49  }
0x29e: {  	[tilespmem:$0x4D40] =	vst v48  }
0x29f: {  	[tilespmem:$0x4D50] =	vst v49  }
0x2a0: {  	[tilespmem:$0x4D60] =	vst v48  }
0x2a1: {  	[tilespmem:$0x4D70] =	vst v49  }
0x2a2: {  	[tilespmem:$0x4D80] =	vst v48  }
0x2a3: {  	[tilespmem:$0x4D90] =	vst v49  }
0x2a4: {  	[tilespmem:$0x4DA0] =	vst v48  }
0x2a5: {  	[tilespmem:$0x4DB0] =	vst v49  }
0x2a6: {  	[tilespmem:$0x4DC0] =	vst v48  }
0x2a7: {  	[tilespmem:$0x4DD0] =	vst v49  }
0x2a8: {  	[tilespmem:$0x4DE0] =	vst v48  }
0x2a9: {  	[tilespmem:$0x4DF0] =	vst v49  }
0x2aa: {  	[tilespmem:$0x4E00] =	vst v48  }
0x2ab: {  	[tilespmem:$0x4E10] =	vst v49  }
0x2ac: {  	[tilespmem:$0x4E20] =	vst v48  }
0x2ad: {  	[tilespmem:$0x4E30] =	vst v49  }
0x2ae: {  	[tilespmem:$0x4E40] =	vst v48  }
0x2af: {  	[tilespmem:$0x4E50] =	vst v49  }
0x2b0: {  	[tilespmem:$0x4E60] =	vst v48  }
0x2b1: {  	[tilespmem:$0x4E70] =	vst v49  }
0x2b2: {  	[tilespmem:$0x4E80] =	vst v48  }
0x2b3: {  	[tilespmem:$0x4E90] =	vst v49  }
0x2b4: {  	[tilespmem:$0x4EA0] =	vst v48  }
0x2b5: {  	[tilespmem:$0x4EB0] =	vst v49  }
0x2b6: {  	[tilespmem:$0x4EC0] =	vst v48  }
0x2b7: {  	[tilespmem:$0x4ED0] =	vst v49  }
0x2b8: {  	[tilespmem:$0x4EE0] =	vst v48  }
0x2b9: {  	[tilespmem:$0x4EF0] =	vst v49  }
0x2ba: {  	[tilespmem:$0x4F00] =	vst v48  }
0x2bb: {  	[tilespmem:$0x4F10] =	vst v49  }
0x2bc: {  	[tilespmem:$0x4F20] =	vst v48  }
0x2bd: {  	[tilespmem:$0x4F30] =	vst v49  }
0x2be: {  	[tilespmem:$0x4F40] =	vst v48  }
0x2bf: {  	[tilespmem:$0x4F50] =	vst v49  }
0x2c0: {  	[tilespmem:$0x4F60] =	vst v48  }
0x2c1: {  	[tilespmem:$0x4F70] =	vst v49  }
0x2c2: {  	[tilespmem:$0x4F80] =	vst v48  }
0x2c3: {  	[tilespmem:$0x4F90] =	vst v49  }
0x2c4: {  	[tilespmem:$0x4FA0] =	vst v48  }
0x2c5: {  	[tilespmem:$0x4FB0] =	vst v49  }
0x2c6: {  	[tilespmem:$0x4FC0] =	vst v48  }
0x2c7: {  	[tilespmem:$0x4FD0] =	vst v49  }
0x2c8: {  	[tilespmem:$0x4FE0] =	vst v48  }
0x2c9: {  	[tilespmem:$0x4FF0] =	vst v49  }
0x2ca: {  	v48 =	vld.idx.msk [tilespmem:v36+s4+$0x0], $0xffff  }
0x2cb: {  	v49 =	vld.idx.msk [tilespmem:v37+s4+$0x0], $0xffff;
	_ =	sdelay $0x3  }
0x2cc: {  	[tilespmem:$0x5000] =	vst v48  }
0x2cd: {  	[tilespmem:$0x5010] =	vst v49  }
0x2ce: {  	[tilespmem:$0x5020] =	vst v48  }
0x2cf: {  	[tilespmem:$0x5030] =	vst v49  }
0x2d0: {  	[tilespmem:$0x5040] =	vst v48  }
0x2d1: {  	[tilespmem:$0x5050] =	vst v49  }
0x2d2: {  	[tilespmem:$0x5060] =	vst v48  }
0x2d3: {  	[tilespmem:$0x5070] =	vst v49  }
0x2d4: {  	[tilespmem:$0x5080] =	vst v48  }
0x2d5: {  	[tilespmem:$0x5090] =	vst v49  }
0x2d6: {  	[tilespmem:$0x50A0] =	vst v48  }
0x2d7: {  	[tilespmem:$0x50B0] =	vst v49  }
0x2d8: {  	[tilespmem:$0x50C0] =	vst v48  }
0x2d9: {  	[tilespmem:$0x50D0] =	vst v49  }
0x2da: {  	[tilespmem:$0x50E0] =	vst v48  }
0x2db: {  	[tilespmem:$0x50F0] =	vst v49  }
0x2dc: {  	[tilespmem:$0x5100] =	vst v48  }
0x2dd: {  	[tilespmem:$0x5110] =	vst v49  }
0x2de: {  	[tilespmem:$0x5120] =	vst v48  }
0x2df: {  	[tilespmem:$0x5130] =	vst v49  }
0x2e0: {  	[tilespmem:$0x5140] =	vst v48  }
0x2e1: {  	[tilespmem:$0x5150] =	vst v49  }
0x2e2: {  	[tilespmem:$0x5160] =	vst v48  }
0x2e3: {  	[tilespmem:$0x5170] =	vst v49  }
0x2e4: {  	[tilespmem:$0x5180] =	vst v48  }
0x2e5: {  	[tilespmem:$0x5190] =	vst v49  }
0x2e6: {  	[tilespmem:$0x51A0] =	vst v48  }
0x2e7: {  	[tilespmem:$0x51B0] =	vst v49  }
0x2e8: {  	[tilespmem:$0x51C0] =	vst v48  }
0x2e9: {  	[tilespmem:$0x51D0] =	vst v49  }
0x2ea: {  	[tilespmem:$0x51E0] =	vst v48  }
0x2eb: {  	[tilespmem:$0x51F0] =	vst v49  }
0x2ec: {  	[tilespmem:$0x5200] =	vst v48  }
0x2ed: {  	[tilespmem:$0x5210] =	vst v49  }
0x2ee: {  	[tilespmem:$0x5220] =	vst v48  }
0x2ef: {  	[tilespmem:$0x5230] =	vst v49  }
0x2f0: {  	[tilespmem:$0x5240] =	vst v48  }
0x2f1: {  	[tilespmem:$0x5250] =	vst v49  }
0x2f2: {  	[tilespmem:$0x5260] =	vst v48  }
0x2f3: {  	[tilespmem:$0x5270] =	vst v49  }
0x2f4: {  	[tilespmem:$0x5280] =	vst v48  }
0x2f5: {  	[tilespmem:$0x5290] =	vst v49  }
0x2f6: {  	[tilespmem:$0x52A0] =	vst v48  }
0x2f7: {  	[tilespmem:$0x52B0] =	vst v49  }
0x2f8: {  	[tilespmem:$0x52C0] =	vst v48  }
0x2f9: {  	[tilespmem:$0x52D0] =	vst v49  }
0x2fa: {  	[tilespmem:$0x52E0] =	vst v48  }
0x2fb: {  	[tilespmem:$0x52F0] =	vst v49  }
0x2fc: {  	[tilespmem:$0x5300] =	vst v48  }
0x2fd: {  	[tilespmem:$0x5310] =	vst v49  }
0x2fe: {  	[tilespmem:$0x5320] =	vst v48  }
0x2ff: {  	[tilespmem:$0x5330] =	vst v49  }
0x300: {  	[tilespmem:$0x5340] =	vst v48  }
0x301: {  	[tilespmem:$0x5350] =	vst v49  }
0x302: {  	[tilespmem:$0x5360] =	vst v48  }
0x303: {  	[tilespmem:$0x5370] =	vst v49  }
0x304: {  	[tilespmem:$0x5380] =	vst v48  }
0x305: {  	[tilespmem:$0x5390] =	vst v49  }
0x306: {  	[tilespmem:$0x53A0] =	vst v48  }
0x307: {  	[tilespmem:$0x53B0] =	vst v49  }
0x308: {  	[tilespmem:$0x53C0] =	vst v48  }
0x309: {  	[tilespmem:$0x53D0] =	vst v49  }
0x30a: {  	[tilespmem:$0x53E0] =	vst v48  }
0x30b: {  	[tilespmem:$0x53F0] =	vst v49  }
0x30c: {  	v48 =	vld.idx.msk [tilespmem:v38+s4+$0x0], $0xffff  }
0x30d: {  	v49 =	vld.idx.msk [tilespmem:v39+s4+$0x0], $0xffff;
	_ =	sdelay $0x3  }
0x30e: {  	[tilespmem:$0x5400] =	vst v48  }
0x30f: {  	[tilespmem:$0x5410] =	vst v49  }
0x310: {  	[tilespmem:$0x5420] =	vst v48  }
0x311: {  	[tilespmem:$0x5430] =	vst v49  }
0x312: {  	[tilespmem:$0x5440] =	vst v48  }
0x313: {  	[tilespmem:$0x5450] =	vst v49  }
0x314: {  	[tilespmem:$0x5460] =	vst v48  }
0x315: {  	[tilespmem:$0x5470] =	vst v49  }
0x316: {  	[tilespmem:$0x5480] =	vst v48  }
0x317: {  	[tilespmem:$0x5490] =	vst v49  }
0x318: {  	[tilespmem:$0x54A0] =	vst v48  }
0x319: {  	[tilespmem:$0x54B0] =	vst v49  }
0x31a: {  	[tilespmem:$0x54C0] =	vst v48  }
0x31b: {  	[tilespmem:$0x54D0] =	vst v49  }
0x31c: {  	[tilespmem:$0x54E0] =	vst v48  }
0x31d: {  	[tilespmem:$0x54F0] =	vst v49  }
0x31e: {  	[tilespmem:$0x5500] =	vst v48  }
0x31f: {  	[tilespmem:$0x5510] =	vst v49  }
0x320: {  	[tilespmem:$0x5520] =	vst v48  }
0x321: {  	[tilespmem:$0x5530] =	vst v49  }
0x322: {  	[tilespmem:$0x5540] =	vst v48  }
0x323: {  	[tilespmem:$0x5550] =	vst v49  }
0x324: {  	[tilespmem:$0x5560] =	vst v48  }
0x325: {  	[tilespmem:$0x5570] =	vst v49  }
0x326: {  	[tilespmem:$0x5580] =	vst v48  }
0x327: {  	[tilespmem:$0x5590] =	vst v49  }
0x328: {  	[tilespmem:$0x55A0] =	vst v48  }
0x329: {  	[tilespmem:$0x55B0] =	vst v49  }
0x32a: {  	[tilespmem:$0x55C0] =	vst v48  }
0x32b: {  	[tilespmem:$0x55D0] =	vst v49  }
0x32c: {  	[tilespmem:$0x55E0] =	vst v48  }
0x32d: {  	[tilespmem:$0x55F0] =	vst v49  }
0x32e: {  	[tilespmem:$0x5600] =	vst v48  }
0x32f: {  	[tilespmem:$0x5610] =	vst v49  }
0x330: {  	[tilespmem:$0x5620] =	vst v48  }
0x331: {  	[tilespmem:$0x5630] =	vst v49  }
0x332: {  	[tilespmem:$0x5640] =	vst v48  }
0x333: {  	[tilespmem:$0x5650] =	vst v49  }
0x334: {  	[tilespmem:$0x5660] =	vst v48  }
0x335: {  	[tilespmem:$0x5670] =	vst v49  }
0x336: {  	[tilespmem:$0x5680] =	vst v48  }
0x337: {  	[tilespmem:$0x5690] =	vst v49  }
0x338: {  	[tilespmem:$0x56A0] =	vst v48  }
0x339: {  	[tilespmem:$0x56B0] =	vst v49  }
0x33a: {  	[tilespmem:$0x56C0] =	vst v48  }
0x33b: {  	[tilespmem:$0x56D0] =	vst v49  }
0x33c: {  	[tilespmem:$0x56E0] =	vst v48  }
0x33d: {  	[tilespmem:$0x56F0] =	vst v49  }
0x33e: {  	[tilespmem:$0x5700] =	vst v48  }
0x33f: {  	[tilespmem:$0x5710] =	vst v49  }
0x340: {  	[tilespmem:$0x5720] =	vst v48  }
0x341: {  	[tilespmem:$0x5730] =	vst v49  }
0x342: {  	[tilespmem:$0x5740] =	vst v48  }
0x343: {  	[tilespmem:$0x5750] =	vst v49  }
0x344: {  	[tilespmem:$0x5760] =	vst v48  }
0x345: {  	[tilespmem:$0x5770] =	vst v49  }
0x346: {  	[tilespmem:$0x5780] =	vst v48  }
0x347: {  	[tilespmem:$0x5790] =	vst v49  }
0x348: {  	[tilespmem:$0x57A0] =	vst v48  }
0x349: {  	[tilespmem:$0x57B0] =	vst v49  }
0x34a: {  	[tilespmem:$0x57C0] =	vst v48  }
0x34b: {  	[tilespmem:$0x57D0] =	vst v49  }
0x34c: {  	[tilespmem:$0x57E0] =	vst v48  }
0x34d: {  	[tilespmem:$0x57F0] =	vst v49  }
0x34e: {  	v48 =	vld.idx.msk [tilespmem:v40+s4+$0x0], $0xffff  }
0x34f: {  	v49 =	vld.idx.msk [tilespmem:v41+s4+$0x0], $0xffff;
	_ =	sdelay $0x3  }
0x350: {  	[tilespmem:$0x5800] =	vst v48  }
0x351: {  	[tilespmem:$0x5810] =	vst v49  }
0x352: {  	[tilespmem:$0x5820] =	vst v48  }
0x353: {  	[tilespmem:$0x5830] =	vst v49  }
0x354: {  	[tilespmem:$0x5840] =	vst v48  }
0x355: {  	[tilespmem:$0x5850] =	vst v49  }
0x356: {  	[tilespmem:$0x5860] =	vst v48  }
0x357: {  	[tilespmem:$0x5870] =	vst v49  }
0x358: {  	[tilespmem:$0x5880] =	vst v48  }
0x359: {  	[tilespmem:$0x5890] =	vst v49  }
0x35a: {  	[tilespmem:$0x58A0] =	vst v48  }
0x35b: {  	[tilespmem:$0x58B0] =	vst v49  }
0x35c: {  	[tilespmem:$0x58C0] =	vst v48  }
0x35d: {  	[tilespmem:$0x58D0] =	vst v49  }
0x35e: {  	[tilespmem:$0x58E0] =	vst v48  }
0x35f: {  	[tilespmem:$0x58F0] =	vst v49  }
0x360: {  	[tilespmem:$0x5900] =	vst v48  }
0x361: {  	[tilespmem:$0x5910] =	vst v49  }
0x362: {  	[tilespmem:$0x5920] =	vst v48  }
0x363: {  	[tilespmem:$0x5930] =	vst v49  }
0x364: {  	[tilespmem:$0x5940] =	vst v48  }
0x365: {  	[tilespmem:$0x5950] =	vst v49  }
0x366: {  	[tilespmem:$0x5960] =	vst v48  }
0x367: {  	[tilespmem:$0x5970] =	vst v49  }
0x368: {  	[tilespmem:$0x5980] =	vst v48  }
0x369: {  	[tilespmem:$0x5990] =	vst v49  }
0x36a: {  	[tilespmem:$0x59A0] =	vst v48  }
0x36b: {  	[tilespmem:$0x59B0] =	vst v49  }
0x36c: {  	[tilespmem:$0x59C0] =	vst v48  }
0x36d: {  	[tilespmem:$0x59D0] =	vst v49  }
0x36e: {  	[tilespmem:$0x59E0] =	vst v48  }
0x36f: {  	[tilespmem:$0x59F0] =	vst v49  }
0x370: {  	[tilespmem:$0x5A00] =	vst v48  }
0x371: {  	[tilespmem:$0x5A10] =	vst v49  }
0x372: {  	[tilespmem:$0x5A20] =	vst v48  }
0x373: {  	[tilespmem:$0x5A30] =	vst v49  }
0x374: {  	[tilespmem:$0x5A40] =	vst v48  }
0x375: {  	[tilespmem:$0x5A50] =	vst v49  }
0x376: {  	[tilespmem:$0x5A60] =	vst v48  }
0x377: {  	[tilespmem:$0x5A70] =	vst v49  }
0x378: {  	[tilespmem:$0x5A80] =	vst v48  }
0x379: {  	[tilespmem:$0x5A90] =	vst v49  }
0x37a: {  	[tilespmem:$0x5AA0] =	vst v48  }
0x37b: {  	[tilespmem:$0x5AB0] =	vst v49  }
0x37c: {  	[tilespmem:$0x5AC0] =	vst v48  }
0x37d: {  	[tilespmem:$0x5AD0] =	vst v49  }
0x37e: {  	[tilespmem:$0x5AE0] =	vst v48  }
0x37f: {  	[tilespmem:$0x5AF0] =	vst v49  }
0x380: {  	[tilespmem:$0x5B00] =	vst v48  }
0x381: {  	[tilespmem:$0x5B10] =	vst v49  }
0x382: {  	[tilespmem:$0x5B20] =	vst v48  }
0x383: {  	[tilespmem:$0x5B30] =	vst v49  }
0x384: {  	[tilespmem:$0x5B40] =	vst v48  }
0x385: {  	[tilespmem:$0x5B50] =	vst v49  }
0x386: {  	[tilespmem:$0x5B60] =	vst v48  }
0x387: {  	[tilespmem:$0x5B70] =	vst v49  }
0x388: {  	[tilespmem:$0x5B80] =	vst v48  }
0x389: {  	[tilespmem:$0x5B90] =	vst v49  }
0x38a: {  	[tilespmem:$0x5BA0] =	vst v48  }
0x38b: {  	[tilespmem:$0x5BB0] =	vst v49  }
0x38c: {  	[tilespmem:$0x5BC0] =	vst v48  }
0x38d: {  	[tilespmem:$0x5BD0] =	vst v49  }
0x38e: {  	[tilespmem:$0x5BE0] =	vst v48  }
0x38f: {  	[tilespmem:$0x5BF0] =	vst v49  }
0x390: {  	v48 =	vld.idx.msk [tilespmem:v42+s4+$0x0], $0xffff  }
0x391: {  	v49 =	vld.idx.msk [tilespmem:v43+s4+$0x0], $0xffff;
	_ =	sdelay $0x3  }
0x392: {  	[tilespmem:$0x5C00] =	vst v48  }
0x393: {  	[tilespmem:$0x5C10] =	vst v49  }
0x394: {  	[tilespmem:$0x5C20] =	vst v48  }
0x395: {  	[tilespmem:$0x5C30] =	vst v49  }
0x396: {  	[tilespmem:$0x5C40] =	vst v48  }
0x397: {  	[tilespmem:$0x5C50] =	vst v49  }
0x398: {  	[tilespmem:$0x5C60] =	vst v48  }
0x399: {  	[tilespmem:$0x5C70] =	vst v49  }
0x39a: {  	[tilespmem:$0x5C80] =	vst v48  }
0x39b: {  	[tilespmem:$0x5C90] =	vst v49  }
0x39c: {  	[tilespmem:$0x5CA0] =	vst v48  }
0x39d: {  	[tilespmem:$0x5CB0] =	vst v49  }
0x39e: {  	[tilespmem:$0x5CC0] =	vst v48  }
0x39f: {  	[tilespmem:$0x5CD0] =	vst v49  }
0x3a0: {  	[tilespmem:$0x5CE0] =	vst v48  }
0x3a1: {  	[tilespmem:$0x5CF0] =	vst v49  }
0x3a2: {  	[tilespmem:$0x5D00] =	vst v48  }
0x3a3: {  	[tilespmem:$0x5D10] =	vst v49  }
0x3a4: {  	[tilespmem:$0x5D20] =	vst v48  }
0x3a5: {  	[tilespmem:$0x5D30] =	vst v49  }
0x3a6: {  	[tilespmem:$0x5D40] =	vst v48  }
0x3a7: {  	[tilespmem:$0x5D50] =	vst v49  }
0x3a8: {  	[tilespmem:$0x5D60] =	vst v48  }
0x3a9: {  	[tilespmem:$0x5D70] =	vst v49  }
0x3aa: {  	[tilespmem:$0x5D80] =	vst v48  }
0x3ab: {  	[tilespmem:$0x5D90] =	vst v49  }
0x3ac: {  	[tilespmem:$0x5DA0] =	vst v48  }
0x3ad: {  	[tilespmem:$0x5DB0] =	vst v49  }
0x3ae: {  	[tilespmem:$0x5DC0] =	vst v48  }
0x3af: {  	[tilespmem:$0x5DD0] =	vst v49  }
0x3b0: {  	[tilespmem:$0x5DE0] =	vst v48  }
0x3b1: {  	[tilespmem:$0x5DF0] =	vst v49  }
0x3b2: {  	[tilespmem:$0x5E00] =	vst v48  }
0x3b3: {  	[tilespmem:$0x5E10] =	vst v49  }
0x3b4: {  	[tilespmem:$0x5E20] =	vst v48  }
0x3b5: {  	[tilespmem:$0x5E30] =	vst v49  }
0x3b6: {  	[tilespmem:$0x5E40] =	vst v48  }
0x3b7: {  	[tilespmem:$0x5E50] =	vst v49  }
0x3b8: {  	[tilespmem:$0x5E60] =	vst v48  }
0x3b9: {  	[tilespmem:$0x5E70] =	vst v49  }
0x3ba: {  	[tilespmem:$0x5E80] =	vst v48  }
0x3bb: {  	[tilespmem:$0x5E90] =	vst v49  }
0x3bc: {  	[tilespmem:$0x5EA0] =	vst v48  }
0x3bd: {  	[tilespmem:$0x5EB0] =	vst v49  }
0x3be: {  	[tilespmem:$0x5EC0] =	vst v48  }
0x3bf: {  	[tilespmem:$0x5ED0] =	vst v49  }
0x3c0: {  	[tilespmem:$0x5EE0] =	vst v48  }
0x3c1: {  	[tilespmem:$0x5EF0] =	vst v49  }
0x3c2: {  	[tilespmem:$0x5F00] =	vst v48  }
0x3c3: {  	[tilespmem:$0x5F10] =	vst v49  }
0x3c4: {  	[tilespmem:$0x5F20] =	vst v48  }
0x3c5: {  	[tilespmem:$0x5F30] =	vst v49  }
0x3c6: {  	[tilespmem:$0x5F40] =	vst v48  }
0x3c7: {  	[tilespmem:$0x5F50] =	vst v49  }
0x3c8: {  	[tilespmem:$0x5F60] =	vst v48  }
0x3c9: {  	[tilespmem:$0x5F70] =	vst v49  }
0x3ca: {  	[tilespmem:$0x5F80] =	vst v48  }
0x3cb: {  	[tilespmem:$0x5F90] =	vst v49  }
0x3cc: {  	[tilespmem:$0x5FA0] =	vst v48  }
0x3cd: {  	[tilespmem:$0x5FB0] =	vst v49  }
0x3ce: {  	[tilespmem:$0x5FC0] =	vst v48  }
0x3cf: {  	[tilespmem:$0x5FD0] =	vst v49  }
0x3d0: {  	[tilespmem:$0x5FE0] =	vst v48  }
0x3d1: {  	[tilespmem:$0x5FF0] =	vst v49  }
0x3d2: {  	v48 =	vld.idx.msk [tilespmem:v44+s4+$0x0], $0xffff  }
0x3d3: {  	v49 =	vld.idx.msk [tilespmem:v45+s4+$0x0], $0xffff;
	_ =	sdelay $0x3  }
0x3d4: {  	[tilespmem:$0x6000] =	vst v48  }
0x3d5: {  	[tilespmem:$0x6010] =	vst v49  }
0x3d6: {  	[tilespmem:$0x6020] =	vst v48  }
0x3d7: {  	[tilespmem:$0x6030] =	vst v49  }
0x3d8: {  	[tilespmem:$0x6040] =	vst v48  }
0x3d9: {  	[tilespmem:$0x6050] =	vst v49  }
0x3da: {  	[tilespmem:$0x6060] =	vst v48  }
0x3db: {  	[tilespmem:$0x6070] =	vst v49  }
0x3dc: {  	[tilespmem:$0x6080] =	vst v48  }
0x3dd: {  	[tilespmem:$0x6090] =	vst v49  }
0x3de: {  	[tilespmem:$0x60A0] =	vst v48  }
0x3df: {  	[tilespmem:$0x60B0] =	vst v49  }
0x3e0: {  	[tilespmem:$0x60C0] =	vst v48  }
0x3e1: {  	[tilespmem:$0x60D0] =	vst v49  }
0x3e2: {  	[tilespmem:$0x60E0] =	vst v48  }
0x3e3: {  	[tilespmem:$0x60F0] =	vst v49  }
0x3e4: {  	[tilespmem:$0x6100] =	vst v48  }
0x3e5: {  	[tilespmem:$0x6110] =	vst v49  }
0x3e6: {  	[tilespmem:$0x6120] =	vst v48  }
0x3e7: {  	[tilespmem:$0x6130] =	vst v49  }
0x3e8: {  	[tilespmem:$0x6140] =	vst v48  }
0x3e9: {  	[tilespmem:$0x6150] =	vst v49  }
0x3ea: {  	[tilespmem:$0x6160] =	vst v48  }
0x3eb: {  	[tilespmem:$0x6170] =	vst v49  }
0x3ec: {  	[tilespmem:$0x6180] =	vst v48  }
0x3ed: {  	[tilespmem:$0x6190] =	vst v49  }
0x3ee: {  	[tilespmem:$0x61A0] =	vst v48  }
0x3ef: {  	[tilespmem:$0x61B0] =	vst v49  }
0x3f0: {  	[tilespmem:$0x61C0] =	vst v48  }
0x3f1: {  	[tilespmem:$0x61D0] =	vst v49  }
0x3f2: {  	[tilespmem:$0x61E0] =	vst v48  }
0x3f3: {  	[tilespmem:$0x61F0] =	vst v49  }
0x3f4: {  	[tilespmem:$0x6200] =	vst v48  }
0x3f5: {  	[tilespmem:$0x6210] =	vst v49  }
0x3f6: {  	[tilespmem:$0x6220] =	vst v48  }
0x3f7: {  	[tilespmem:$0x6230] =	vst v49  }
0x3f8: {  	[tilespmem:$0x6240] =	vst v48  }
0x3f9: {  	[tilespmem:$0x6250] =	vst v49  }
0x3fa: {  	[tilespmem:$0x6260] =	vst v48  }
0x3fb: {  	[tilespmem:$0x6270] =	vst v49  }
0x3fc: {  	[tilespmem:$0x6280] =	vst v48  }
0x3fd: {  	[tilespmem:$0x6290] =	vst v49  }
0x3fe: {  	[tilespmem:$0x62A0] =	vst v48  }
0x3ff: {  	[tilespmem:$0x62B0] =	vst v49  }
0x400: {  	[tilespmem:$0x62C0] =	vst v48  }
0x401: {  	[tilespmem:$0x62D0] =	vst v49  }
0x402: {  	[tilespmem:$0x62E0] =	vst v48  }
0x403: {  	[tilespmem:$0x62F0] =	vst v49  }
0x404: {  	[tilespmem:$0x6300] =	vst v48  }
0x405: {  	[tilespmem:$0x6310] =	vst v49  }
0x406: {  	[tilespmem:$0x6320] =	vst v48  }
0x407: {  	[tilespmem:$0x6330] =	vst v49  }
0x408: {  	[tilespmem:$0x6340] =	vst v48  }
0x409: {  	[tilespmem:$0x6350] =	vst v49  }
0x40a: {  	[tilespmem:$0x6360] =	vst v48  }
0x40b: {  	[tilespmem:$0x6370] =	vst v49  }
0x40c: {  	[tilespmem:$0x6380] =	vst v48  }
0x40d: {  	[tilespmem:$0x6390] =	vst v49  }
0x40e: {  	[tilespmem:$0x63A0] =	vst v48  }
0x40f: {  	[tilespmem:$0x63B0] =	vst v49  }
0x410: {  	[tilespmem:$0x63C0] =	vst v48  }
0x411: {  	[tilespmem:$0x63D0] =	vst v49  }
0x412: {  	[tilespmem:$0x63E0] =	vst v48  }
0x413: {  	[tilespmem:$0x63F0] =	vst v49  }
0x414: {  	v48 =	vld.idx.msk [tilespmem:v46+s4+$0x0], $0xffff  }
0x415: {  	v49 =	vld.idx.msk [tilespmem:v47+s4+$0x0], $0xffff;
	_ =	sdelay $0x3  }
0x416: {  	[tilespmem:$0x6400] =	vst v48  }
0x417: {  	[tilespmem:$0x6410] =	vst v49  }
0x418: {  	[tilespmem:$0x6420] =	vst v48  }
0x419: {  	[tilespmem:$0x6430] =	vst v49  }
0x41a: {  	[tilespmem:$0x6440] =	vst v48  }
0x41b: {  	[tilespmem:$0x6450] =	vst v49  }
0x41c: {  	[tilespmem:$0x6460] =	vst v48  }
0x41d: {  	[tilespmem:$0x6470] =	vst v49  }
0x41e: {  	[tilespmem:$0x6480] =	vst v48  }
0x41f: {  	[tilespmem:$0x6490] =	vst v49  }
0x420: {  	[tilespmem:$0x64A0] =	vst v48  }
0x421: {  	[tilespmem:$0x64B0] =	vst v49  }
0x422: {  	[tilespmem:$0x64C0] =	vst v48  }
0x423: {  	[tilespmem:$0x64D0] =	vst v49  }
0x424: {  	[tilespmem:$0x64E0] =	vst v48  }
0x425: {  	[tilespmem:$0x64F0] =	vst v49  }
0x426: {  	[tilespmem:$0x6500] =	vst v48  }
0x427: {  	[tilespmem:$0x6510] =	vst v49  }
0x428: {  	[tilespmem:$0x6520] =	vst v48  }
0x429: {  	[tilespmem:$0x6530] =	vst v49  }
0x42a: {  	[tilespmem:$0x6540] =	vst v48  }
0x42b: {  	[tilespmem:$0x6550] =	vst v49  }
0x42c: {  	[tilespmem:$0x6560] =	vst v48  }
0x42d: {  	[tilespmem:$0x6570] =	vst v49  }
0x42e: {  	[tilespmem:$0x6580] =	vst v48  }
0x42f: {  	[tilespmem:$0x6590] =	vst v49  }
0x430: {  	[tilespmem:$0x65A0] =	vst v48  }
0x431: {  	[tilespmem:$0x65B0] =	vst v49  }
0x432: {  	[tilespmem:$0x65C0] =	vst v48  }
0x433: {  	[tilespmem:$0x65D0] =	vst v49  }
0x434: {  	[tilespmem:$0x65E0] =	vst v48  }
0x435: {  	[tilespmem:$0x65F0] =	vst v49  }
0x436: {  	[tilespmem:$0x6600] =	vst v48  }
0x437: {  	[tilespmem:$0x6610] =	vst v49  }
0x438: {  	[tilespmem:$0x6620] =	vst v48  }
0x439: {  	[tilespmem:$0x6630] =	vst v49  }
0x43a: {  	[tilespmem:$0x6640] =	vst v48  }
0x43b: {  	[tilespmem:$0x6650] =	vst v49  }
0x43c: {  	[tilespmem:$0x6660] =	vst v48  }
0x43d: {  	[tilespmem:$0x6670] =	vst v49  }
0x43e: {  	[tilespmem:$0x6680] =	vst v48  }
0x43f: {  	[tilespmem:$0x6690] =	vst v49  }
0x440: {  	[tilespmem:$0x66A0] =	vst v48  }
0x441: {  	[tilespmem:$0x66B0] =	vst v49  }
0x442: {  	[tilespmem:$0x66C0] =	vst v48  }
0x443: {  	[tilespmem:$0x66D0] =	vst v49  }
0x444: {  	[tilespmem:$0x66E0] =	vst v48  }
0x445: {  	[tilespmem:$0x66F0] =	vst v49  }
0x446: {  	[tilespmem:$0x6700] =	vst v48  }
0x447: {  	[tilespmem:$0x6710] =	vst v49  }
0x448: {  	[tilespmem:$0x6720] =	vst v48  }
0x449: {  	[tilespmem:$0x6730] =	vst v49  }
0x44a: {  	[tilespmem:$0x6740] =	vst v48  }
0x44b: {  	[tilespmem:$0x6750] =	vst v49  }
0x44c: {  	[tilespmem:$0x6760] =	vst v48  }
0x44d: {  	[tilespmem:$0x6770] =	vst v49  }
0x44e: {  	[tilespmem:$0x6780] =	vst v48  }
0x44f: {  	[tilespmem:$0x6790] =	vst v49  }
0x450: {  	[tilespmem:$0x67A0] =	vst v48  }
.Ltmp3:
0x451: {  	[tilespmem:$0x67B0] =	vst v49;
	(pc) =	sbr.rel .LBB2_99-.Ltmp3, $4  }
0x452: {  	[tilespmem:$0x67C0] =	vst v48  }
0x453: {  	[tilespmem:$0x67D0] =	vst v49  }
0x454: {  	[tilespmem:$0x67E0] =	vst v48  }
0x455: {  	[tilespmem:$0x67F0] =	vst v49  }
.LBB2_3:
0x456: {  	s1 =	simm.s32 $0x0  }
0x457: {  	v48 =	vmov s1  }
0x458: {  	v48 =	vadd.s32 $0x1, v48  }
0x459: {  	v48 =	vshll.u32 v48, $0x8  }
0x45a: {  	v49 =	vadd.s32 v0, v48  }
0x45b: {  	v49 =	vbroadcast v49, $0x0  }
0x45c: {  	s6 =	rddreg [dreg:$0x0]  }
0x45d: {  	[tilespmem:s1], [sflag:$0x2] =	stream.linear.gather [hbm4b:s6+s1], $0x2800, $0x38;
	[tilespmem:$0x7200] =	vst v63  }
0x45e: {  	_ =	swait.ge [sflag:s29], $0x2800  }
0x45f: {  	s26 =	simm.s32 $0x1;
	[sflag:s29] =	ssyncset.done $0x0  }
0x460: {  	v63 =	vmov s26;
	[sflag:s29] =	ssyncadd.s32 $0xFFFFD800  }
0x461: {  	v50 =	vld.idx.msk [tilespmem:v49+s1+$0x0], $0xffff;
	v49 =	vadd.s32 $0x1, v63  }
0x462: {  	v49 =	vshll.u32 v49, $0x8  }
0x463: {  	v51 =	vadd.s32 v0, v49  }
0x464: {  	v51 =	vbroadcast v51, $0x0;
	_ =	sdelay $0x2  }
0x465: {  	s23 =	simm.s32 $0x2810;
	s6 =	simm.s32 $0x2  }
0x466: {  	s24 =	simm.s32 $0x3;
	v52 =	vmov s6;
	[tilespmem:s23+$0xFFFFFFF0] =	vst v50  }
.LBB2_4:
0x467: {  	p2 =	sne.s32 s24, $0x1F;
	v52 =	vadd.s32 $0x1, v52;
	[tilespmem:s23+$0x0] =	vst v50  }
0x468: {  	v52 =	vshll.u32 v52, $0x8;
	v50 =	vld.idx.msk [tilespmem:v51+s1+$0x0], $0xffff  }
0x469: {  	v51 =	vadd.s32 v0, v52  }
.Ltmp4:
0x46a: {  	v51 =	vbroadcast v51, $0x0;
	(pc) =	sbr.rel @p2 .LBB2_4-.Ltmp4, $3  }
0x46b: {  	_ =	sdelay $0x1  }
0x46c: {  	s23 =	sadd.s32 $0x20, s23  }
0x46d: {  	v52 =	vmov s24;
	s24 =	sadd.s32 $0x1, s24;
	[tilespmem:s23+$0xFFFFFFF0] =	vst v50  }
0x46e: {  	_ =	sdelay $0x1  }
0x46f: {  	v52 =	vadd.s32 $0x1, v52  }
0x470: {  	[tilespmem:s23+$0x0] =	vst v50;
	v63 =	vshll.u32 v52, $0x8  }
0x471: {  	v51 =	vld.idx.msk [tilespmem:v51+s1+$0x0], $0xffff;
	v50 =	vadd.s32 v0, v63  }
0x472: {  	v50 =	vbroadcast v50, $0x0;
	_ =	sdelay $0x2  }
0x473: {  	s24 =	sadd.s32 $0x20, s23  }
0x474: {  	[tilespmem:s24+$0xFFFFFFF0] =	vst v51  }
0x475: {  	[tilespmem:s24+$0x0] =	vst v51  }
0x476: {  	v48 =	vadd.s32 v48, v1;
	v50 =	vld.idx.msk [tilespmem:v50+s1+$0x0], $0xffff  }
0x477: {  	v48 =	vbroadcast v48, $0x0;
	_ =	sdelay $0x2  }
0x478: {  	s26 =	sadd.s32 $0x20, s24  }
0x479: {  	[tilespmem:s26+$0xFFFFFFF0] =	vst v50  }
0x47a: {  	s1 =	simm.s32 $0x0;
	[tilespmem:s26+$0x0] =	vst v50  }
0x47b: {  	v49 =	vadd.s32 v49, v1;
	v48 =	vld.idx.msk [tilespmem:v48+s1+$0x0], $0xffff  }
0x47c: {  	v49 =	vbroadcast v49, $0x0;
	_ =	sdelay $0x2  }
0x47d: {  	s23 =	simm.s32 $0x2C10  }
0x47e: {  	v50 =	vmov s6;
	s6 =	simm.s32 $0x3;
	[tilespmem:s23+$0xFFFFFFF0] =	vst v48  }
.LBB2_6:
0x47f: {  	p2 =	sne.s32 s6, $0x1F;
	v50 =	vadd.s32 $0x1, v50;
	[tilespmem:s23+$0x0] =	vst v48  }
0x480: {  	v50 =	vshll.u32 v50, $0x8;
	v48 =	vld.idx.msk [tilespmem:v49+s1+$0x0], $0xffff  }
0x481: {  	v49 =	vadd.s32 v50, v1  }
.Ltmp5:
0x482: {  	v49 =	vbroadcast v49, $0x0;
	(pc) =	sbr.rel @p2 .LBB2_6-.Ltmp5, $3  }
0x483: {  	_ =	sdelay $0x1  }
0x484: {  	s23 =	sadd.s32 $0x20, s23  }
0x485: {  	v50 =	vmov s6;
	s6 =	sadd.s32 $0x1, s6;
	[tilespmem:s23+$0xFFFFFFF0] =	vst v48  }
0x486: {  	_ =	sdelay $0x1  }
0x487: {  	v50 =	vadd.s32 $0x1, v50  }
0x488: {  	s1 =	simm.s32 $0x0;
	[tilespmem:s23+$0x0] =	vst v48;
	v63 =	vshll.u32 v50, $0x8  }
0x489: {  	v49 =	vld.idx.msk [tilespmem:v49+s1+$0x0], $0xffff;
	v48 =	vadd.s32 v63, v1  }
0x48a: {  	v48 =	vbroadcast v48, $0x0;
	_ =	sdelay $0x2  }
0x48b: {  	s6 =	sadd.s32 $0x20, s23  }
0x48c: {  	[tilespmem:s6+$0xFFFFFFF0] =	vst v49  }
0x48d: {  	[tilespmem:s6+$0x0] =	vst v49  }
0x48e: {  	v49 =	vld.idx.msk [tilespmem:v48+s1+$0x0], $0xffff  }
0x48f: {  	p3 =	por $0x1, $0x1  }
.Ltmp6:
0x490: {  	_ = 	snop;
	(pc) =	sbr.rel @!p3 .LBB2_13-.Ltmp6, $4  }
0x491: {  	_ = 	snop  }
0x492: {  	s24 =	sadd.s32 $0x20, s6  }
0x493: {  	s23 =	simm.s32 $0x3010;
	p4 =	por $0x0, $0x0;
	p2 =	por $0x0, $0x0;
	v48 =	vmov s1;
	[tilespmem:s24+$0xFFFFFFF0] =	vst v49  }
0x494: {  	p5 =	por $0x0, $0x0;
	s6 =	simm.s32 $0x1;
	v51 =	vmov v48;
	[tilespmem:s24+$0x0] =	vst v49;
	s24 =	simm.s32 $0x3010  }
0x495: {  	p5 =	por $0x1, $0x1  }
.Ltmp7:
0x496: {  	_ = 	snop;
	(pc) =	sbr.rel @!p5 .LBB2_9-.Ltmp7, $4  }
0x497: {  	v49 =	vadd.s32 $0x1, v48  }
0x498: {  	v49 =	vshll.u32 v49, $0x8  }
0x499: {  	v49 =	vadd.s32 v49, v2  }
0x49a: {  	v51 =	vmov s6;
	s24 =	simm.s32 $0x2;
	p4 =	por $0x1, $0x1;
	v49 =	vbroadcast v49, $0x0  }
0x49b: {  	_ =	sdelay $0x3  }
0x49c: {  	v63 =	vadd.s32 $0x1, v51  }
0x49d: {  	v50 =	vld.idx.msk [tilespmem:v49+s1+$0x0], $0xffff;
	v49 =	vshll.u32 v63, $0x8  }
0x49e: {  	p6 =	por $0x1, $0x1;
	v49 =	vadd.s32 v49, v2  }
.Ltmp8:
0x49f: {  	v49 =	vbroadcast v49, $0x0;
	(pc) =	sbr.rel @!p6 .LBB2_11-.Ltmp8, $2  }
0x4a0: {  	_ =	sdelay $0x2  }
0x4a1: {  	v51 =	vmov s24;
	s26 =	simm.s32 $0x3;
	p5 =	por $0x1, $0x1;
	s24 =	simm.s32 $0x3010;
	[tilespmem:s23+$0xFFFFFFF0] =	vst v50  }
.LBB2_12:
0x4a2: {  	p6 =	sne.s32 s26, $0x1F;
	v51 =	vadd.s32 $0x1, v51;
	[tilespmem:s24+$0x0] =	vst v50  }
0x4a3: {  	v51 =	vshll.u32 v51, $0x8;
	v50 =	vld.idx.msk [tilespmem:v49+s1+$0x0], $0xffff  }
0x4a4: {  	v49 =	vadd.s32 v51, v2  }
.Ltmp9:
0x4a5: {  	v49 =	vbroadcast v49, $0x0;
	(pc) =	sbr.rel @p6 .LBB2_12-.Ltmp9, $3  }
0x4a6: {  	_ =	sdelay $0x1  }
0x4a7: {  	s24 =	sadd.s32 $0x20, s24  }
0x4a8: {  	v51 =	vmov s26;
	s26 =	sadd.s32 $0x1, s26;
	[tilespmem:s24+$0xFFFFFFF0] =	vst v50  }
.LBB2_13:
0x4a9: {  	_ =	sdelay $0x1  }
0x4aa: {  	v51 =	vadd.s32 $0x1, v51  }
0x4ab: {  	[tilespmem:s24+$0x0] =	vst @p5 v50;
	v63 =	vshll.u32 v51, $0x8  }
0x4ac: {  	v49 =	vld.idx.msk @p4 [tilespmem:v49+s1+$0x0], $0xffff;
	v50 =	vadd.s32 v63, v2  }
0x4ad: {  	v50 =	vbroadcast v50, $0x0;
	_ =	sdelay $0x1  }
0x4ae: {  	s24 =	sadd.s32 @p5 $0x20, s24;
	s26 =	simm.s32 $0x3010  }
0x4af: {  	s26 =	smov.u32 @p5 s24  }
0x4b0: {  	[tilespmem:s26+$0xFFFFFFF0] =	vst @p4 v49;
	v49 =	vpsel p4, v49, v0  }
0x4b1: {  	[tilespmem:s26+$0x0] =	vst @p4 v49  }
0x4b2: {  	v49 =	vld.idx.msk [tilespmem:v50+s1+$0x0], $0xffff;
	_ =	sdelay $0x1  }
.Ltmp10:
0x4b3: {  	_ = 	snop;
	(pc) =	sbr.rel @!p3 .LBB2_14-.Ltmp10, $4  }
0x4b4: {  	s1 =	sadd.s32 @p4 $0x20, s26  }
0x4b5: {  	s23 =	smov.u32 @p4 s1  }
0x4b6: {  	[tilespmem:s23+$0xFFFFFFF0] =	vst v49  }
0x4b7: {  	[tilespmem:s23+$0x0] =	vst v49;
	s23 =	simm.s32 $0x3410  }
0x4b8: {  	p4 =	por $0x1, $0x1  }
.Ltmp11:
0x4b9: {  	_ = 	snop;
	(pc) =	sbr.rel @!p4 .LBB2_16-.Ltmp11, $4  }
0x4ba: {  	v48 =	vadd.s32 $0x1, v48  }
0x4bb: {  	v48 =	vshll.u32 v48, $0x8  }
0x4bc: {  	v48 =	vadd.s32 v48, v3  }
0x4bd: {  	s1 =	simm.s32 $0x2;
	p3 =	por $0x1, $0x1;
	v49 =	vbroadcast v48, $0x0;
	v48 =	vmov s6  }
0x4be: {  	_ =	sdelay $0x2  }
0x4bf: {  	v48 =	vadd.s32 $0x1, v48  }
0x4c0: {  	s6 =	simm.s32 $0x0;
	v48 =	vshll.u32 v48, $0x8  }
0x4c1: {  	p4 =	por $0x1, $0x1;
	v50 =	vld.idx.msk [tilespmem:v49+s6+$0x0], $0xffff;
	v48 =	vadd.s32 v48, v3  }
.Ltmp12:
0x4c2: {  	v49 =	vbroadcast v48, $0x0;
	(pc) =	sbr.rel @!p4 .LBB2_18-.Ltmp12, $2  }
0x4c3: {  	_ =	sdelay $0x2  }
0x4c4: {  	s24 =	simm.s32 $0x3;
	p2 =	por $0x1, $0x1;
	v48 =	vmov s1;
	s1 =	simm.s32 $0x3410;
	[tilespmem:s23+$0xFFFFFFF0] =	vst v50  }
.LBB2_19:
0x4c5: {  	p4 =	sne.s32 s24, $0x1F;
	v48 =	vadd.s32 $0x1, v48;
	[tilespmem:s1+$0x0] =	vst v50  }
0x4c6: {  	v48 =	vshll.u32 v48, $0x8;
	v50 =	vld.idx.msk [tilespmem:v49+s6+$0x0], $0xffff  }
0x4c7: {  	v48 =	vadd.s32 v48, v3  }
.Ltmp13:
0x4c8: {  	v49 =	vbroadcast v48, $0x0;
	(pc) =	sbr.rel @p4 .LBB2_19-.Ltmp13, $3  }
0x4c9: {  	_ =	sdelay $0x1  }
0x4ca: {  	s1 =	sadd.s32 $0x20, s1  }
0x4cb: {  	v48 =	vmov s24;
	s24 =	sadd.s32 $0x1, s24;
	[tilespmem:s1+$0xFFFFFFF0] =	vst v50  }
.LBB2_20:
0x4cc: {  	_ =	sdelay $0x1  }
0x4cd: {  	v48 =	vadd.s32 $0x1, v48  }
0x4ce: {  	s6 =	simm.s32 @p3 $0x0;
	[tilespmem:s1+$0x0] =	vst @p2 v50;
	v48 =	vshll.u32 v48, $0x8  }
0x4cf: {  	v49 =	vld.idx.msk @p3 [tilespmem:v49+s6+$0x0], $0xffff;
	v48 =	vadd.s32 v48, v3  }
0x4d0: {  	v48 =	vbroadcast v48, $0x0;
	_ =	sdelay $0x1  }
0x4d1: {  	s1 =	sadd.s32 @p2 $0x20, s1;
	s24 =	simm.s32 $0x3410  }
0x4d2: {  	s24 =	smov.u32 @p2 s1  }
0x4d3: {  	[tilespmem:s24+$0xFFFFFFF0] =	vst @p3 v49;
	v49 =	vpsel p3, v49, v0  }
0x4d4: {  	s6 =	simm.s32 $0x0;
	[tilespmem:s24+$0x0] =	vst @p3 v49  }
0x4d5: {  	s1 =	sadd.s32 @p3 $0x20, s24;
	v49 =	vld.idx.msk [tilespmem:v48+s6+$0x0], $0xffff  }
0x4d6: {  	s23 =	smov.u32 @p3 s1;
	p3 =	por $0x1, $0x1  }
.Ltmp14:
0x4d7: {  	_ = 	snop;
	(pc) =	sbr.rel @!p3 .LBB2_26-.Ltmp14, $3  }
0x4d8: {  	_ =	sdelay $0x1  }
0x4d9: {  	p4 =	por $0x0, $0x0;
	p5 =	por $0x0, $0x0;
	p2 =	por $0x0, $0x0;
	v48 =	vmov s6;
	[tilespmem:s23+$0xFFFFFFF0] =	vst v49  }
0x4da: {  	s1 =	simm.s32 $0x1;
	s24 =	simm.s32 $0x3810;
	v51 =	vmov v48;
	[tilespmem:s23+$0x0] =	vst v49;
	s23 =	simm.s32 $0x3810  }
0x4db: {  	p5 =	por $0x1, $0x1  }
.Ltmp15:
0x4dc: {  	_ = 	snop;
	(pc) =	sbr.rel @!p5 .LBB2_22-.Ltmp15, $4  }
0x4dd: {  	v49 =	vadd.s32 $0x1, v48  }
0x4de: {  	v49 =	vshll.u32 v49, $0x8  }
0x4df: {  	v49 =	vadd.s32 v49, v4  }
0x4e0: {  	v51 =	vmov s1;
	s23 =	simm.s32 $0x2;
	p4 =	por $0x1, $0x1;
	v49 =	vbroadcast v49, $0x0  }
0x4e1: {  	_ =	sdelay $0x3  }
0x4e2: {  	v63 =	vadd.s32 $0x1, v51  }
0x4e3: {  	v50 =	vld.idx.msk [tilespmem:v49+s6+$0x0], $0xffff;
	v49 =	vshll.u32 v63, $0x8  }
0x4e4: {  	p6 =	por $0x1, $0x1;
	v49 =	vadd.s32 v49, v4  }
.Ltmp16:
0x4e5: {  	v49 =	vbroadcast v49, $0x0;
	(pc) =	sbr.rel @!p6 .LBB2_24-.Ltmp16, $2  }
0x4e6: {  	_ =	sdelay $0x2  }
0x4e7: {  	v51 =	vmov s23;
	s26 =	simm.s32 $0x3;
	p5 =	por $0x1, $0x1;
	s23 =	simm.s32 $0x3810;
	[tilespmem:s24+$0xFFFFFFF0] =	vst v50  }
.LBB2_25:
0x4e8: {  	p6 =	sne.s32 s26, $0x1F;
	v51 =	vadd.s32 $0x1, v51;
	[tilespmem:s23+$0x0] =	vst v50  }
0x4e9: {  	v51 =	vshll.u32 v51, $0x8;
	v50 =	vld.idx.msk [tilespmem:v49+s6+$0x0], $0xffff  }
0x4ea: {  	v49 =	vadd.s32 v51, v4  }
.Ltmp17:
0x4eb: {  	v49 =	vbroadcast v49, $0x0;
	(pc) =	sbr.rel @p6 .LBB2_25-.Ltmp17, $3  }
0x4ec: {  	_ =	sdelay $0x1  }
0x4ed: {  	s23 =	sadd.s32 $0x20, s23  }
0x4ee: {  	v51 =	vmov s26;
	s26 =	sadd.s32 $0x1, s26;
	[tilespmem:s23+$0xFFFFFFF0] =	vst v50  }
.LBB2_26:
0x4ef: {  	_ =	sdelay $0x1  }
0x4f0: {  	v51 =	vadd.s32 $0x1, v51  }
0x4f1: {  	[tilespmem:s23+$0x0] =	vst @p5 v50;
	v63 =	vshll.u32 v51, $0x8  }
0x4f2: {  	v49 =	vld.idx.msk @p4 [tilespmem:v49+s6+$0x0], $0xffff;
	v50 =	vadd.s32 v63, v4  }
0x4f3: {  	v50 =	vbroadcast v50, $0x0;
	_ =	sdelay $0x1  }
0x4f4: {  	s23 =	sadd.s32 @p5 $0x20, s23;
	s26 =	simm.s32 $0x3810  }
0x4f5: {  	s26 =	smov.u32 @p5 s23  }
0x4f6: {  	[tilespmem:s26+$0xFFFFFFF0] =	vst @p4 v49;
	v49 =	vpsel p4, v49, v0  }
0x4f7: {  	[tilespmem:s26+$0x0] =	vst @p4 v49  }
0x4f8: {  	v49 =	vld.idx.msk [tilespmem:v50+s6+$0x0], $0xffff;
	_ =	sdelay $0x1  }
.Ltmp18:
0x4f9: {  	_ = 	snop;
	(pc) =	sbr.rel @!p3 .LBB2_27-.Ltmp18, $4  }
0x4fa: {  	s6 =	sadd.s32 @p4 $0x20, s26  }
0x4fb: {  	s24 =	smov.u32 @p4 s6  }
0x4fc: {  	[tilespmem:s24+$0xFFFFFFF0] =	vst v49  }
0x4fd: {  	s23 =	simm.s32 $0x3C10;
	[tilespmem:s24+$0x0] =	vst v49  }
0x4fe: {  	p4 =	por $0x1, $0x1  }
.Ltmp19:
0x4ff: {  	_ = 	snop;
	(pc) =	sbr.rel @!p4 .LBB2_29-.Ltmp19, $4  }
0x500: {  	v48 =	vadd.s32 $0x1, v48  }
0x501: {  	v48 =	vshll.u32 v48, $0x8  }
0x502: {  	v48 =	vadd.s32 v48, v5  }
0x503: {  	p3 =	por $0x1, $0x1;
	v49 =	vbroadcast v48, $0x0;
	v48 =	vmov s1;
	s1 =	simm.s32 $0x2  }
0x504: {  	_ =	sdelay $0x2  }
0x505: {  	v48 =	vadd.s32 $0x1, v48  }
0x506: {  	s6 =	simm.s32 $0x0;
	v48 =	vshll.u32 v48, $0x8  }
0x507: {  	p4 =	por $0x1, $0x1;
	v50 =	vld.idx.msk [tilespmem:v49+s6+$0x0], $0xffff;
	v48 =	vadd.s32 v48, v5  }
.Ltmp20:
0x508: {  	v49 =	vbroadcast v48, $0x0;
	(pc) =	sbr.rel @!p4 .LBB2_31-.Ltmp20, $2  }
0x509: {  	_ =	sdelay $0x2  }
0x50a: {  	s24 =	simm.s32 $0x3;
	p2 =	por $0x1, $0x1;
	v48 =	vmov s1;
	s1 =	simm.s32 $0x3C10;
	[tilespmem:s23+$0xFFFFFFF0] =	vst v50  }
.LBB2_32:
0x50b: {  	p4 =	sne.s32 s24, $0x1F;
	v48 =	vadd.s32 $0x1, v48;
	[tilespmem:s1+$0x0] =	vst v50  }
0x50c: {  	v48 =	vshll.u32 v48, $0x8;
	v50 =	vld.idx.msk [tilespmem:v49+s6+$0x0], $0xffff  }
0x50d: {  	v48 =	vadd.s32 v48, v5  }
.Ltmp21:
0x50e: {  	v49 =	vbroadcast v48, $0x0;
	(pc) =	sbr.rel @p4 .LBB2_32-.Ltmp21, $3  }
0x50f: {  	_ =	sdelay $0x1  }
0x510: {  	s1 =	sadd.s32 $0x20, s1  }
0x511: {  	v48 =	vmov s24;
	s24 =	sadd.s32 $0x1, s24;
	[tilespmem:s1+$0xFFFFFFF0] =	vst v50  }
.LBB2_33:
0x512: {  	_ =	sdelay $0x1  }
0x513: {  	v48 =	vadd.s32 $0x1, v48  }
0x514: {  	s6 =	simm.s32 @p3 $0x0;
	[tilespmem:s1+$0x0] =	vst @p2 v50;
	v48 =	vshll.u32 v48, $0x8  }
0x515: {  	v49 =	vld.idx.msk @p3 [tilespmem:v49+s6+$0x0], $0xffff;
	v48 =	vadd.s32 v48, v5  }
0x516: {  	v48 =	vbroadcast v48, $0x0;
	_ =	sdelay $0x1  }
0x517: {  	s1 =	sadd.s32 @p2 $0x20, s1;
	s24 =	simm.s32 $0x3C10  }
0x518: {  	s24 =	smov.u32 @p2 s1  }
0x519: {  	[tilespmem:s24+$0xFFFFFFF0] =	vst @p3 v49;
	v49 =	vpsel p3, v49, v0  }
0x51a: {  	s6 =	simm.s32 $0x0;
	[tilespmem:s24+$0x0] =	vst @p3 v49  }
0x51b: {  	s1 =	sadd.s32 @p3 $0x20, s24;
	v49 =	vld.idx.msk [tilespmem:v48+s6+$0x0], $0xffff  }
0x51c: {  	s23 =	smov.u32 @p3 s1;
	p3 =	por $0x1, $0x1  }
.Ltmp22:
0x51d: {  	_ = 	snop;
	(pc) =	sbr.rel @!p3 .LBB2_39-.Ltmp22, $3  }
0x51e: {  	_ =	sdelay $0x1  }
0x51f: {  	p4 =	por $0x0, $0x0;
	p5 =	por $0x0, $0x0;
	p2 =	por $0x0, $0x0;
	v48 =	vmov s6;
	[tilespmem:s23+$0xFFFFFFF0] =	vst v49  }
0x520: {  	s1 =	simm.s32 $0x1;
	s24 =	simm.s32 $0x4010;
	v51 =	vmov v48;
	[tilespmem:s23+$0x0] =	vst v49;
	s23 =	simm.s32 $0x4010  }
0x521: {  	p5 =	por $0x1, $0x1  }
.Ltmp23:
0x522: {  	_ = 	snop;
	(pc) =	sbr.rel @!p5 .LBB2_35-.Ltmp23, $4  }
0x523: {  	v49 =	vadd.s32 $0x1, v48  }
0x524: {  	v49 =	vshll.u32 v49, $0x8  }
0x525: {  	v49 =	vadd.s32 v49, v6  }
0x526: {  	v51 =	vmov s1;
	s23 =	simm.s32 $0x2;
	p4 =	por $0x1, $0x1;
	v49 =	vbroadcast v49, $0x0  }
0x527: {  	_ =	sdelay $0x3  }
0x528: {  	v63 =	vadd.s32 $0x1, v51  }
0x529: {  	v50 =	vld.idx.msk [tilespmem:v49+s6+$0x0], $0xffff;
	v49 =	vshll.u32 v63, $0x8  }
0x52a: {  	p6 =	por $0x1, $0x1;
	v49 =	vadd.s32 v49, v6  }
.Ltmp24:
0x52b: {  	v49 =	vbroadcast v49, $0x0;
	(pc) =	sbr.rel @!p6 .LBB2_37-.Ltmp24, $2  }
0x52c: {  	_ =	sdelay $0x2  }
0x52d: {  	v51 =	vmov s23;
	s26 =	simm.s32 $0x3;
	p5 =	por $0x1, $0x1;
	s23 =	simm.s32 $0x4010;
	[tilespmem:s24+$0xFFFFFFF0] =	vst v50  }
.LBB2_38:
0x52e: {  	p6 =	sne.s32 s26, $0x1F;
	v51 =	vadd.s32 $0x1, v51;
	[tilespmem:s23+$0x0] =	vst v50  }
0x52f: {  	v51 =	vshll.u32 v51, $0x8;
	v50 =	vld.idx.msk [tilespmem:v49+s6+$0x0], $0xffff  }
0x530: {  	v49 =	vadd.s32 v51, v6  }
.Ltmp25:
0x531: {  	v49 =	vbroadcast v49, $0x0;
	(pc) =	sbr.rel @p6 .LBB2_38-.Ltmp25, $3  }
0x532: {  	_ =	sdelay $0x1  }
0x533: {  	s23 =	sadd.s32 $0x20, s23  }
0x534: {  	v51 =	vmov s26;
	s26 =	sadd.s32 $0x1, s26;
	[tilespmem:s23+$0xFFFFFFF0] =	vst v50  }
.LBB2_39:
0x535: {  	_ =	sdelay $0x1  }
0x536: {  	v51 =	vadd.s32 $0x1, v51  }
0x537: {  	[tilespmem:s23+$0x0] =	vst @p5 v50;
	v63 =	vshll.u32 v51, $0x8  }
0x538: {  	v49 =	vld.idx.msk @p4 [tilespmem:v49+s6+$0x0], $0xffff;
	v50 =	vadd.s32 v63, v6  }
0x539: {  	v50 =	vbroadcast v50, $0x0;
	_ =	sdelay $0x1  }
0x53a: {  	s23 =	sadd.s32 @p5 $0x20, s23;
	s26 =	simm.s32 $0x4010  }
0x53b: {  	s26 =	smov.u32 @p5 s23  }
0x53c: {  	[tilespmem:s26+$0xFFFFFFF0] =	vst @p4 v49;
	v49 =	vpsel p4, v49, v0  }
0x53d: {  	[tilespmem:s26+$0x0] =	vst @p4 v49  }
0x53e: {  	v49 =	vld.idx.msk [tilespmem:v50+s6+$0x0], $0xffff;
	_ =	sdelay $0x1  }
.Ltmp26:
0x53f: {  	_ = 	snop;
	(pc) =	sbr.rel @!p3 .LBB2_40-.Ltmp26, $4  }
0x540: {  	s6 =	sadd.s32 @p4 $0x20, s26  }
0x541: {  	s24 =	smov.u32 @p4 s6  }
0x542: {  	[tilespmem:s24+$0xFFFFFFF0] =	vst v49  }
0x543: {  	s23 =	simm.s32 $0x4410;
	[tilespmem:s24+$0x0] =	vst v49  }
0x544: {  	p4 =	por $0x1, $0x1  }
.Ltmp27:
0x545: {  	_ = 	snop;
	(pc) =	sbr.rel @!p4 .LBB2_42-.Ltmp27, $4  }
0x546: {  	v48 =	vadd.s32 $0x1, v48  }
0x547: {  	v48 =	vshll.u32 v48, $0x8  }
0x548: {  	v48 =	vadd.s32 v48, v7  }
0x549: {  	p3 =	por $0x1, $0x1;
	v49 =	vbroadcast v48, $0x0;
	v48 =	vmov s1;
	s1 =	simm.s32 $0x2  }
0x54a: {  	_ =	sdelay $0x2  }
0x54b: {  	v48 =	vadd.s32 $0x1, v48  }
0x54c: {  	s6 =	simm.s32 $0x0;
	v48 =	vshll.u32 v48, $0x8  }
0x54d: {  	p4 =	por $0x1, $0x1;
	v50 =	vld.idx.msk [tilespmem:v49+s6+$0x0], $0xffff;
	v48 =	vadd.s32 v48, v7  }
.Ltmp28:
0x54e: {  	v49 =	vbroadcast v48, $0x0;
	(pc) =	sbr.rel @!p4 .LBB2_44-.Ltmp28, $2  }
0x54f: {  	_ =	sdelay $0x2  }
0x550: {  	s24 =	simm.s32 $0x3;
	p2 =	por $0x1, $0x1;
	v48 =	vmov s1;
	s1 =	simm.s32 $0x4410;
	[tilespmem:s23+$0xFFFFFFF0] =	vst v50  }
.LBB2_45:
0x551: {  	p4 =	sne.s32 s24, $0x1F;
	v48 =	vadd.s32 $0x1, v48;
	[tilespmem:s1+$0x0] =	vst v50  }
0x552: {  	v48 =	vshll.u32 v48, $0x8;
	v50 =	vld.idx.msk [tilespmem:v49+s6+$0x0], $0xffff  }
0x553: {  	v48 =	vadd.s32 v48, v7  }
.Ltmp29:
0x554: {  	v49 =	vbroadcast v48, $0x0;
	(pc) =	sbr.rel @p4 .LBB2_45-.Ltmp29, $3  }
0x555: {  	_ =	sdelay $0x1  }
0x556: {  	s1 =	sadd.s32 $0x20, s1  }
0x557: {  	v48 =	vmov s24;
	s24 =	sadd.s32 $0x1, s24;
	[tilespmem:s1+$0xFFFFFFF0] =	vst v50  }
.LBB2_46:
0x558: {  	_ =	sdelay $0x1  }
0x559: {  	v48 =	vadd.s32 $0x1, v48  }
0x55a: {  	s6 =	simm.s32 @p3 $0x0;
	[tilespmem:s1+$0x0] =	vst @p2 v50;
	v48 =	vshll.u32 v48, $0x8  }
0x55b: {  	v49 =	vld.idx.msk @p3 [tilespmem:v49+s6+$0x0], $0xffff;
	v48 =	vadd.s32 v48, v7  }
0x55c: {  	v48 =	vbroadcast v48, $0x0;
	_ =	sdelay $0x1  }
0x55d: {  	s1 =	sadd.s32 @p2 $0x20, s1;
	s24 =	simm.s32 $0x4410  }
0x55e: {  	s24 =	smov.u32 @p2 s1  }
0x55f: {  	[tilespmem:s24+$0xFFFFFFF0] =	vst @p3 v49;
	v49 =	vpsel p3, v49, v0  }
0x560: {  	s6 =	simm.s32 $0x0;
	[tilespmem:s24+$0x0] =	vst @p3 v49  }
0x561: {  	s1 =	sadd.s32 @p3 $0x20, s24;
	v49 =	vld.idx.msk [tilespmem:v48+s6+$0x0], $0xffff  }
0x562: {  	s23 =	smov.u32 @p3 s1;
	p3 =	por $0x1, $0x1  }
.Ltmp30:
0x563: {  	_ = 	snop;
	(pc) =	sbr.rel @!p3 .LBB2_52-.Ltmp30, $3  }
0x564: {  	_ =	sdelay $0x1  }
0x565: {  	p4 =	por $0x0, $0x0;
	p5 =	por $0x0, $0x0;
	p2 =	por $0x0, $0x0;
	v48 =	vmov s6;
	[tilespmem:s23+$0xFFFFFFF0] =	vst v49  }
0x566: {  	s1 =	simm.s32 $0x1;
	s24 =	simm.s32 $0x4810;
	v51 =	vmov v48;
	[tilespmem:s23+$0x0] =	vst v49;
	s23 =	simm.s32 $0x4810  }
0x567: {  	p5 =	por $0x1, $0x1  }
.Ltmp31:
0x568: {  	_ = 	snop;
	(pc) =	sbr.rel @!p5 .LBB2_48-.Ltmp31, $4  }
0x569: {  	v49 =	vadd.s32 $0x1, v48  }
0x56a: {  	v49 =	vshll.u32 v49, $0x8  }
0x56b: {  	v49 =	vadd.s32 v8, v49  }
0x56c: {  	v51 =	vmov s1;
	s23 =	simm.s32 $0x2;
	p4 =	por $0x1, $0x1;
	v49 =	vbroadcast v49, $0x0  }
0x56d: {  	_ =	sdelay $0x3  }
0x56e: {  	v63 =	vadd.s32 $0x1, v51  }
0x56f: {  	v50 =	vld.idx.msk [tilespmem:v49+s6+$0x0], $0xffff;
	v49 =	vshll.u32 v63, $0x8  }
0x570: {  	p6 =	por $0x1, $0x1;
	v49 =	vadd.s32 v8, v49  }
.Ltmp32:
0x571: {  	v49 =	vbroadcast v49, $0x0;
	(pc) =	sbr.rel @!p6 .LBB2_50-.Ltmp32, $2  }
0x572: {  	_ =	sdelay $0x2  }
0x573: {  	v51 =	vmov s23;
	s26 =	simm.s32 $0x3;
	p5 =	por $0x1, $0x1;
	s23 =	simm.s32 $0x4810;
	[tilespmem:s24+$0xFFFFFFF0] =	vst v50  }
.LBB2_51:
0x574: {  	p6 =	sne.s32 s26, $0x1F;
	v51 =	vadd.s32 $0x1, v51;
	[tilespmem:s23+$0x0] =	vst v50  }
0x575: {  	v51 =	vshll.u32 v51, $0x8;
	v50 =	vld.idx.msk [tilespmem:v49+s6+$0x0], $0xffff  }
0x576: {  	v49 =	vadd.s32 v8, v51  }
.Ltmp33:
0x577: {  	v49 =	vbroadcast v49, $0x0;
	(pc) =	sbr.rel @p6 .LBB2_51-.Ltmp33, $3  }
0x578: {  	_ =	sdelay $0x1  }
0x579: {  	s23 =	sadd.s32 $0x20, s23  }
0x57a: {  	v51 =	vmov s26;
	s26 =	sadd.s32 $0x1, s26;
	[tilespmem:s23+$0xFFFFFFF0] =	vst v50  }
.LBB2_52:
0x57b: {  	_ =	sdelay $0x1  }
0x57c: {  	v51 =	vadd.s32 $0x1, v51  }
0x57d: {  	[tilespmem:s23+$0x0] =	vst @p5 v50;
	v63 =	vshll.u32 v51, $0x8  }
0x57e: {  	v49 =	vld.idx.msk @p4 [tilespmem:v49+s6+$0x0], $0xffff;
	v50 =	vadd.s32 v8, v63  }
0x57f: {  	v50 =	vbroadcast v50, $0x0;
	_ =	sdelay $0x1  }
0x580: {  	s23 =	sadd.s32 @p5 $0x20, s23;
	s26 =	simm.s32 $0x4810  }
0x581: {  	s26 =	smov.u32 @p5 s23  }
0x582: {  	[tilespmem:s26+$0xFFFFFFF0] =	vst @p4 v49;
	v49 =	vpsel p4, v49, v0  }
0x583: {  	[tilespmem:s26+$0x0] =	vst @p4 v49  }
0x584: {  	v49 =	vld.idx.msk [tilespmem:v50+s6+$0x0], $0xffff;
	_ =	sdelay $0x1  }
.Ltmp34:
0x585: {  	_ = 	snop;
	(pc) =	sbr.rel @!p3 .LBB2_53-.Ltmp34, $4  }
0x586: {  	s6 =	sadd.s32 @p4 $0x20, s26  }
0x587: {  	s24 =	smov.u32 @p4 s6  }
0x588: {  	[tilespmem:s24+$0xFFFFFFF0] =	vst v49  }
0x589: {  	s23 =	simm.s32 $0x4C10;
	[tilespmem:s24+$0x0] =	vst v49  }
0x58a: {  	p4 =	por $0x1, $0x1  }
.Ltmp35:
0x58b: {  	_ = 	snop;
	(pc) =	sbr.rel @!p4 .LBB2_55-.Ltmp35, $4  }
0x58c: {  	v48 =	vadd.s32 $0x1, v48  }
0x58d: {  	v48 =	vshll.u32 v48, $0x8  }
0x58e: {  	v48 =	vadd.s32 v48, v9  }
0x58f: {  	p3 =	por $0x1, $0x1;
	v49 =	vbroadcast v48, $0x0;
	v48 =	vmov s1;
	s1 =	simm.s32 $0x2  }
0x590: {  	_ =	sdelay $0x2  }
0x591: {  	v48 =	vadd.s32 $0x1, v48  }
0x592: {  	s6 =	simm.s32 $0x0;
	v48 =	vshll.u32 v48, $0x8  }
0x593: {  	p4 =	por $0x1, $0x1;
	v50 =	vld.idx.msk [tilespmem:v49+s6+$0x0], $0xffff;
	v48 =	vadd.s32 v48, v9  }
.Ltmp36:
0x594: {  	v49 =	vbroadcast v48, $0x0;
	(pc) =	sbr.rel @!p4 .LBB2_57-.Ltmp36, $2  }
0x595: {  	_ =	sdelay $0x2  }
0x596: {  	s24 =	simm.s32 $0x3;
	p2 =	por $0x1, $0x1;
	v48 =	vmov s1;
	s1 =	simm.s32 $0x4C10;
	[tilespmem:s23+$0xFFFFFFF0] =	vst v50  }
.LBB2_58:
0x597: {  	p4 =	sne.s32 s24, $0x1F;
	v48 =	vadd.s32 $0x1, v48;
	[tilespmem:s1+$0x0] =	vst v50  }
0x598: {  	v48 =	vshll.u32 v48, $0x8;
	v50 =	vld.idx.msk [tilespmem:v49+s6+$0x0], $0xffff  }
0x599: {  	v48 =	vadd.s32 v48, v9  }
.Ltmp37:
0x59a: {  	v49 =	vbroadcast v48, $0x0;
	(pc) =	sbr.rel @p4 .LBB2_58-.Ltmp37, $3  }
0x59b: {  	_ =	sdelay $0x1  }
0x59c: {  	s1 =	sadd.s32 $0x20, s1  }
0x59d: {  	v48 =	vmov s24;
	s24 =	sadd.s32 $0x1, s24;
	[tilespmem:s1+$0xFFFFFFF0] =	vst v50  }
.LBB2_59:
0x59e: {  	_ =	sdelay $0x1  }
0x59f: {  	v48 =	vadd.s32 $0x1, v48  }
0x5a0: {  	s6 =	simm.s32 @p3 $0x0;
	[tilespmem:s1+$0x0] =	vst @p2 v50;
	v48 =	vshll.u32 v48, $0x8  }
0x5a1: {  	v49 =	vld.idx.msk @p3 [tilespmem:v49+s6+$0x0], $0xffff;
	v48 =	vadd.s32 v48, v9  }
0x5a2: {  	v48 =	vbroadcast v48, $0x0;
	_ =	sdelay $0x1  }
0x5a3: {  	s1 =	sadd.s32 @p2 $0x20, s1;
	s24 =	simm.s32 $0x4C10  }
0x5a4: {  	s24 =	smov.u32 @p2 s1  }
0x5a5: {  	[tilespmem:s24+$0xFFFFFFF0] =	vst @p3 v49;
	v49 =	vpsel p3, v49, v0  }
0x5a6: {  	s6 =	simm.s32 $0x0;
	[tilespmem:s24+$0x0] =	vst @p3 v49  }
0x5a7: {  	s1 =	sadd.s32 @p3 $0x20, s24;
	v49 =	vld.idx.msk [tilespmem:v48+s6+$0x0], $0xffff  }
0x5a8: {  	s23 =	smov.u32 @p3 s1;
	p3 =	por $0x1, $0x1  }
.Ltmp38:
0x5a9: {  	_ = 	snop;
	(pc) =	sbr.rel @!p3 .LBB2_65-.Ltmp38, $3  }
0x5aa: {  	_ =	sdelay $0x1  }
0x5ab: {  	p4 =	por $0x0, $0x0;
	p5 =	por $0x0, $0x0;
	p2 =	por $0x0, $0x0;
	v48 =	vmov s6;
	[tilespmem:s23+$0xFFFFFFF0] =	vst v49  }
0x5ac: {  	s1 =	simm.s32 $0x1;
	s24 =	simm.s32 $0x5010;
	v51 =	vmov v48;
	[tilespmem:s23+$0x0] =	vst v49;
	s23 =	simm.s32 $0x5010  }
0x5ad: {  	p5 =	por $0x1, $0x1  }
.Ltmp39:
0x5ae: {  	_ = 	snop;
	(pc) =	sbr.rel @!p5 .LBB2_61-.Ltmp39, $4  }
0x5af: {  	v49 =	vadd.s32 $0x1, v48  }
0x5b0: {  	v49 =	vshll.u32 v49, $0x8  }
0x5b1: {  	v49 =	vadd.s32 v49, v10  }
0x5b2: {  	v51 =	vmov s1;
	s23 =	simm.s32 $0x2;
	p4 =	por $0x1, $0x1;
	v49 =	vbroadcast v49, $0x0  }
0x5b3: {  	_ =	sdelay $0x3  }
0x5b4: {  	v63 =	vadd.s32 $0x1, v51  }
0x5b5: {  	v50 =	vld.idx.msk [tilespmem:v49+s6+$0x0], $0xffff;
	v49 =	vshll.u32 v63, $0x8  }
0x5b6: {  	p6 =	por $0x1, $0x1;
	v49 =	vadd.s32 v49, v10  }
.Ltmp40:
0x5b7: {  	v49 =	vbroadcast v49, $0x0;
	(pc) =	sbr.rel @!p6 .LBB2_63-.Ltmp40, $2  }
0x5b8: {  	_ =	sdelay $0x2  }
0x5b9: {  	v51 =	vmov s23;
	s26 =	simm.s32 $0x3;
	p5 =	por $0x1, $0x1;
	s23 =	simm.s32 $0x5010;
	[tilespmem:s24+$0xFFFFFFF0] =	vst v50  }
.LBB2_64:
0x5ba: {  	p6 =	sne.s32 s26, $0x1F;
	v51 =	vadd.s32 $0x1, v51;
	[tilespmem:s23+$0x0] =	vst v50  }
0x5bb: {  	v51 =	vshll.u32 v51, $0x8;
	v50 =	vld.idx.msk [tilespmem:v49+s6+$0x0], $0xffff  }
0x5bc: {  	v49 =	vadd.s32 v51, v10  }
.Ltmp41:
0x5bd: {  	v49 =	vbroadcast v49, $0x0;
	(pc) =	sbr.rel @p6 .LBB2_64-.Ltmp41, $3  }
0x5be: {  	_ =	sdelay $0x1  }
0x5bf: {  	s23 =	sadd.s32 $0x20, s23  }
0x5c0: {  	v51 =	vmov s26;
	s26 =	sadd.s32 $0x1, s26;
	[tilespmem:s23+$0xFFFFFFF0] =	vst v50  }
.LBB2_65:
0x5c1: {  	_ =	sdelay $0x1  }
0x5c2: {  	v51 =	vadd.s32 $0x1, v51  }
0x5c3: {  	[tilespmem:s23+$0x0] =	vst @p5 v50;
	v63 =	vshll.u32 v51, $0x8  }
0x5c4: {  	v49 =	vld.idx.msk @p4 [tilespmem:v49+s6+$0x0], $0xffff;
	v50 =	vadd.s32 v63, v10  }
0x5c5: {  	v50 =	vbroadcast v50, $0x0;
	_ =	sdelay $0x1  }
0x5c6: {  	s23 =	sadd.s32 @p5 $0x20, s23;
	s26 =	simm.s32 $0x5010  }
0x5c7: {  	s26 =	smov.u32 @p5 s23  }
0x5c8: {  	[tilespmem:s26+$0xFFFFFFF0] =	vst @p4 v49;
	v49 =	vpsel p4, v49, v0  }
0x5c9: {  	[tilespmem:s26+$0x0] =	vst @p4 v49  }
0x5ca: {  	v49 =	vld.idx.msk [tilespmem:v50+s6+$0x0], $0xffff;
	_ =	sdelay $0x1  }
.Ltmp42:
0x5cb: {  	_ = 	snop;
	(pc) =	sbr.rel @!p3 .LBB2_66-.Ltmp42, $4  }
0x5cc: {  	s6 =	sadd.s32 @p4 $0x20, s26  }
0x5cd: {  	s24 =	smov.u32 @p4 s6  }
0x5ce: {  	[tilespmem:s24+$0xFFFFFFF0] =	vst v49  }
0x5cf: {  	s23 =	simm.s32 $0x5410;
	[tilespmem:s24+$0x0] =	vst v49  }
0x5d0: {  	p4 =	por $0x1, $0x1  }
.Ltmp43:
0x5d1: {  	_ = 	snop;
	(pc) =	sbr.rel @!p4 .LBB2_68-.Ltmp43, $4  }
0x5d2: {  	v48 =	vadd.s32 $0x1, v48  }
0x5d3: {  	v48 =	vshll.u32 v48, $0x8  }
0x5d4: {  	v48 =	vadd.s32 v48, v11  }
0x5d5: {  	p3 =	por $0x1, $0x1;
	v49 =	vbroadcast v48, $0x0;
	v48 =	vmov s1;
	s1 =	simm.s32 $0x2  }
0x5d6: {  	_ =	sdelay $0x2  }
0x5d7: {  	v48 =	vadd.s32 $0x1, v48  }
0x5d8: {  	s6 =	simm.s32 $0x0;
	v48 =	vshll.u32 v48, $0x8  }
0x5d9: {  	p4 =	por $0x1, $0x1;
	v50 =	vld.idx.msk [tilespmem:v49+s6+$0x0], $0xffff;
	v48 =	vadd.s32 v48, v11  }
.Ltmp44:
0x5da: {  	v49 =	vbroadcast v48, $0x0;
	(pc) =	sbr.rel @!p4 .LBB2_70-.Ltmp44, $2  }
0x5db: {  	_ =	sdelay $0x2  }
0x5dc: {  	s24 =	simm.s32 $0x3;
	p2 =	por $0x1, $0x1;
	v48 =	vmov s1;
	s1 =	simm.s32 $0x5410;
	[tilespmem:s23+$0xFFFFFFF0] =	vst v50  }
.LBB2_71:
0x5dd: {  	p4 =	sne.s32 s24, $0x1F;
	v48 =	vadd.s32 $0x1, v48;
	[tilespmem:s1+$0x0] =	vst v50  }
0x5de: {  	v48 =	vshll.u32 v48, $0x8;
	v50 =	vld.idx.msk [tilespmem:v49+s6+$0x0], $0xffff  }
0x5df: {  	v48 =	vadd.s32 v48, v11  }
.Ltmp45:
0x5e0: {  	v49 =	vbroadcast v48, $0x0;
	(pc) =	sbr.rel @p4 .LBB2_71-.Ltmp45, $3  }
0x5e1: {  	_ =	sdelay $0x1  }
0x5e2: {  	s1 =	sadd.s32 $0x20, s1  }
0x5e3: {  	v48 =	vmov s24;
	s24 =	sadd.s32 $0x1, s24;
	[tilespmem:s1+$0xFFFFFFF0] =	vst v50  }
.LBB2_72:
0x5e4: {  	_ =	sdelay $0x1  }
0x5e5: {  	v48 =	vadd.s32 $0x1, v48  }
0x5e6: {  	s6 =	simm.s32 @p3 $0x0;
	[tilespmem:s1+$0x0] =	vst @p2 v50;
	v48 =	vshll.u32 v48, $0x8  }
0x5e7: {  	v49 =	vld.idx.msk @p3 [tilespmem:v49+s6+$0x0], $0xffff;
	v48 =	vadd.s32 v48, v11  }
0x5e8: {  	v48 =	vbroadcast v48, $0x0;
	_ =	sdelay $0x1  }
0x5e9: {  	s1 =	sadd.s32 @p2 $0x20, s1;
	s24 =	simm.s32 $0x5410  }
0x5ea: {  	s24 =	smov.u32 @p2 s1  }
0x5eb: {  	[tilespmem:s24+$0xFFFFFFF0] =	vst @p3 v49;
	v49 =	vpsel p3, v49, v0  }
0x5ec: {  	s6 =	simm.s32 $0x0;
	[tilespmem:s24+$0x0] =	vst @p3 v49  }
0x5ed: {  	s1 =	sadd.s32 @p3 $0x20, s24;
	v49 =	vld.idx.msk [tilespmem:v48+s6+$0x0], $0xffff  }
0x5ee: {  	s23 =	smov.u32 @p3 s1;
	p3 =	por $0x1, $0x1  }
.Ltmp46:
0x5ef: {  	_ = 	snop;
	(pc) =	sbr.rel @!p3 .LBB2_78-.Ltmp46, $3  }
0x5f0: {  	_ =	sdelay $0x1  }
0x5f1: {  	p4 =	por $0x0, $0x0;
	p5 =	por $0x0, $0x0;
	p2 =	por $0x0, $0x0;
	v48 =	vmov s6;
	[tilespmem:s23+$0xFFFFFFF0] =	vst v49  }
0x5f2: {  	s1 =	simm.s32 $0x1;
	s24 =	simm.s32 $0x5810;
	v51 =	vmov v48;
	[tilespmem:s23+$0x0] =	vst v49;
	s23 =	simm.s32 $0x5810  }
0x5f3: {  	p5 =	por $0x1, $0x1  }
.Ltmp47:
0x5f4: {  	_ = 	snop;
	(pc) =	sbr.rel @!p5 .LBB2_74-.Ltmp47, $4  }
0x5f5: {  	v49 =	vadd.s32 $0x1, v48  }
0x5f6: {  	v49 =	vshll.u32 v49, $0x8  }
0x5f7: {  	v49 =	vadd.s32 v49, v12  }
0x5f8: {  	v51 =	vmov s1;
	s23 =	simm.s32 $0x2;
	p4 =	por $0x1, $0x1;
	v49 =	vbroadcast v49, $0x0  }
0x5f9: {  	_ =	sdelay $0x3  }
0x5fa: {  	v63 =	vadd.s32 $0x1, v51  }
0x5fb: {  	v50 =	vld.idx.msk [tilespmem:v49+s6+$0x0], $0xffff;
	v49 =	vshll.u32 v63, $0x8  }
0x5fc: {  	p6 =	por $0x1, $0x1;
	v49 =	vadd.s32 v49, v12  }
.Ltmp48:
0x5fd: {  	v49 =	vbroadcast v49, $0x0;
	(pc) =	sbr.rel @!p6 .LBB2_76-.Ltmp48, $2  }
0x5fe: {  	_ =	sdelay $0x2  }
0x5ff: {  	v51 =	vmov s23;
	s26 =	simm.s32 $0x3;
	p5 =	por $0x1, $0x1;
	s23 =	simm.s32 $0x5810;
	[tilespmem:s24+$0xFFFFFFF0] =	vst v50  }
.LBB2_77:
0x600: {  	p6 =	sne.s32 s26, $0x1F;
	v51 =	vadd.s32 $0x1, v51;
	[tilespmem:s23+$0x0] =	vst v50  }
0x601: {  	v51 =	vshll.u32 v51, $0x8;
	v50 =	vld.idx.msk [tilespmem:v49+s6+$0x0], $0xffff  }
0x602: {  	v49 =	vadd.s32 v51, v12  }
.Ltmp49:
0x603: {  	v49 =	vbroadcast v49, $0x0;
	(pc) =	sbr.rel @p6 .LBB2_77-.Ltmp49, $3  }
0x604: {  	_ =	sdelay $0x1  }
0x605: {  	s23 =	sadd.s32 $0x20, s23  }
0x606: {  	v51 =	vmov s26;
	s26 =	sadd.s32 $0x1, s26;
	[tilespmem:s23+$0xFFFFFFF0] =	vst v50  }
.LBB2_78:
0x607: {  	_ =	sdelay $0x1  }
0x608: {  	v51 =	vadd.s32 $0x1, v51  }
0x609: {  	[tilespmem:s23+$0x0] =	vst @p5 v50;
	v63 =	vshll.u32 v51, $0x8  }
0x60a: {  	v49 =	vld.idx.msk @p4 [tilespmem:v49+s6+$0x0], $0xffff;
	v50 =	vadd.s32 v63, v12  }
0x60b: {  	v50 =	vbroadcast v50, $0x0;
	_ =	sdelay $0x1  }
0x60c: {  	s23 =	sadd.s32 @p5 $0x20, s23;
	s26 =	simm.s32 $0x5810  }
0x60d: {  	s26 =	smov.u32 @p5 s23  }
0x60e: {  	[tilespmem:s26+$0xFFFFFFF0] =	vst @p4 v49;
	v49 =	vpsel p4, v49, v0  }
0x60f: {  	[tilespmem:s26+$0x0] =	vst @p4 v49  }
0x610: {  	v49 =	vld.idx.msk [tilespmem:v50+s6+$0x0], $0xffff;
	_ =	sdelay $0x1  }
.Ltmp50:
0x611: {  	_ = 	snop;
	(pc) =	sbr.rel @!p3 .LBB2_79-.Ltmp50, $4  }
0x612: {  	s6 =	sadd.s32 @p4 $0x20, s26  }
0x613: {  	s24 =	smov.u32 @p4 s6  }
0x614: {  	[tilespmem:s24+$0xFFFFFFF0] =	vst v49  }
0x615: {  	s23 =	simm.s32 $0x5C10;
	[tilespmem:s24+$0x0] =	vst v49  }
0x616: {  	p4 =	por $0x1, $0x1  }
.Ltmp51:
0x617: {  	_ = 	snop;
	(pc) =	sbr.rel @!p4 .LBB2_81-.Ltmp51, $4  }
0x618: {  	v48 =	vadd.s32 $0x1, v48  }
0x619: {  	v48 =	vshll.u32 v48, $0x8  }
0x61a: {  	v48 =	vadd.s32 v48, v13  }
0x61b: {  	p3 =	por $0x1, $0x1;
	v49 =	vbroadcast v48, $0x0;
	v48 =	vmov s1;
	s1 =	simm.s32 $0x2  }
0x61c: {  	_ =	sdelay $0x2  }
0x61d: {  	v48 =	vadd.s32 $0x1, v48  }
0x61e: {  	s6 =	simm.s32 $0x0;
	v48 =	vshll.u32 v48, $0x8  }
0x61f: {  	p4 =	por $0x1, $0x1;
	v50 =	vld.idx.msk [tilespmem:v49+s6+$0x0], $0xffff;
	v48 =	vadd.s32 v48, v13  }
.Ltmp52:
0x620: {  	v49 =	vbroadcast v48, $0x0;
	(pc) =	sbr.rel @!p4 .LBB2_83-.Ltmp52, $2  }
0x621: {  	_ =	sdelay $0x2  }
0x622: {  	s24 =	simm.s32 $0x3;
	p2 =	por $0x1, $0x1;
	v48 =	vmov s1;
	s1 =	simm.s32 $0x5C10;
	[tilespmem:s23+$0xFFFFFFF0] =	vst v50  }
.LBB2_84:
0x623: {  	p4 =	sne.s32 s24, $0x1F;
	v48 =	vadd.s32 $0x1, v48;
	[tilespmem:s1+$0x0] =	vst v50  }
0x624: {  	v48 =	vshll.u32 v48, $0x8;
	v50 =	vld.idx.msk [tilespmem:v49+s6+$0x0], $0xffff  }
0x625: {  	v48 =	vadd.s32 v48, v13  }
.Ltmp53:
0x626: {  	v49 =	vbroadcast v48, $0x0;
	(pc) =	sbr.rel @p4 .LBB2_84-.Ltmp53, $3  }
0x627: {  	_ =	sdelay $0x1  }
0x628: {  	s1 =	sadd.s32 $0x20, s1  }
0x629: {  	v48 =	vmov s24;
	s24 =	sadd.s32 $0x1, s24;
	[tilespmem:s1+$0xFFFFFFF0] =	vst v50  }
.LBB2_85:
0x62a: {  	_ =	sdelay $0x1  }
0x62b: {  	v48 =	vadd.s32 $0x1, v48  }
0x62c: {  	s6 =	simm.s32 @p3 $0x0;
	[tilespmem:s1+$0x0] =	vst @p2 v50;
	v48 =	vshll.u32 v48, $0x8  }
0x62d: {  	v49 =	vld.idx.msk @p3 [tilespmem:v49+s6+$0x0], $0xffff;
	v48 =	vadd.s32 v48, v13  }
0x62e: {  	v48 =	vbroadcast v48, $0x0;
	_ =	sdelay $0x1  }
0x62f: {  	s1 =	sadd.s32 @p2 $0x20, s1;
	s24 =	simm.s32 $0x5C10  }
0x630: {  	s24 =	smov.u32 @p2 s1  }
0x631: {  	[tilespmem:s24+$0xFFFFFFF0] =	vst @p3 v49;
	v49 =	vpsel p3, v49, v0  }
0x632: {  	s6 =	simm.s32 $0x0;
	[tilespmem:s24+$0x0] =	vst @p3 v49  }
0x633: {  	s1 =	sadd.s32 @p3 $0x20, s24;
	v49 =	vld.idx.msk [tilespmem:v48+s6+$0x0], $0xffff  }
0x634: {  	s23 =	smov.u32 @p3 s1;
	p3 =	por $0x1, $0x1  }
.Ltmp54:
0x635: {  	_ = 	snop;
	(pc) =	sbr.rel @!p3 .LBB2_91-.Ltmp54, $3  }
0x636: {  	_ =	sdelay $0x1  }
0x637: {  	p4 =	por $0x0, $0x0;
	p5 =	por $0x0, $0x0;
	p2 =	por $0x0, $0x0;
	v48 =	vmov s6;
	[tilespmem:s23+$0xFFFFFFF0] =	vst v49  }
0x638: {  	s1 =	simm.s32 $0x1;
	s24 =	simm.s32 $0x6010;
	v51 =	vmov v48;
	[tilespmem:s23+$0x0] =	vst v49;
	s23 =	simm.s32 $0x6010  }
0x639: {  	p5 =	por $0x1, $0x1  }
.Ltmp55:
0x63a: {  	_ = 	snop;
	(pc) =	sbr.rel @!p5 .LBB2_87-.Ltmp55, $4  }
0x63b: {  	v49 =	vadd.s32 $0x1, v48  }
0x63c: {  	v49 =	vshll.u32 v49, $0x8  }
0x63d: {  	v49 =	vadd.s32 v49, v14  }
0x63e: {  	v51 =	vmov s1;
	s23 =	simm.s32 $0x2;
	p4 =	por $0x1, $0x1;
	v49 =	vbroadcast v49, $0x0  }
0x63f: {  	_ =	sdelay $0x3  }
0x640: {  	v63 =	vadd.s32 $0x1, v51  }
0x641: {  	v50 =	vld.idx.msk [tilespmem:v49+s6+$0x0], $0xffff;
	v49 =	vshll.u32 v63, $0x8  }
0x642: {  	p6 =	por $0x1, $0x1;
	v49 =	vadd.s32 v49, v14  }
.Ltmp56:
0x643: {  	v49 =	vbroadcast v49, $0x0;
	(pc) =	sbr.rel @!p6 .LBB2_89-.Ltmp56, $2  }
0x644: {  	_ =	sdelay $0x2  }
0x645: {  	v51 =	vmov s23;
	s26 =	simm.s32 $0x3;
	p5 =	por $0x1, $0x1;
	s23 =	simm.s32 $0x6010;
	[tilespmem:s24+$0xFFFFFFF0] =	vst v50  }
.LBB2_90:
0x646: {  	p6 =	sne.s32 s26, $0x1F;
	v51 =	vadd.s32 $0x1, v51;
	[tilespmem:s23+$0x0] =	vst v50  }
0x647: {  	v51 =	vshll.u32 v51, $0x8;
	v50 =	vld.idx.msk [tilespmem:v49+s6+$0x0], $0xffff  }
0x648: {  	v49 =	vadd.s32 v51, v14  }
.Ltmp57:
0x649: {  	v49 =	vbroadcast v49, $0x0;
	(pc) =	sbr.rel @p6 .LBB2_90-.Ltmp57, $3  }
0x64a: {  	_ =	sdelay $0x1  }
0x64b: {  	s23 =	sadd.s32 $0x20, s23  }
0x64c: {  	v51 =	vmov s26;
	s26 =	sadd.s32 $0x1, s26;
	[tilespmem:s23+$0xFFFFFFF0] =	vst v50  }
.LBB2_91:
0x64d: {  	_ =	sdelay $0x1  }
0x64e: {  	v51 =	vadd.s32 $0x1, v51  }
0x64f: {  	[tilespmem:s23+$0x0] =	vst @p5 v50;
	v63 =	vshll.u32 v51, $0x8  }
0x650: {  	v49 =	vld.idx.msk @p4 [tilespmem:v49+s6+$0x0], $0xffff;
	v50 =	vadd.s32 v63, v14  }
0x651: {  	v50 =	vbroadcast v50, $0x0;
	_ =	sdelay $0x1  }
0x652: {  	s23 =	sadd.s32 @p5 $0x20, s23;
	s26 =	simm.s32 $0x6010  }
0x653: {  	s26 =	smov.u32 @p5 s23  }
0x654: {  	[tilespmem:s26+$0xFFFFFFF0] =	vst @p4 v49;
	v49 =	vpsel p4, v49, v0  }
0x655: {  	[tilespmem:s26+$0x0] =	vst @p4 v49  }
0x656: {  	v49 =	vld.idx.msk [tilespmem:v50+s6+$0x0], $0xffff;
	_ =	sdelay $0x1  }
.Ltmp58:
0x657: {  	_ = 	snop;
	(pc) =	sbr.rel @!p3 .LBB2_92-.Ltmp58, $4  }
0x658: {  	s6 =	sadd.s32 @p4 $0x20, s26  }
0x659: {  	s24 =	smov.u32 @p4 s6  }
0x65a: {  	[tilespmem:s24+$0xFFFFFFF0] =	vst v49  }
0x65b: {  	s6 =	simm.s32 $0x6410;
	[tilespmem:s24+$0x0] =	vst v49  }
0x65c: {  	p4 =	por $0x1, $0x1  }
.Ltmp59:
0x65d: {  	_ = 	snop;
	(pc) =	sbr.rel @!p4 .LBB2_94-.Ltmp59, $4  }
0x65e: {  	v48 =	vadd.s32 $0x1, v48  }
0x65f: {  	v48 =	vshll.u32 v48, $0x8  }
0x660: {  	v48 =	vadd.s32 v48, v15  }
0x661: {  	p3 =	por $0x1, $0x1;
	v49 =	vbroadcast v48, $0x0;
	v48 =	vmov s1;
	s1 =	simm.s32 $0x2  }
0x662: {  	_ =	sdelay $0x2  }
0x663: {  	v48 =	vadd.s32 $0x1, v48  }
0x664: {  	v48 =	vshll.u32 v48, $0x8  }
0x665: {  	p4 =	por $0x1, $0x1;
	v50 =	vld.idx.msk [tilespmem:v49+s4+$0x0], $0xffff;
	v48 =	vadd.s32 v48, v15  }
.Ltmp60:
0x666: {  	v49 =	vbroadcast v48, $0x0;
	(pc) =	sbr.rel @!p4 .LBB2_96-.Ltmp60, $2  }
0x667: {  	_ =	sdelay $0x2  }
0x668: {  	s23 =	simm.s32 $0x3;
	p2 =	por $0x1, $0x1;
	v48 =	vmov s1;
	s1 =	simm.s32 $0x6410;
	[tilespmem:s6+$0xFFFFFFF0] =	vst v50  }
.LBB2_97:
0x669: {  	p4 =	sne.s32 s23, $0x1F;
	v48 =	vadd.s32 $0x1, v48;
	[tilespmem:s1+$0x0] =	vst v50  }
0x66a: {  	v48 =	vshll.u32 v48, $0x8;
	v50 =	vld.idx.msk [tilespmem:v49+s4+$0x0], $0xffff  }
0x66b: {  	v48 =	vadd.s32 v48, v15  }
.Ltmp61:
0x66c: {  	v49 =	vbroadcast v48, $0x0;
	(pc) =	sbr.rel @p4 .LBB2_97-.Ltmp61, $3  }
0x66d: {  	_ =	sdelay $0x1  }
0x66e: {  	s1 =	sadd.s32 $0x20, s1  }
0x66f: {  	v48 =	vmov s23;
	s23 =	sadd.s32 $0x1, s23;
	[tilespmem:s1+$0xFFFFFFF0] =	vst v50  }
.LBB2_98:
0x670: {  	_ =	sdelay $0x1  }
0x671: {  	v48 =	vadd.s32 $0x1, v48  }
0x672: {  	[tilespmem:s1+$0x0] =	vst @p2 v50;
	v48 =	vshll.u32 v48, $0x8  }
0x673: {  	v49 =	vld.idx.msk @p3 [tilespmem:v49+s4+$0x0], $0xffff;
	v48 =	vadd.s32 v48, v15  }
0x674: {  	v48 =	vbroadcast v48, $0x0;
	_ =	sdelay $0x1  }
0x675: {  	s1 =	sadd.s32 @p2 $0x20, s1;
	s23 =	simm.s32 $0x6410  }
0x676: {  	s23 =	smov.u32 @p2 s1  }
0x677: {  	[tilespmem:s23+$0xFFFFFFF0] =	vst @p3 v49;
	v49 =	vpsel p3, v49, v0  }
0x678: {  	[tilespmem:s23+$0x0] =	vst @p3 v49  }
0x679: {  	v48 =	vld.idx.msk [tilespmem:v48+s4+$0x0], $0xffff;
	_ =	sdelay $0x2  }
0x67a: {  	s1 =	sadd.s32 @p3 $0x20, s23  }
0x67b: {  	s6 =	smov.u32 @p3 s1  }
0x67c: {  	[tilespmem:s6+$0xFFFFFFF0] =	vst v48  }
0x67d: {  	[tilespmem:s6+$0x0] =	vst v48  }
.LBB2_99:
0x67e: {  	[hbm4b:s7+s4] =	stream.linear.scatter [tilespmem:s30], [sflag:$0x1], $0x4000, $0x38;
	[tilespmem:$0x7200] =	vst v63  }
0x67f: {  	_ = 	snop  }
0x680: {  	[hbm4b:s8+s4] =	stream.linear.scatter [tilespmem:s30], [sflag:$0x1], $0x4000, $0x38;
	[tilespmem:$0x7200] =	vst v63  }
0x681: {  	_ = 	snop  }
0x682: {  	[hbm4b:s9+s4] =	stream.linear.scatter [tilespmem:s30], [sflag:$0x1], $0x4000, $0x38;
	[tilespmem:$0x7200] =	vst v63  }
0x683: {  	_ = 	snop  }
0x684: {  	[hbm4b:s10+s4] =	stream.linear.scatter [tilespmem:s30], [sflag:$0x1], $0x4000, $0x38;
	[tilespmem:$0x7200] =	vst v63  }
0x685: {  	_ = 	snop  }
0x686: {  	[hbm4b:s11+s4] =	stream.linear.scatter [tilespmem:s30], [sflag:$0x1], $0x4000, $0x38;
	[tilespmem:$0x7200] =	vst v63  }
0x687: {  	_ = 	snop  }
0x688: {  	[hbm4b:s12+s4] =	stream.linear.scatter [tilespmem:s30], [sflag:$0x1], $0x4000, $0x38;
	[tilespmem:$0x7200] =	vst v63  }
0x689: {  	_ = 	snop  }
0x68a: {  	[hbm4b:s13+s4] =	stream.linear.scatter [tilespmem:s30], [sflag:$0x1], $0x4000, $0x38;
	[tilespmem:$0x7200] =	vst v63  }
0x68b: {  	_ = 	snop  }
0x68c: {  	[hbm4b:s14+s4] =	stream.linear.scatter [tilespmem:s30], [sflag:$0x1], $0x4000, $0x38;
	[tilespmem:$0x7200] =	vst v63  }
0x68d: {  	_ = 	snop  }
0x68e: {  	[hbm4b:s15+s4] =	stream.linear.scatter [tilespmem:s30], [sflag:$0x1], $0x4000, $0x38;
	[tilespmem:$0x7200] =	vst v63  }
0x68f: {  	_ = 	snop  }
0x690: {  	[hbm4b:s16+s4] =	stream.linear.scatter [tilespmem:s30], [sflag:$0x1], $0x4000, $0x38;
	[tilespmem:$0x7200] =	vst v63  }
0x691: {  	_ = 	snop  }
0x692: {  	[hbm4b:s17+s4] =	stream.linear.scatter [tilespmem:s30], [sflag:$0x1], $0x4000, $0x38;
	[tilespmem:$0x7200] =	vst v63  }
0x693: {  	_ = 	snop  }
0x694: {  	[hbm4b:s18+s4] =	stream.linear.scatter [tilespmem:s30], [sflag:$0x1], $0x4000, $0x38;
	[tilespmem:$0x7200] =	vst v63  }
0x695: {  	_ = 	snop  }
0x696: {  	[hbm4b:s19+s4] =	stream.linear.scatter [tilespmem:s30], [sflag:$0x1], $0x4000, $0x38;
	[tilespmem:$0x7200] =	vst v63  }
0x697: {  	_ = 	snop  }
0x698: {  	[hbm4b:s20+s4] =	stream.linear.scatter [tilespmem:s30], [sflag:$0x1], $0x4000, $0x38;
	[tilespmem:$0x7200] =	vst v63  }
0x699: {  	_ = 	snop  }
0x69a: {  	[hbm4b:s21+s4] =	stream.linear.scatter [tilespmem:s30], [sflag:$0x1], $0x4000, $0x38;
	[tilespmem:$0x7200] =	vst v63  }
0x69b: {  	_ = 	snop  }
0x69c: {  	[hbm4b:s22+s4] =	stream.linear.scatter [tilespmem:s30], [sflag:$0x1], $0x4000, $0x38;
	[tilespmem:$0x7200] =	vst v63  }
0x69d: {  	_ =	swait.ge [sflag:s31], $0x4000  }
0x69e: {  	[sflag:s31] =	ssyncset.done $0x0  }
0x69f: {  	[sflag:s31] =	ssyncadd.s32 $0xFFFFC000  }
0x6a0: {  	_ =	swait.ge [sflag:s31], $0x4000  }
0x6a1: {  	[sflag:s31] =	ssyncset.done $0x0  }
0x6a2: {  	[sflag:s31] =	ssyncadd.s32 $0xFFFFC000  }
0x6a3: {  	_ =	swait.ge [sflag:s31], $0x4000  }
0x6a4: {  	[sflag:s31] =	ssyncset.done $0x0  }
0x6a5: {  	[sflag:s31] =	ssyncadd.s32 $0xFFFFC000  }
0x6a6: {  	_ =	swait.ge [sflag:s31], $0x4000  }
0x6a7: {  	[sflag:s31] =	ssyncset.done $0x0  }
0x6a8: {  	[sflag:s31] =	ssyncadd.s32 $0xFFFFC000  }
0x6a9: {  	_ =	swait.ge [sflag:s31], $0x4000  }
0x6aa: {  	[sflag:s31] =	ssyncset.done $0x0  }
0x6ab: {  	[sflag:s31] =	ssyncadd.s32 $0xFFFFC000  }
0x6ac: {  	_ =	swait.ge [sflag:s31], $0x4000  }
0x6ad: {  	[sflag:s31] =	ssyncset.done $0x0  }
0x6ae: {  	[sflag:s31] =	ssyncadd.s32 $0xFFFFC000  }
0x6af: {  	_ =	swait.ge [sflag:s31], $0x4000  }
0x6b0: {  	[sflag:s31] =	ssyncset.done $0x0  }
0x6b1: {  	[sflag:s31] =	ssyncadd.s32 $0xFFFFC000  }
0x6b2: {  	_ =	swait.ge [sflag:s31], $0x4000  }
0x6b3: {  	[sflag:s31] =	ssyncset.done $0x0  }
0x6b4: {  	[sflag:s31] =	ssyncadd.s32 $0xFFFFC000  }
0x6b5: {  	_ =	swait.ge [sflag:s31], $0x4000  }
0x6b6: {  	[sflag:s31] =	ssyncset.done $0x0  }
0x6b7: {  	[sflag:s31] =	ssyncadd.s32 $0xFFFFC000  }
0x6b8: {  	_ =	swait.ge [sflag:s31], $0x4000  }
0x6b9: {  	[sflag:s31] =	ssyncset.done $0x0  }
0x6ba: {  	[sflag:s31] =	ssyncadd.s32 $0xFFFFC000  }
0x6bb: {  	_ =	swait.ge [sflag:s31], $0x4000  }
0x6bc: {  	[sflag:s31] =	ssyncset.done $0x0  }
0x6bd: {  	[sflag:s31] =	ssyncadd.s32 $0xFFFFC000  }
0x6be: {  	_ =	swait.ge [sflag:s31], $0x4000  }
0x6bf: {  	[sflag:s31] =	ssyncset.done $0x0  }
0x6c0: {  	[sflag:s31] =	ssyncadd.s32 $0xFFFFC000  }
0x6c1: {  	_ =	swait.ge [sflag:s31], $0x4000  }
0x6c2: {  	[sflag:s31] =	ssyncset.done $0x0  }
0x6c3: {  	[sflag:s31] =	ssyncadd.s32 $0xFFFFC000  }
0x6c4: {  	_ =	swait.ge [sflag:s31], $0x4000  }
0x6c5: {  	[sflag:s31] =	ssyncset.done $0x0  }
0x6c6: {  	[sflag:s31] =	ssyncadd.s32 $0xFFFFC000  }
0x6c7: {  	_ =	swait.ge [sflag:s31], $0x4000  }
.Ltmp62:
0x6c8: {  	[sflag:s31] =	ssyncset.done $0x0;
	(pc) =	sbr.rel @p0 .LBB2_101-.Ltmp62, $4  }
0x6c9: {  	[sflag:s31] =	ssyncadd.s32 $0xFFFFC000  }
0x6ca: {  	_ =	swait.ge [sflag:s31], $0x4000  }
0x6cb: {  	[sflag:s31] =	ssyncset.done $0x0  }
0x6cc: {  	[sflag:s31] =	ssyncadd.s32 $0xFFFFC000  }
0x6cd: {  	s1 =	rddreg [dreg:$0x4];
	s6 =	simm.s32 $0x6A00  }
0x6ce: {  	[tilespmem:s6], [sflag:$0x2] =	stream.linear.gather [hbm4b:s1+s4], $0x800, $0x38;
	[tilespmem:$0x7200] =	vst v63  }
0x6cf: {  	_ =	swait.ge [sflag:s29], $0x800  }
0x6d0: {  	[sflag:s29] =	ssyncset.done $0x0  }
0x6d1: {  	[sflag:s29] =	ssyncadd.s32 $0xFFFFF800  }
0x6d2: {  	v48 =	vld [tilespmem:$0x6A00];
	_ =	sdelay $0x1  }
0x6d3: {  	v49 =	vld [tilespmem:$0x6A10];
	_ =	sdelay $0x1  }
0x6d4: {  	v50 =	vld [tilespmem:$0x6A20]  }
0x6d5: {  	[tilespmem:$0x6800] =	vst v48  }
0x6d6: {  	v63 =	vld [tilespmem:$0x6A30];
	[tilespmem:$0x6900] =	vst v48  }
0x6d7: {  	[tilespmem:$0x6810] =	vst v49  }
0x6d8: {  	v52 =	vld [tilespmem:$0x6A40];
	[tilespmem:$0x6910] =	vst v49  }
0x6d9: {  	[tilespmem:$0x6820] =	vst v50  }
0x6da: {  	v53 =	vld [tilespmem:$0x6A50];
	[tilespmem:$0x6920] =	vst v50  }
0x6db: {  	[tilespmem:$0x6830] =	vst v63  }
0x6dc: {  	v54 =	vld [tilespmem:$0x6A60];
	[tilespmem:$0x6930] =	vst v63  }
0x6dd: {  	[tilespmem:$0x6840] =	vst v52  }
0x6de: {  	v55 =	vld [tilespmem:$0x6A70];
	[tilespmem:$0x6940] =	vst v52  }
0x6df: {  	[tilespmem:$0x6850] =	vst v53  }
0x6e0: {  	v56 =	vld [tilespmem:$0x6A80];
	[tilespmem:$0x6950] =	vst v53  }
0x6e1: {  	[tilespmem:$0x6860] =	vst v54  }
0x6e2: {  	v57 =	vld [tilespmem:$0x6A90];
	[tilespmem:$0x6960] =	vst v54  }
0x6e3: {  	[tilespmem:$0x6870] =	vst v55  }
0x6e4: {  	v58 =	vld [tilespmem:$0x6AA0];
	[tilespmem:$0x6970] =	vst v55  }
0x6e5: {  	[tilespmem:$0x6880] =	vst v56  }
0x6e6: {  	v59 =	vld [tilespmem:$0x6AB0];
	[tilespmem:$0x6980] =	vst v56  }
0x6e7: {  	[tilespmem:$0x6890] =	vst v57  }
0x6e8: {  	v60 =	vld [tilespmem:$0x6AC0];
	[tilespmem:$0x6990] =	vst v57  }
0x6e9: {  	[tilespmem:$0x68A0] =	vst v58  }
0x6ea: {  	v61 =	vld [tilespmem:$0x6AD0];
	[tilespmem:$0x69A0] =	vst v58  }
0x6eb: {  	[tilespmem:$0x68B0] =	vst v59  }
0x6ec: {  	v62 =	vld [tilespmem:$0x6AE0];
	[tilespmem:$0x69B0] =	vst v59  }
0x6ed: {  	[tilespmem:$0x68C0] =	vst v60  }
0x6ee: {  	[tilespmem:$0x69C0] =	vst v60;
	v63 =	vld [tilespmem:$0x6AF0]  }
0x6ef: {  	[tilespmem:$0x68D0] =	vst v61  }
0x6f0: {  	[tilespmem:$0x69D0] =	vst v61  }
0x6f1: {  	[tilespmem:$0x68E0] =	vst v62  }
0x6f2: {  	[tilespmem:$0x69E0] =	vst v62  }
0x6f3: {  	[tilespmem:$0x68F0] =	vst v63  }
0x6f4: {  	[tilespmem:$0x69F0] =	vst v63  }
0x6f5: {  	[hbm4b:s3+s4] =	stream.linear.scatter [tilespmem:s2], [sflag:$0x2], $0x200, $0x38;
	[tilespmem:$0x7200] =	vst v63  }
0x6f6: {  	_ =	swait.ge [sflag:s29], $0x200  }
0x6f7: {  	[sflag:s29] =	ssyncset.done $0x0  }
0x6f8: {  	s24 =	rddreg [dreg:$0x5];
	[sflag:s29] =	ssyncadd.s32 $0xFFFFFE00  }
0x6f9: {  	[hbm4b:s24+s4] =	stream.linear.scatter [tilespmem:s2], [sflag:$0x2], $0x200, $0x38;
	[tilespmem:$0x7200] =	vst v63  }
0x6fa: {  	_ =	swait.ge [sflag:s29], $0x200  }
0x6fb: {  	[sflag:s29] =	ssyncset.done $0x0  }
0x6fc: {  	s26 =	rddreg [dreg:$0x6];
	[sflag:s29] =	ssyncadd.s32 $0xFFFFFE00  }
0x6fd: {  	[hbm4b:s26+s4] =	stream.linear.scatter [tilespmem:s2], [sflag:$0x2], $0x200, $0x38;
	[tilespmem:$0x7200] =	vst v63  }
0x6fe: {  	_ =	swait.ge [sflag:s29], $0x200  }
0x6ff: {  	[sflag:s29] =	ssyncset.done $0x0  }
0x700: {  	s6 =	rddreg [dreg:$0x7];
	[sflag:s29] =	ssyncadd.s32 $0xFFFFFE00  }
0x701: {  	[hbm4b:s6+s4] =	stream.linear.scatter [tilespmem:s2], [sflag:$0x2], $0x200, $0x38;
	[tilespmem:$0x7200] =	vst v63  }
0x702: {  	_ =	swait.ge [sflag:s29], $0x200  }
0x703: {  	[sflag:s29] =	ssyncset.done $0x0  }
0x704: {  	s23 =	rddreg [dreg:$0x8];
	[sflag:s29] =	ssyncadd.s32 $0xFFFFFE00  }
0x705: {  	[hbm4b:s23+s4] =	stream.linear.scatter [tilespmem:s2], [sflag:$0x2], $0x200, $0x38;
	[tilespmem:$0x7200] =	vst v63  }
0x706: {  	_ =	swait.ge [sflag:s29], $0x200  }
0x707: {  	[sflag:s29] =	ssyncset.done $0x0  }
0x708: {  	s24 =	rddreg [dreg:$0x9];
	[sflag:s29] =	ssyncadd.s32 $0xFFFFFE00  }
0x709: {  	[hbm4b:s24+s4] =	stream.linear.scatter [tilespmem:s2], [sflag:$0x2], $0x200, $0x38;
	[tilespmem:$0x7200] =	vst v63  }
0x70a: {  	_ =	swait.ge [sflag:s29], $0x200  }
0x70b: {  	[sflag:s29] =	ssyncset.done $0x0  }
0x70c: {  	s26 =	rddreg [dreg:$0xa];
	[sflag:s29] =	ssyncadd.s32 $0xFFFFFE00  }
0x70d: {  	[hbm4b:s26+s4] =	stream.linear.scatter [tilespmem:s2], [sflag:$0x2], $0x200, $0x38;
	[tilespmem:$0x7200] =	vst v63  }
0x70e: {  	_ =	swait.ge [sflag:s29], $0x200  }
0x70f: {  	[sflag:s29] =	ssyncset.done $0x0  }
0x710: {  	s6 =	rddreg [dreg:$0xb];
	[sflag:s29] =	ssyncadd.s32 $0xFFFFFE00  }
0x711: {  	[hbm4b:s6+s4] =	stream.linear.scatter [tilespmem:s2], [sflag:$0x2], $0x200, $0x38;
	[tilespmem:$0x7200] =	vst v63  }
0x712: {  	_ =	swait.ge [sflag:s29], $0x200  }
0x713: {  	[sflag:s29] =	ssyncset.done $0x0  }
0x714: {  	s23 =	rddreg [dreg:$0xc];
	[sflag:s29] =	ssyncadd.s32 $0xFFFFFE00  }
0x715: {  	[hbm4b:s23+s4] =	stream.linear.scatter [tilespmem:s2], [sflag:$0x2], $0x200, $0x38;
	[tilespmem:$0x7200] =	vst v63  }
0x716: {  	_ =	swait.ge [sflag:s29], $0x200  }
0x717: {  	[sflag:s29] =	ssyncset.done $0x0  }
0x718: {  	s24 =	rddreg [dreg:$0xd];
	[sflag:s29] =	ssyncadd.s32 $0xFFFFFE00  }
0x719: {  	[hbm4b:s24+s4] =	stream.linear.scatter [tilespmem:s2], [sflag:$0x2], $0x200, $0x38;
	[tilespmem:$0x7200] =	vst v63  }
0x71a: {  	_ =	swait.ge [sflag:s29], $0x200  }
0x71b: {  	[sflag:s29] =	ssyncset.done $0x0  }
0x71c: {  	s26 =	rddreg [dreg:$0xe];
	[sflag:s29] =	ssyncadd.s32 $0xFFFFFE00  }
0x71d: {  	[hbm4b:s26+s4] =	stream.linear.scatter [tilespmem:s2], [sflag:$0x2], $0x200, $0x38;
	[tilespmem:$0x7200] =	vst v63  }
0x71e: {  	_ =	swait.ge [sflag:s29], $0x200  }
0x71f: {  	[sflag:s29] =	ssyncset.done $0x0  }
0x720: {  	s6 =	rddreg [dreg:$0xf];
	[sflag:s29] =	ssyncadd.s32 $0xFFFFFE00  }
0x721: {  	[hbm4b:s6+s4] =	stream.linear.scatter [tilespmem:s2], [sflag:$0x2], $0x200, $0x38;
	[tilespmem:$0x7200] =	vst v63  }
0x722: {  	_ =	swait.ge [sflag:s29], $0x200  }
0x723: {  	[sflag:s29] =	ssyncset.done $0x0  }
0x724: {  	s23 =	rddreg [dreg:$0x10];
	[sflag:s29] =	ssyncadd.s32 $0xFFFFFE00  }
0x725: {  	[hbm4b:s23+s4] =	stream.linear.scatter [tilespmem:s2], [sflag:$0x2], $0x200, $0x38;
	[tilespmem:$0x7200] =	vst v63  }
0x726: {  	_ =	swait.ge [sflag:s29], $0x200  }
0x727: {  	[sflag:s29] =	ssyncset.done $0x0  }
0x728: {  	s24 =	rddreg [dreg:$0x11];
	[sflag:s29] =	ssyncadd.s32 $0xFFFFFE00  }
0x729: {  	[hbm4b:s24+s4] =	stream.linear.scatter [tilespmem:s2], [sflag:$0x2], $0x200, $0x38;
	[tilespmem:$0x7200] =	vst v63  }
0x72a: {  	_ =	swait.ge [sflag:s29], $0x200  }
0x72b: {  	[sflag:s29] =	ssyncset.done $0x0  }
0x72c: {  	s26 =	rddreg [dreg:$0x12];
	[sflag:s29] =	ssyncadd.s32 $0xFFFFFE00  }
0x72d: {  	[hbm4b:s26+s4] =	stream.linear.scatter [tilespmem:s2], [sflag:$0x2], $0x200, $0x38;
	[tilespmem:$0x7200] =	vst v63  }
0x72e: {  	_ =	swait.ge [sflag:s29], $0x200  }
0x72f: {  	[sflag:s29] =	ssyncset.done $0x0  }
.Ltmp63:
0x730: {  	[sflag:s29] =	ssyncadd.s32 $0xFFFFFE00;
	(pc) =	sbr.rel .LBB2_101-.Ltmp63, $4  }
0x731: {  	[hbm4b:s28+s4] =	stream.linear.scatter [tilespmem:s2], [sflag:$0x2], $0x200, $0x38;
	[tilespmem:$0x7200] =	vst v63  }
0x732: {  	_ =	swait.ge [sflag:s29], $0x200  }
0x733: {  	[sflag:s29] =	ssyncset.done $0x0  }
0x734: {  	[sflag:s29] =	ssyncadd.s32 $0xFFFFFE00  }
.LBB2_14:
.Ltmp64:
0x735: {  	(pc) =	sbr.rel .LBB2_20-.Ltmp64, $2  }
0x736: {  	_ =	sdelay $0x2  }
0x737: {  	s1 =	simm.s32 $0x3410;
	p3 =	por $0x0, $0x0  }
.LBB2_27:
.Ltmp65:
0x738: {  	(pc) =	sbr.rel .LBB2_33-.Ltmp65, $2  }
0x739: {  	_ =	sdelay $0x2  }
0x73a: {  	s1 =	simm.s32 $0x3C10;
	p3 =	por $0x0, $0x0  }
.LBB2_40:
.Ltmp66:
0x73b: {  	(pc) =	sbr.rel .LBB2_46-.Ltmp66, $2  }
0x73c: {  	_ =	sdelay $0x2  }
0x73d: {  	s1 =	simm.s32 $0x4410;
	p3 =	por $0x0, $0x0  }
.LBB2_53:
.Ltmp67:
0x73e: {  	(pc) =	sbr.rel .LBB2_59-.Ltmp67, $2  }
0x73f: {  	_ =	sdelay $0x2  }
0x740: {  	s1 =	simm.s32 $0x4C10;
	p3 =	por $0x0, $0x0  }
.LBB2_66:
.Ltmp68:
0x741: {  	(pc) =	sbr.rel .LBB2_72-.Ltmp68, $2  }
0x742: {  	_ =	sdelay $0x2  }
0x743: {  	s1 =	simm.s32 $0x5410;
	p3 =	por $0x0, $0x0  }
.LBB2_79:
.Ltmp69:
0x744: {  	(pc) =	sbr.rel .LBB2_85-.Ltmp69, $2  }
0x745: {  	_ =	sdelay $0x2  }
0x746: {  	s1 =	simm.s32 $0x5C10;
	p3 =	por $0x0, $0x0  }
.LBB2_92:
.Ltmp70:
0x747: {  	(pc) =	sbr.rel .LBB2_98-.Ltmp70, $2  }
0x748: {  	_ =	sdelay $0x2  }
0x749: {  	s1 =	simm.s32 $0x6410;
	p3 =	por $0x0, $0x0  }
.LBB2_9:
.Ltmp71:
0x74a: {  	(pc) =	sbr.rel .LBB2_13-.Ltmp71, $2  }
0x74b: {  	_ =	sdelay $0x2  }
0x74c: {  	s24 =	simm.s32 $0x3010;
	p5 =	por $0x0, $0x0  }
.LBB2_16:
.Ltmp72:
0x74d: {  	(pc) =	sbr.rel .LBB2_20-.Ltmp72, $2  }
0x74e: {  	_ =	sdelay $0x2  }
0x74f: {  	s1 =	simm.s32 $0x3410  }
.LBB2_22:
.Ltmp73:
0x750: {  	(pc) =	sbr.rel .LBB2_26-.Ltmp73, $2  }
0x751: {  	_ =	sdelay $0x2  }
0x752: {  	s23 =	simm.s32 $0x3810;
	p5 =	por $0x0, $0x0  }
.LBB2_29:
.Ltmp74:
0x753: {  	(pc) =	sbr.rel .LBB2_33-.Ltmp74, $2  }
0x754: {  	_ =	sdelay $0x2  }
0x755: {  	s1 =	simm.s32 $0x3C10  }
.LBB2_35:
.Ltmp75:
0x756: {  	(pc) =	sbr.rel .LBB2_39-.Ltmp75, $2  }
0x757: {  	_ =	sdelay $0x2  }
0x758: {  	s23 =	simm.s32 $0x4010;
	p5 =	por $0x0, $0x0  }
.LBB2_42:
.Ltmp76:
0x759: {  	(pc) =	sbr.rel .LBB2_46-.Ltmp76, $2  }
0x75a: {  	_ =	sdelay $0x2  }
0x75b: {  	s1 =	simm.s32 $0x4410  }
.LBB2_48:
.Ltmp77:
0x75c: {  	(pc) =	sbr.rel .LBB2_52-.Ltmp77, $2  }
0x75d: {  	_ =	sdelay $0x2  }
0x75e: {  	s23 =	simm.s32 $0x4810;
	p5 =	por $0x0, $0x0  }
.LBB2_55:
.Ltmp78:
0x75f: {  	(pc) =	sbr.rel .LBB2_59-.Ltmp78, $2  }
0x760: {  	_ =	sdelay $0x2  }
0x761: {  	s1 =	simm.s32 $0x4C10  }
.LBB2_61:
.Ltmp79:
0x762: {  	(pc) =	sbr.rel .LBB2_65-.Ltmp79, $2  }
0x763: {  	_ =	sdelay $0x2  }
0x764: {  	s23 =	simm.s32 $0x5010;
	p5 =	por $0x0, $0x0  }
.LBB2_68:
.Ltmp80:
0x765: {  	(pc) =	sbr.rel .LBB2_72-.Ltmp80, $2  }
0x766: {  	_ =	sdelay $0x2  }
0x767: {  	s1 =	simm.s32 $0x5410  }
.LBB2_74:
.Ltmp81:
0x768: {  	(pc) =	sbr.rel .LBB2_78-.Ltmp81, $2  }
0x769: {  	_ =	sdelay $0x2  }
0x76a: {  	s23 =	simm.s32 $0x5810;
	p5 =	por $0x0, $0x0  }
.LBB2_81:
.Ltmp82:
0x76b: {  	(pc) =	sbr.rel .LBB2_85-.Ltmp82, $2  }
0x76c: {  	_ =	sdelay $0x2  }
0x76d: {  	s1 =	simm.s32 $0x5C10  }
.LBB2_87:
.Ltmp83:
0x76e: {  	(pc) =	sbr.rel .LBB2_91-.Ltmp83, $2  }
0x76f: {  	_ =	sdelay $0x2  }
0x770: {  	s23 =	simm.s32 $0x6010;
	p5 =	por $0x0, $0x0  }
.LBB2_94:
.Ltmp84:
0x771: {  	(pc) =	sbr.rel .LBB2_98-.Ltmp84, $2  }
0x772: {  	_ =	sdelay $0x2  }
0x773: {  	s1 =	simm.s32 $0x6410  }
.LBB2_11:
.Ltmp85:
0x774: {  	(pc) =	sbr.rel .LBB2_13-.Ltmp85, $2  }
0x775: {  	_ =	sdelay $0x2  }
0x776: {  	s24 =	simm.s32 $0x3010  }
.LBB2_18:
.Ltmp86:
0x777: {  	(pc) =	sbr.rel .LBB2_20-.Ltmp86, $2  }
0x778: {  	_ =	sdelay $0x2  }
0x779: {  	s1 =	simm.s32 $0x3410  }
.LBB2_24:
.Ltmp87:
0x77a: {  	(pc) =	sbr.rel .LBB2_26-.Ltmp87, $2  }
0x77b: {  	_ =	sdelay $0x2  }
0x77c: {  	s23 =	simm.s32 $0x3810  }
.LBB2_31:
.Ltmp88:
0x77d: {  	(pc) =	sbr.rel .LBB2_33-.Ltmp88, $2  }
0x77e: {  	_ =	sdelay $0x2  }
0x77f: {  	s1 =	simm.s32 $0x3C10  }
.LBB2_37:
.Ltmp89:
0x780: {  	(pc) =	sbr.rel .LBB2_39-.Ltmp89, $2  }
0x781: {  	_ =	sdelay $0x2  }
0x782: {  	s23 =	simm.s32 $0x4010  }
.LBB2_44:
.Ltmp90:
0x783: {  	(pc) =	sbr.rel .LBB2_46-.Ltmp90, $2  }
0x784: {  	_ =	sdelay $0x2  }
0x785: {  	s1 =	simm.s32 $0x4410  }
.LBB2_50:
.Ltmp91:
0x786: {  	(pc) =	sbr.rel .LBB2_52-.Ltmp91, $2  }
0x787: {  	_ =	sdelay $0x2  }
0x788: {  	s23 =	simm.s32 $0x4810  }
.LBB2_57:
.Ltmp92:
0x789: {  	(pc) =	sbr.rel .LBB2_59-.Ltmp92, $2  }
0x78a: {  	_ =	sdelay $0x2  }
0x78b: {  	s1 =	simm.s32 $0x4C10  }
.LBB2_63:
.Ltmp93:
0x78c: {  	(pc) =	sbr.rel .LBB2_65-.Ltmp93, $2  }
0x78d: {  	_ =	sdelay $0x2  }
0x78e: {  	s23 =	simm.s32 $0x5010  }
.LBB2_70:
.Ltmp94:
0x78f: {  	(pc) =	sbr.rel .LBB2_72-.Ltmp94, $2  }
0x790: {  	_ =	sdelay $0x2  }
0x791: {  	s1 =	simm.s32 $0x5410  }
.LBB2_76:
.Ltmp95:
0x792: {  	(pc) =	sbr.rel .LBB2_78-.Ltmp95, $2  }
0x793: {  	_ =	sdelay $0x2  }
0x794: {  	s23 =	simm.s32 $0x5810  }
.LBB2_83:
.Ltmp96:
0x795: {  	(pc) =	sbr.rel .LBB2_85-.Ltmp96, $2  }
0x796: {  	_ =	sdelay $0x2  }
0x797: {  	s1 =	simm.s32 $0x5C10  }
.LBB2_89:
.Ltmp97:
0x798: {  	(pc) =	sbr.rel .LBB2_91-.Ltmp97, $2  }
0x799: {  	_ =	sdelay $0x2  }
0x79a: {  	s23 =	simm.s32 $0x6010  }
.LBB2_96:
.Ltmp98:
0x79b: {  	(pc) =	sbr.rel .LBB2_98-.Ltmp98, $2  }
0x79c: {  	_ =	sdelay $0x2  }
0x79d: {  	s1 =	simm.s32 $0x6410  }
.LBB2_102:
0x79e: {  	_ =	sfence.sel $0x180000  }
0x79f: {  	[bflag:$0x0] =	sbarrier.arrive $0xFFFF  }
0x7a0: {  	_ =	strace $0x90000047  }
0x7a1: {  	s0 =	stileid.u32;
	[bflag:$0x2] =	sbarrier.arrive $0xFFFF  }
0x7a2: {  	p0 =	sne.s32 s0, $0x0;
	s0 =	rddreg [dreg:$0x3]  }
0x7a3: {  	s0 =	sadd.s32 @!p0 $0x100000, s0  }
0x7a4: {  	[sflag:s0] =	ssyncadd.tile.s32 @!p0 $0x1;
	_ =	shalt  }
.Lfunc_end2:
_tile_overlayer_lowered:
.L_overlay_start_2:
0x7a5: {  	(tag) =	ssettag $0x2  }
0x7a6: {  	s0 =	rddreg [dreg:$0x0];
	s2 =	stileid.u32  }
0x7a7: {  	s1 =	rddreg [dreg:$0x1];
	p0 =	sne.s32 s2, $0x0  }
0x7a8: {  	s3 =	rddreg [dreg:$0x2];
	[bflag:$0x3] =	sbarrier.arrive $0xFFFF;
	s2 =	simm.s32 @!p0 $0x1C02  }
0x7a9: {  	[timem:s3], [sflag:s2] =	dma.local @!p0 [hbm:s0], s1  }
0x7aa: {  	s0 =	simm.s32 @!p0 $0x2  }
0x7ab: {  	_ =	swait.ge @!p0 [sflag:s0], s1  }
0x7ac: {  	s1 =	ssub.s32 @!p0 $0x0, s1;
	[sflag:s0] =	ssyncset.done @!p0 $0x0  }
0x7ad: {  	[sflag:s0] =	ssyncadd.s32 @!p0 s1  }
0x7ae: {  	[bflag:$0x3] =	sbarrier.arrive $0xFFFF  }
0x7af: {  	_ =	shalt  }

</sc_bundles>
